<compile_context>
chip_gen: v7x
topology: tpu7x:2x2x1
jax: 0.10.2.dev20260603
libtpu: 0.0.44.dev20260713+nightly
codegen_flags: <defaults>
</compile_context>

<pallas_src>
import functools

import jax
import jax.numpy as jnp
from jax import lax
from jax.experimental import pallas as pl
from jax.experimental.pallas import tpu as pltpu
from jax.experimental.pallas import tpu_sc as plsc

B = 128
N = 4096
TOPK = 32
IOU_CUTOFF = 0.5
EPS = 1e-6
ALPHA = 0.25
GAMMA = 2.0
TIE = 2.0 ** -28
NEG = -3.0

NC = 2
NS = 16
L = 16
NW = NC * NS
RPW = B // NW
CHUNKS = N // L
NG = 16
GC = CHUNKS // NG


def _focal_terms(l, t):
    q = jnp.exp(-jnp.abs(l))
    ce = jnp.maximum(l, 0.0) - l * t + jnp.log1p(q)
    r = 1.0 / (1.0 + q)
    p = jnp.where(l >= 0.0, r, q * r)
    p_t = p * t + (1.0 - p) * (1.0 - t)
    alpha_t = ALPHA * t + (1.0 - ALPHA) * (1.0 - t)
    return alpha_t * ce * (1.0 - p_t) ** 2


def _bfmax(v):
    lane = lax.broadcasted_iota(jnp.int32, (L,), 0)
    for k in (1, 2, 4, 8):
        v = jnp.maximum(v, jnp.take(v, lane ^ k))
    return v


def _sc_body(s_hbm, e_hbm, g0_hbm, g1_hbm, out_m, out_l1,
             s_v, e_v, g0_v, g1_v, key_v, gm_v, mask_v, l1_v):
    wid = lax.axis_index("s") * NC + lax.axis_index("c")
    lane = lax.broadcasted_iota(jnp.int32, (L,), 0)
    r0 = wid * RPW

    pltpu.sync_copy(s_hbm.at[pl.ds(r0 * N, RPW * N)], s_v)
    pltpu.sync_copy(e_hbm.at[pl.ds(r0 * N, RPW * N)], e_v)
    pltpu.sync_copy(g0_hbm.at[pl.ds(r0 * L, RPW * L)], g0_v)
    pltpu.sync_copy(g1_hbm.at[pl.ds(r0 * L, RPW * L)], g1_v)
    g0s = [g0_v[pl.ds(r * L, L)] for r in range(RPW)]
    g1s = [g1_v[pl.ds(r * L, L)] for r in range(RPW)]

    neg = jnp.full((L,), NEG)

    def grp(g, _):
        def chunk(k, accs):
            i = g * GC + k
            colf = (lane + i * L).astype(jnp.float32) * TIE
            new = []
            for r in range(RPW):
                off = r * N + i * L
                s = s_v[pl.ds(off, L)]
                e = e_v[pl.ds(off, L)]
                inter = jnp.maximum(
                    jnp.minimum(e, g1s[r]) - jnp.maximum(s, g0s[r]), 0.0)
                union = (e - s) + (g1s[r] - g0s[r]) - inter
                enclose = jnp.maximum(e, g1s[r]) - jnp.minimum(s, g0s[r])
                giou = (inter / (union + EPS)
                        - (enclose - union) / (enclose + EPS))
                key = giou - colf
                key_v[pl.ds(off, L)] = key
                new.append(jnp.maximum(accs[r], key))
            return tuple(new)

        accs = lax.fori_loop(0, GC, chunk, (neg,) * RPW)
        for r in range(RPW):
            gm_v[pl.ds((r * NG + g) * L, L)] = accs[r]
        return _

    lax.fori_loop(0, NG, grp, 0)

    def ext(step, m32s):
        out = []
        for r in range(RPW):
            base = r * NG * L
            gl = [gm_v[pl.ds(base + g * L, L)] for g in range(NG)]
            mall = gl[0]
            for g in range(1, NG):
                mall = jnp.maximum(mall, gl[g])
            m = _bfmax(mall)
            accv = jnp.full((L,), -1.0)
            for g in range(NG):
                accv = jnp.where(gl[g] == m, jnp.float32(g), accv)
            gs = _bfmax(accv)[0].astype(jnp.int32)
            nacc = neg
            rb = r * N + gs * (GC * L)
            for k in range(GC):
                v = key_v[pl.ds(rb + k * L, L)]
                nacc = jnp.maximum(nacc, jnp.where(v >= m, NEG, v))
            gm_v[pl.ds(base + gs * L, L)] = nacc
            out.append(m)
        return tuple(out)

    m32s = lax.fori_loop(0, TOPK, ext, (jnp.full((L,), 999.0),) * RPW)

    def mk(i, accs):
        new = []
        for r in range(RPW):
            off = r * N + i * L
            kv = key_v[pl.ds(off, L)]
            mv = jnp.where(kv >= m32s[r], 1.0, 0.0)
            mask_v[pl.ds(off, L)] = mv
            s = s_v[pl.ds(off, L)]
            e = e_v[pl.ds(off, L)]
            l1 = jnp.abs(s - g0s[r]) + jnp.abs(e - g1s[r])
            new.append(accs[r] + mv * l1)
        return tuple(new)

    l1accs = lax.fori_loop(0, CHUNKS, mk, (jnp.zeros((L,)),) * RPW)
    for r in range(RPW):
        l1_v[pl.ds(r * L, L)] = l1accs[r]
    pltpu.sync_copy(mask_v, out_m.at[pl.ds(r0 * N, RPW * N)])
    pltpu.sync_copy(l1_v, out_l1.at[pl.ds(r0 * L, RPW * L)])


def _sc_topk(s, e, g0rep, g1rep):
    mesh = plsc.VectorSubcoreMesh(core_axis_name="c", subcore_axis_name="s")
    f = pl.kernel(
        _sc_body,
        mesh=mesh,
        out_type=[
            jax.ShapeDtypeStruct((B * N,), jnp.float32),
            jax.ShapeDtypeStruct((B * L,), jnp.float32),
        ],
        scratch_types=[
            pltpu.VMEM((RPW * N,), jnp.float32),
            pltpu.VMEM((RPW * N,), jnp.float32),
            pltpu.VMEM((RPW * L,), jnp.float32),
            pltpu.VMEM((RPW * L,), jnp.float32),
            pltpu.VMEM((RPW * N,), jnp.float32),
            pltpu.VMEM((RPW * NG * L,), jnp.float32),
            pltpu.VMEM((RPW * N,), jnp.float32),
            pltpu.VMEM((RPW * L,), jnp.float32),
        ],
    )
    return f(s.reshape(-1), e.reshape(-1),
             g0rep.reshape(-1), g1rep.reshape(-1))


def _b1_body(s_ref, e_ref, sc_ref, gt_ref, base_ref, delta_ref):
    s = s_ref[:, :]
    e = e_ref[:, :]
    g0 = gt_ref[:, 0:1]
    g1 = gt_ref[:, 1:2]

    inter = jnp.clip(jnp.minimum(e, g1) - jnp.maximum(s, g0), 0.0)
    union = (e - s) + (g1 - g0) - inter
    enclose = jnp.maximum(e, g1) - jnp.minimum(s, g0)
    giou = inter / (union + EPS) - (enclose - union) / (enclose + EPS)

    t = jnp.where(giou < IOU_CUTOFF, 0.0, giou)
    l = sc_ref[:, :]
    ft = _focal_terms(l, t)
    base_ref[0, 0] = jnp.sum(ft)
    delta_ref[:, :] = _focal_terms(l, 1.0) - ft


def _b2_body(m_ref, d_ref, l1_ref, base_ref, out_ref):
    corr = jnp.sum(m_ref[:, :] * d_ref[:, :])
    l1_sum = jnp.sum(l1_ref[:, :])
    out_ref[0, 0] = ((base_ref[0, 0] + corr) / (B * N)
                     + l1_sum / (B * TOPK * 2))


def kernel(proposal, score, gt):
    s = proposal[:, :, 0]
    e = proposal[:, :, 1]
    g0rep = jnp.broadcast_to(gt[:, 0:1], (B, L))
    g1rep = jnp.broadcast_to(gt[:, 1:2], (B, L))

    base, delta = pl.pallas_call(
        _b1_body,
        out_shape=[
            jax.ShapeDtypeStruct((1, 1), jnp.float32),
            jax.ShapeDtypeStruct((B, N), jnp.float32),
        ],
        out_specs=[
            pl.BlockSpec(memory_space=pltpu.SMEM),
            pl.BlockSpec(memory_space=pltpu.VMEM),
        ],
    )(s, e, score, gt)

    mask, l1rows = _sc_topk(s, e, g0rep, g1rep)

    out = pl.pallas_call(
        _b2_body,
        out_shape=jax.ShapeDtypeStruct((1, 1), jnp.float32),
        out_specs=pl.BlockSpec(memory_space=pltpu.SMEM),
    )(mask.reshape(B, N), delta, l1rows.reshape(B, L), base)
    return out[0, 0]

# --- scband reference (transcript-rebuilt; emitter-appended) ---
"""Pipeline reference for scband-multi-scale-temporal-detr-19069654794254 (READ-ONLY COPY).

The authoritative reference and input builder live on the scoring server;
editing this copy changes nothing except your own understanding.
"""

import jax, jax.numpy as jnp
import numpy as np

TOPK = 32
IOU_CUTOFF = 0.5
W_IOU = 1.0
W_L1 = 1.0


def setup_inputs(seed: int = 0) -> dict:
    key = jax.random.key(seed)
    k1, k2, k3 = jax.random.split(key, 3)
    # proposals in [0,1], sorted so start < end (valid temporal segments)
    proposal = jnp.sort(jax.random.uniform(k1, (128, 4096, 2), dtype=jnp.float32), axis=-1)
    score = jax.random.normal(k2, (128, 4096), dtype=jnp.float32)
    gt = jnp.sort(jax.random.uniform(k3, (128, 2), dtype=jnp.float32), axis=-1)
    return {"proposal": proposal, "score": score, "gt": gt}


def _giou_1d(a, b, eps=1e-6):
    # a, b: [N, 2] temporal segments (start, end); generalized IoU
    inter = jnp.clip(jnp.minimum(a[:, 1], b[:, 1]) - jnp.maximum(a[:, 0], b[:, 0]), 0.0)
    la = a[:, 1] - a[:, 0]
    lb = b[:, 1] - b[:, 0]
    union = la + lb - inter
    enclose = jnp.maximum(a[:, 1], b[:, 1]) - jnp.minimum(a[:, 0], b[:, 0])
    iou = inter / (union + eps)
    giou = iou - (enclose - union) / (enclose + eps)
    return giou


def _sigmoid_focal_loss(logits, targets, alpha=0.25, gamma=2.0):
    # torchvision-style sigmoid focal loss, reduction='mean'
    ce = jnp.maximum(logits, 0) - logits * targets + jnp.log1p(jnp.exp(-jnp.abs(logits)))
    p = jax.nn.sigmoid(logits)
    p_t = p * targets + (1.0 - p) * (1.0 - targets)
    loss = ce * (1.0 - p_t) ** gamma
    alpha_t = alpha * targets + (1.0 - alpha) * (1.0 - targets)
    return jnp.mean(alpha_t * loss)


def reference(proposal, score, gt):
    # compute_boudary_loss: the topk-masking core of MultiScaleTemporalDetr
    B, Nc, _ = proposal.shape
    gt_rep = jnp.broadcast_to(gt[:, None, :], (B, Nc, 2)).reshape(B * Nc, 2)
    iou_gt = _giou_1d(proposal.reshape(B * Nc, 2), gt_rep).reshape(B, Nc)
    # top-k selection per batch row (the masking indices)
    _, topk_idx = jax.lax.top_k(iou_gt, TOPK)
    topk_flat = topk_idx.reshape(-1)
    batch_flat = jnp.repeat(jnp.arange(B), TOPK)
    # cutoff masking, then force top-k positions to 1.0
    iou_m = jnp.where(iou_gt < IOU_CUTOFF, 0.0, iou_gt)
    iou_m = iou_m.at[batch_flat, topk_flat].set(1.0)
    val_iou_loss = _sigmoid_focal_loss(score.reshape(-1), iou_m.reshape(-1))
    topk_proposal = proposal[batch_flat, topk_flat].reshape(B, TOPK, 2)
    val_l1_loss = jnp.mean(jnp.abs(topk_proposal - gt[:, None, :]))
    loss = val_iou_loss * W_IOU + val_l1_loss * W_L1
    return loss

if __name__ == "__main__":
    import jax
    _d = setup_inputs()
    print(jax.jit(kernel)(*tuple(_d.values())))

</pallas_src>

<mosaic_0001>
#map = affine_map<(d0, d1) -> (0)>
module attributes {stable_mosaic.version = 14 : i64} {
  func.func @_sc_body(%arg0: i32, %arg1: i32, %arg2: memref<524288xf32, #tpu.memory_space<hbm>>, %arg3: memref<524288xf32, #tpu.memory_space<hbm>>, %arg4: memref<2048xf32, #tpu.memory_space<hbm>>, %arg5: memref<2048xf32, #tpu.memory_space<hbm>>, %arg6: memref<524288xf32, #tpu.memory_space<hbm>>, %arg7: memref<2048xf32, #tpu.memory_space<hbm>>, %arg8: memref<16384xf32, #tpu.memory_space<vmem>>, %arg9: memref<16384xf32, #tpu.memory_space<vmem>>, %arg10: memref<64xf32, #tpu.memory_space<vmem>>, %arg11: memref<64xf32, #tpu.memory_space<vmem>>, %arg12: memref<16384xf32, #tpu.memory_space<vmem>>, %arg13: memref<1024xf32, #tpu.memory_space<vmem>>, %arg14: memref<16384xf32, #tpu.memory_space<vmem>>, %arg15: memref<64xf32, #tpu.memory_space<vmem>>) attributes {dimension_semantics = [#tpu.dimension_semantics<core_parallel>, #tpu.dimension_semantics<subcore_parallel>], iteration_bounds = array<i64: 2, 16>, scalar_prefetch = 0 : i64, scratch_operands = 8 : i64, tpu.core_type = #tpu.core_type<sc_vector_subcore>, window_params = [{transform_indices = #map}, {transform_indices = #map}, {transform_indices = #map}, {transform_indices = #map}, {transform_indices = #map}, {transform_indices = #map}]} {
    %mul3A = arith.constant 2 : i32
    %mul3A_0 = arith.muli %arg1, %mul3A : i32
    %add3A = arith.addi %mul3A_0, %arg0 : i32
    %iota3A = tpu.iota {dimensions = array<i32: 0>} : vector<16xi32>
    %mul3A_1 = arith.constant 4 : i32
    %mul3A_2 = arith.muli %add3A, %mul3A_1 : i32
    %mul3A_3 = arith.constant 4096 : i32
    %mul3A_4 = arith.muli %mul3A_2, %mul3A_3 : i32
    "tpu.region"() ({
      %run_scoped3A = tpu.sem_alloc : memref<!tpu.dma_semaphore, #tpu.memory_space<semaphore_mem>>
      %dma_start3A = tpu.memref_slice %arg2[%mul3A_4] : memref<524288xf32, #tpu.memory_space<hbm>> -> memref<16384xf32, #tpu.memory_space<hbm>>
      %dma_start3A_75 = tpu.memref_slice %arg2[%mul3A_4] : memref<524288xf32, #tpu.memory_space<hbm>> -> memref<16384xf32, #tpu.memory_space<hbm>>
      tpu.enqueue_dma source(%dma_start3A_75 : memref<16384xf32, #tpu.memory_space<hbm>>) target(%arg8 : memref<16384xf32, #tpu.memory_space<vmem>>) target_semaphore(%run_scoped3A : memref<!tpu.dma_semaphore, #tpu.memory_space<semaphore_mem>>)
      %dma_wait3A = tpu.memref_slice %arg2[%mul3A_4] : memref<524288xf32, #tpu.memory_space<hbm>> -> memref<16384xf32, #tpu.memory_space<hbm>>
      %dma_wait3A_76 = tpu.memref_slice %arg2[%mul3A_4] : memref<524288xf32, #tpu.memory_space<hbm>> -> memref<16384xf32, #tpu.memory_space<hbm>>
      tpu.wait_dma2 semaphore(%run_scoped3A : memref<!tpu.dma_semaphore, #tpu.memory_space<semaphore_mem>>) src(%dma_wait3A_76 : memref<16384xf32, #tpu.memory_space<hbm>>) dst(%arg8 : memref<16384xf32, #tpu.memory_space<vmem>>)
      tpu.yield
    }) : () -> ()
    %mul3A_5 = arith.constant 4096 : i32
    %mul3A_6 = arith.muli %mul3A_2, %mul3A_5 : i32
    "tpu.region"() ({
      %run_scoped3A = tpu.sem_alloc : memref<!tpu.dma_semaphore, #tpu.memory_space<semaphore_mem>>
      %dma_start3A = tpu.memref_slice %arg3[%mul3A_6] : memref<524288xf32, #tpu.memory_space<hbm>> -> memref<16384xf32, #tpu.memory_space<hbm>>
      %dma_start3A_75 = tpu.memref_slice %arg3[%mul3A_6] : memref<524288xf32, #tpu.memory_space<hbm>> -> memref<16384xf32, #tpu.memory_space<hbm>>
      tpu.enqueue_dma source(%dma_start3A_75 : memref<16384xf32, #tpu.memory_space<hbm>>) target(%arg9 : memref<16384xf32, #tpu.memory_space<vmem>>) target_semaphore(%run_scoped3A : memref<!tpu.dma_semaphore, #tpu.memory_space<semaphore_mem>>)
      %dma_wait3A = tpu.memref_slice %arg3[%mul3A_6] : memref<524288xf32, #tpu.memory_space<hbm>> -> memref<16384xf32, #tpu.memory_space<hbm>>
      %dma_wait3A_76 = tpu.memref_slice %arg3[%mul3A_6] : memref<524288xf32, #tpu.memory_space<hbm>> -> memref<16384xf32, #tpu.memory_space<hbm>>
      tpu.wait_dma2 semaphore(%run_scoped3A : memref<!tpu.dma_semaphore, #tpu.memory_space<semaphore_mem>>) src(%dma_wait3A_76 : memref<16384xf32, #tpu.memory_space<hbm>>) dst(%arg9 : memref<16384xf32, #tpu.memory_space<vmem>>)
      tpu.yield
    }) : () -> ()
    %mul3A_7 = arith.constant 16 : i32
    %mul3A_8 = arith.muli %mul3A_2, %mul3A_7 : i32
    "tpu.region"() ({
      %run_scoped3A = tpu.sem_alloc : memref<!tpu.dma_semaphore, #tpu.memory_space<semaphore_mem>>
      %dma_start3A = tpu.memref_slice %arg4[%mul3A_8] : memref<2048xf32, #tpu.memory_space<hbm>> -> memref<64xf32, #tpu.memory_space<hbm>>
      %dma_start3A_75 = tpu.memref_slice %arg4[%mul3A_8] : memref<2048xf32, #tpu.memory_space<hbm>> -> memref<64xf32, #tpu.memory_space<hbm>>
      tpu.enqueue_dma source(%dma_start3A_75 : memref<64xf32, #tpu.memory_space<hbm>>) target(%arg10 : memref<64xf32, #tpu.memory_space<vmem>>) target_semaphore(%run_scoped3A : memref<!tpu.dma_semaphore, #tpu.memory_space<semaphore_mem>>)
      %dma_wait3A = tpu.memref_slice %arg4[%mul3A_8] : memref<2048xf32, #tpu.memory_space<hbm>> -> memref<64xf32, #tpu.memory_space<hbm>>
      %dma_wait3A_76 = tpu.memref_slice %arg4[%mul3A_8] : memref<2048xf32, #tpu.memory_space<hbm>> -> memref<64xf32, #tpu.memory_space<hbm>>
      tpu.wait_dma2 semaphore(%run_scoped3A : memref<!tpu.dma_semaphore, #tpu.memory_space<semaphore_mem>>) src(%dma_wait3A_76 : memref<64xf32, #tpu.memory_space<hbm>>) dst(%arg10 : memref<64xf32, #tpu.memory_space<vmem>>)
      tpu.yield
    }) : () -> ()
    %mul3A_9 = arith.constant 16 : i32
    %mul3A_10 = arith.muli %mul3A_2, %mul3A_9 : i32
    "tpu.region"() ({
      %run_scoped3A = tpu.sem_alloc : memref<!tpu.dma_semaphore, #tpu.memory_space<semaphore_mem>>
      %dma_start3A = tpu.memref_slice %arg5[%mul3A_10] : memref<2048xf32, #tpu.memory_space<hbm>> -> memref<64xf32, #tpu.memory_space<hbm>>
      %dma_start3A_75 = tpu.memref_slice %arg5[%mul3A_10] : memref<2048xf32, #tpu.memory_space<hbm>> -> memref<64xf32, #tpu.memory_space<hbm>>
      tpu.enqueue_dma source(%dma_start3A_75 : memref<64xf32, #tpu.memory_space<hbm>>) target(%arg11 : memref<64xf32, #tpu.memory_space<vmem>>) target_semaphore(%run_scoped3A : memref<!tpu.dma_semaphore, #tpu.memory_space<semaphore_mem>>)
      %dma_wait3A = tpu.memref_slice %arg5[%mul3A_10] : memref<2048xf32, #tpu.memory_space<hbm>> -> memref<64xf32, #tpu.memory_space<hbm>>
      %dma_wait3A_76 = tpu.memref_slice %arg5[%mul3A_10] : memref<2048xf32, #tpu.memory_space<hbm>> -> memref<64xf32, #tpu.memory_space<hbm>>
      tpu.wait_dma2 semaphore(%run_scoped3A : memref<!tpu.dma_semaphore, #tpu.memory_space<semaphore_mem>>) src(%dma_wait3A_76 : memref<64xf32, #tpu.memory_space<hbm>>) dst(%arg11 : memref<64xf32, #tpu.memory_space<vmem>>)
      tpu.yield
    }) : () -> ()
    %get3A = arith.constant 0 : index
    %get3A_11 = tpu.vector_load %arg10[%get3A] {strides = array<i32>} : memref<64xf32, #tpu.memory_space<vmem>>, vector<16xf32>,
    %get3A_12 = vector.shape_cast %get3A_11 : vector<16xf32> to vector<16xf32>
    %get3A_13 = arith.constant 16 : index
    %get3A_14 = tpu.vector_load %arg10[%get3A_13] {strides = array<i32>} : memref<64xf32, #tpu.memory_space<vmem>>, vector<16xf32>,
    %get3A_15 = vector.shape_cast %get3A_14 : vector<16xf32> to vector<16xf32>
    %get3A_16 = arith.constant 32 : index
    %get3A_17 = tpu.vector_load %arg10[%get3A_16] {strides = array<i32>} : memref<64xf32, #tpu.memory_space<vmem>>, vector<16xf32>,
    %get3A_18 = vector.shape_cast %get3A_17 : vector<16xf32> to vector<16xf32>
    %get3A_19 = arith.constant 48 : index
    %get3A_20 = tpu.vector_load %arg10[%get3A_19] {strides = array<i32>} : memref<64xf32, #tpu.memory_space<vmem>>, vector<16xf32>,
    %get3A_21 = vector.shape_cast %get3A_20 : vector<16xf32> to vector<16xf32>
    %get3A_22 = arith.constant 0 : index
    %get3A_23 = tpu.vector_load %arg11[%get3A_22] {strides = array<i32>} : memref<64xf32, #tpu.memory_space<vmem>>, vector<16xf32>,
    %get3A_24 = vector.shape_cast %get3A_23 : vector<16xf32> to vector<16xf32>
    %get3A_25 = arith.constant 16 : index
    %get3A_26 = tpu.vector_load %arg11[%get3A_25] {strides = array<i32>} : memref<64xf32, #tpu.memory_space<vmem>>, vector<16xf32>,
    %get3A_27 = vector.shape_cast %get3A_26 : vector<16xf32> to vector<16xf32>
    %get3A_28 = arith.constant 32 : index
    %get3A_29 = tpu.vector_load %arg11[%get3A_28] {strides = array<i32>} : memref<64xf32, #tpu.memory_space<vmem>>, vector<16xf32>,
    %get3A_30 = vector.shape_cast %get3A_29 : vector<16xf32> to vector<16xf32>
    %get3A_31 = arith.constant 48 : index
    %get3A_32 = tpu.vector_load %arg11[%get3A_31] {strides = array<i32>} : memref<64xf32, #tpu.memory_space<vmem>>, vector<16xf32>,
    %get3A_33 = vector.shape_cast %get3A_32 : vector<16xf32> to vector<16xf32>
    %broadcast_in_dim3A = arith.constant -3.000000e+00 : f32
    %broadcast_in_dim3A_34 = vector.broadcast %broadcast_in_dim3A : f32 to vector<16xf32>
    %scan3A = arith.constant 0 : i32
    %scan3A_35 = arith.constant 0 : i32
    %scan3A_36 = arith.constant 16 : i32
    %scan3A_37 = arith.addi %scan3A_35, %scan3A_36 : i32
    %scan3A_38 = arith.constant 1 : i32
    scf.for %scan3A_75 = %scan3A_35 to %scan3A_37 step %scan3A_38  : i32 {
      %scan3A_76 = arith.constant 0 : i32
      %scan3A_77 = arith.constant 16 : i32
      %scan3A_78 = arith.addi %scan3A_76, %scan3A_77 : i32
      %scan3A_79 = arith.constant 1 : i32
      %scan3A_80:4 = scf.for %scan3A_114 = %scan3A_76 to %scan3A_78 step %scan3A_79 iter_args(%scan3A_115 = %broadcast_in_dim3A_34, %scan3A_116 = %broadcast_in_dim3A_34, %scan3A_117 = %broadcast_in_dim3A_34, %scan3A_118 = %broadcast_in_dim3A_34) -> (vector<16xf32>, vector<16xf32>, vector<16xf32>, vector<16xf32>)  : i32 {
        %mul3A_119 = arith.constant 16 : i32
        %mul3A_120 = arith.muli %scan3A_75, %mul3A_119 : i32
        %add3A_121 = arith.addi %mul3A_120, %scan3A_114 : i32
        %mul3A_122 = arith.constant 16 : i32
        %mul3A_123 = arith.muli %add3A_121, %mul3A_122 : i32
        %add3A_124 = vector.broadcast %mul3A_123 : i32 to vector<16xi32>
        %add3A_125 = arith.addi %iota3A, %add3A_124 : vector<16xi32>
        %convert_element_type3A = arith.sitofp %add3A_125 : vector<16xi32> to vector<16xf32>
        %mul3A_126 = arith.constant 3.7252903E-9 : f32
        %mul3A_127 = vector.broadcast %mul3A_126 : f32 to vector<16xf32>
        %mul3A_128 = arith.mulf %convert_element_type3A, %mul3A_127 : vector<16xf32>
        %mul3A_129 = arith.constant 16 : i32
        %mul3A_130 = arith.muli %add3A_121, %mul3A_129 : i32
        %add3A_131 = arith.constant 0 : i32
        %add3A_132 = arith.addi %add3A_131, %mul3A_130 : i32
        %get3A_133 = arith.index_cast %add3A_132 : i32 to index
        %get3A_134 = tpu.vector_load %arg8[%get3A_133] {strides = array<i32>} : memref<16384xf32, #tpu.memory_space<vmem>>, vector<16xf32>,
        %get3A_135 = vector.shape_cast %get3A_134 : vector<16xf32> to vector<16xf32>
        %get3A_136 = arith.index_cast %add3A_132 : i32 to index
        %get3A_137 = tpu.vector_load %arg9[%get3A_136] {strides = array<i32>} : memref<16384xf32, #tpu.memory_space<vmem>>, vector<16xf32>,
        %get3A_138 = vector.shape_cast %get3A_137 : vector<16xf32> to vector<16xf32>
        %min3A = arith.minimumf %get3A_138, %get3A_24 : vector<16xf32>
        %max3A = arith.maximumf %get3A_135, %get3A_12 : vector<16xf32>
        %sub3A = arith.subf %min3A, %max3A : vector<16xf32>
        %max3A_139 = arith.constant 0.000000e+00 : f32
        %max3A_140 = vector.broadcast %max3A_139 : f32 to vector<16xf32>
        %max3A_141 = arith.maximumf %sub3A, %max3A_140 : vector<16xf32>
        %sub3A_142 = arith.subf %get3A_138, %get3A_135 : vector<16xf32>
        %sub3A_143 = arith.subf %get3A_24, %get3A_12 : vector<16xf32>
        %add3A_144 = arith.addf %sub3A_142, %sub3A_143 : vector<16xf32>
        %sub3A_145 = arith.subf %add3A_144, %max3A_141 : vector<16xf32>
        %max3A_146 = arith.maximumf %get3A_138, %get3A_24 : vector<16xf32>
        %min3A_147 = arith.minimumf %get3A_135, %get3A_12 : vector<16xf32>
        %sub3A_148 = arith.subf %max3A_146, %min3A_147 : vector<16xf32>
        %add3A_149 = arith.constant 9.99999997E-7 : f32
        %add3A_150 = vector.broadcast %add3A_149 : f32 to vector<16xf32>
        %add3A_151 = arith.addf %sub3A_145, %add3A_150 : vector<16xf32>
        %div3A = arith.divf %max3A_141, %add3A_151 : vector<16xf32>
        %sub3A_152 = arith.subf %sub3A_148, %sub3A_145 : vector<16xf32>
        %add3A_153 = arith.constant 9.99999997E-7 : f32
        %add3A_154 = vector.broadcast %add3A_153 : f32 to vector<16xf32>
        %add3A_155 = arith.addf %sub3A_148, %add3A_154 : vector<16xf32>
        %div3A_156 = arith.divf %sub3A_152, %add3A_155 : vector<16xf32>
        %sub3A_157 = arith.subf %div3A, %div3A_156 : vector<16xf32>
        %sub3A_158 = arith.subf %sub3A_157, %mul3A_128 : vector<16xf32>
        %swap3A_159 = arith.index_cast %add3A_132 : i32 to index
        %swap3A_160 = tpu.vector_load %arg12[%swap3A_159] {strides = array<i32>} : memref<16384xf32, #tpu.memory_space<vmem>>, vector<16xf32>,
        %swap3A_161 = vector.shape_cast %swap3A_160 : vector<16xf32> to vector<16xf32>
        %swap3A_162 = vector.shape_cast %sub3A_158 : vector<16xf32> to vector<16xf32>
        tpu.vector_store %arg12[%swap3A_159], %swap3A_162 {strides = array<i32>} : memref<16384xf32, #tpu.memory_space<vmem>>, vector<16xf32>,
        %max3A_163 = arith.maximumf %scan3A_115, %sub3A_158 : vector<16xf32>
        %mul3A_164 = arith.constant 16 : i32
        %mul3A_165 = arith.muli %add3A_121, %mul3A_164 : i32
        %add3A_166 = arith.constant 4096 : i32
        %add3A_167 = arith.addi %add3A_166, %mul3A_165 : i32
        %get3A_168 = arith.index_cast %add3A_167 : i32 to index
        %get3A_169 = tpu.vector_load %arg8[%get3A_168] {strides = array<i32>} : memref<16384xf32, #tpu.memory_space<vmem>>, vector<16xf32>,
        %get3A_170 = vector.shape_cast %get3A_169 : vector<16xf32> to vector<16xf32>
        %get3A_171 = arith.index_cast %add3A_167 : i32 to index
        %get3A_172 = tpu.vector_load %arg9[%get3A_171] {strides = array<i32>} : memref<16384xf32, #tpu.memory_space<vmem>>, vector<16xf32>,
        %get3A_173 = vector.shape_cast %get3A_172 : vector<16xf32> to vector<16xf32>
        %min3A_174 = arith.minimumf %get3A_173, %get3A_27 : vector<16xf32>
        %max3A_175 = arith.maximumf %get3A_170, %get3A_15 : vector<16xf32>
        %sub3A_176 = arith.subf %min3A_174, %max3A_175 : vector<16xf32>
        %max3A_177 = arith.constant 0.000000e+00 : f32
        %max3A_178 = vector.broadcast %max3A_177 : f32 to vector<16xf32>
        %max3A_179 = arith.maximumf %sub3A_176, %max3A_178 : vector<16xf32>
        %sub3A_180 = arith.subf %get3A_173, %get3A_170 : vector<16xf32>
        %sub3A_181 = arith.subf %get3A_27, %get3A_15 : vector<16xf32>
        %add3A_182 = arith.addf %sub3A_180, %sub3A_181 : vector<16xf32>
        %sub3A_183 = arith.subf %add3A_182, %max3A_179 : vector<16xf32>
        %max3A_184 = arith.maximumf %get3A_173, %get3A_27 : vector<16xf32>
        %min3A_185 = arith.minimumf %get3A_170, %get3A_15 : vector<16xf32>
        %sub3A_186 = arith.subf %max3A_184, %min3A_185 : vector<16xf32>
        %add3A_187 = arith.constant 9.99999997E-7 : f32
        %add3A_188 = vector.broadcast %add3A_187 : f32 to vector<16xf32>
        %add3A_189 = arith.addf %sub3A_183, %add3A_188 : vector<16xf32>
        %div3A_190 = arith.divf %max3A_179, %add3A_189 : vector<16xf32>
        %sub3A_191 = arith.subf %sub3A_186, %sub3A_183 : vector<16xf32>
        %add3A_192 = arith.constant 9.99999997E-7 : f32
        %add3A_193 = vector.broadcast %add3A_192 : f32 to vector<16xf32>
        %add3A_194 = arith.addf %sub3A_186, %add3A_193 : vector<16xf32>
        %div3A_195 = arith.divf %sub3A_191, %add3A_194 : vector<16xf32>
        %sub3A_196 = arith.subf %div3A_190, %div3A_195 : vector<16xf32>
        %sub3A_197 = arith.subf %sub3A_196, %mul3A_128 : vector<16xf32>
        %swap3A_198 = arith.index_cast %add3A_167 : i32 to index
        %swap3A_199 = tpu.vector_load %arg12[%swap3A_198] {strides = array<i32>} : memref<16384xf32, #tpu.memory_space<vmem>>, vector<16xf32>,
        %swap3A_200 = vector.shape_cast %swap3A_199 : vector<16xf32> to vector<16xf32>
        %swap3A_201 = vector.shape_cast %sub3A_197 : vector<16xf32> to vector<16xf32>
        tpu.vector_store %arg12[%swap3A_198], %swap3A_201 {strides = array<i32>} : memref<16384xf32, #tpu.memory_space<vmem>>, vector<16xf32>,
        %max3A_202 = arith.maximumf %scan3A_116, %sub3A_197 : vector<16xf32>
        %mul3A_203 = arith.constant 16 : i32
        %mul3A_204 = arith.muli %add3A_121, %mul3A_203 : i32
        %add3A_205 = arith.constant 8192 : i32
        %add3A_206 = arith.addi %add3A_205, %mul3A_204 : i32
        %get3A_207 = arith.index_cast %add3A_206 : i32 to index
        %get3A_208 = tpu.vector_load %arg8[%get3A_207] {strides = array<i32>} : memref<16384xf32, #tpu.memory_space<vmem>>, vector<16xf32>,
        %get3A_209 = vector.shape_cast %get3A_208 : vector<16xf32> to vector<16xf32>
        %get3A_210 = arith.index_cast %add3A_206 : i32 to index
        %get3A_211 = tpu.vector_load %arg9[%get3A_210] {strides = array<i32>} : memref<16384xf32, #tpu.memory_space<vmem>>, vector<16xf32>,
        %get3A_212 = vector.shape_cast %get3A_211 : vector<16xf32> to vector<16xf32>
        %min3A_213 = arith.minimumf %get3A_212, %get3A_30 : vector<16xf32>
        %max3A_214 = arith.maximumf %get3A_209, %get3A_18 : vector<16xf32>
        %sub3A_215 = arith.subf %min3A_213, %max3A_214 : vector<16xf32>
        %max3A_216 = arith.constant 0.000000e+00 : f32
        %max3A_217 = vector.broadcast %max3A_216 : f32 to vector<16xf32>
        %max3A_218 = arith.maximumf %sub3A_215, %max3A_217 : vector<16xf32>
        %sub3A_219 = arith.subf %get3A_212, %get3A_209 : vector<16xf32>
        %sub3A_220 = arith.subf %get3A_30, %get3A_18 : vector<16xf32>
        %add3A_221 = arith.addf %sub3A_219, %sub3A_220 : vector<16xf32>
        %sub3A_222 = arith.subf %add3A_221, %max3A_218 : vector<16xf32>
        %max3A_223 = arith.maximumf %get3A_212, %get3A_30 : vector<16xf32>
        %min3A_224 = arith.minimumf %get3A_209, %get3A_18 : vector<16xf32>
        %sub3A_225 = arith.subf %max3A_223, %min3A_224 : vector<16xf32>
        %add3A_226 = arith.constant 9.99999997E-7 : f32
        %add3A_227 = vector.broadcast %add3A_226 : f32 to vector<16xf32>
        %add3A_228 = arith.addf %sub3A_222, %add3A_227 : vector<16xf32>
        %div3A_229 = arith.divf %max3A_218, %add3A_228 : vector<16xf32>
        %sub3A_230 = arith.subf %sub3A_225, %sub3A_222 : vector<16xf32>
        %add3A_231 = arith.constant 9.99999997E-7 : f32
        %add3A_232 = vector.broadcast %add3A_231 : f32 to vector<16xf32>
        %add3A_233 = arith.addf %sub3A_225, %add3A_232 : vector<16xf32>
        %div3A_234 = arith.divf %sub3A_230, %add3A_233 : vector<16xf32>
        %sub3A_235 = arith.subf %div3A_229, %div3A_234 : vector<16xf32>
        %sub3A_236 = arith.subf %sub3A_235, %mul3A_128 : vector<16xf32>
        %swap3A_237 = arith.index_cast %add3A_206 : i32 to index
        %swap3A_238 = tpu.vector_load %arg12[%swap3A_237] {strides = array<i32>} : memref<16384xf32, #tpu.memory_space<vmem>>, vector<16xf32>,
        %swap3A_239 = vector.shape_cast %swap3A_238 : vector<16xf32> to vector<16xf32>
        %swap3A_240 = vector.shape_cast %sub3A_236 : vector<16xf32> to vector<16xf32>
        tpu.vector_store %arg12[%swap3A_237], %swap3A_240 {strides = array<i32>} : memref<16384xf32, #tpu.memory_space<vmem>>, vector<16xf32>,
        %max3A_241 = arith.maximumf %scan3A_117, %sub3A_236 : vector<16xf32>
        %mul3A_242 = arith.constant 16 : i32
        %mul3A_243 = arith.muli %add3A_121, %mul3A_242 : i32
        %add3A_244 = arith.constant 12288 : i32
        %add3A_245 = arith.addi %add3A_244, %mul3A_243 : i32
        %get3A_246 = arith.index_cast %add3A_245 : i32 to index
        %get3A_247 = tpu.vector_load %arg8[%get3A_246] {strides = array<i32>} : memref<16384xf32, #tpu.memory_space<vmem>>, vector<16xf32>,
        %get3A_248 = vector.shape_cast %get3A_247 : vector<16xf32> to vector<16xf32>
        %get3A_249 = arith.index_cast %add3A_245 : i32 to index
        %get3A_250 = tpu.vector_load %arg9[%get3A_249] {strides = array<i32>} : memref<16384xf32, #tpu.memory_space<vmem>>, vector<16xf32>,
        %get3A_251 = vector.shape_cast %get3A_250 : vector<16xf32> to vector<16xf32>
        %min3A_252 = arith.minimumf %get3A_251, %get3A_33 : vector<16xf32>
        %max3A_253 = arith.maximumf %get3A_248, %get3A_21 : vector<16xf32>
        %sub3A_254 = arith.subf %min3A_252, %max3A_253 : vector<16xf32>
        %max3A_255 = arith.constant 0.000000e+00 : f32
        %max3A_256 = vector.broadcast %max3A_255 : f32 to vector<16xf32>
        %max3A_257 = arith.maximumf %sub3A_254, %max3A_256 : vector<16xf32>
        %sub3A_258 = arith.subf %get3A_251, %get3A_248 : vector<16xf32>
        %sub3A_259 = arith.subf %get3A_33, %get3A_21 : vector<16xf32>
        %add3A_260 = arith.addf %sub3A_258, %sub3A_259 : vector<16xf32>
        %sub3A_261 = arith.subf %add3A_260, %max3A_257 : vector<16xf32>
        %max3A_262 = arith.maximumf %get3A_251, %get3A_33 : vector<16xf32>
        %min3A_263 = arith.minimumf %get3A_248, %get3A_21 : vector<16xf32>
        %sub3A_264 = arith.subf %max3A_262, %min3A_263 : vector<16xf32>
        %add3A_265 = arith.constant 9.99999997E-7 : f32
        %add3A_266 = vector.broadcast %add3A_265 : f32 to vector<16xf32>
        %add3A_267 = arith.addf %sub3A_261, %add3A_266 : vector<16xf32>
        %div3A_268 = arith.divf %max3A_257, %add3A_267 : vector<16xf32>
        %sub3A_269 = arith.subf %sub3A_264, %sub3A_261 : vector<16xf32>
        %add3A_270 = arith.constant 9.99999997E-7 : f32
        %add3A_271 = vector.broadcast %add3A_270 : f32 to vector<16xf32>
        %add3A_272 = arith.addf %sub3A_264, %add3A_271 : vector<16xf32>
        %div3A_273 = arith.divf %sub3A_269, %add3A_272 : vector<16xf32>
        %sub3A_274 = arith.subf %div3A_268, %div3A_273 : vector<16xf32>
        %sub3A_275 = arith.subf %sub3A_274, %mul3A_128 : vector<16xf32>
        %swap3A_276 = arith.index_cast %add3A_245 : i32 to index
        %swap3A_277 = tpu.vector_load %arg12[%swap3A_276] {strides = array<i32>} : memref<16384xf32, #tpu.memory_space<vmem>>, vector<16xf32>,
        %swap3A_278 = vector.shape_cast %swap3A_277 : vector<16xf32> to vector<16xf32>
        %swap3A_279 = vector.shape_cast %sub3A_275 : vector<16xf32> to vector<16xf32>
        tpu.vector_store %arg12[%swap3A_276], %swap3A_279 {strides = array<i32>} : memref<16384xf32, #tpu.memory_space<vmem>>, vector<16xf32>,
        %max3A_280 = arith.maximumf %scan3A_118, %sub3A_275 : vector<16xf32>
        scf.yield %max3A_163, %max3A_202, %max3A_241, %max3A_280 : vector<16xf32>, vector<16xf32>, vector<16xf32>, vector<16xf32>
      }
      %scan3A_81 = arith.constant 16 : i32
      %add3A_82 = arith.constant 0 : i32
      %add3A_83 = arith.addi %add3A_82, %scan3A_75 : i32
      %mul3A_84 = arith.constant 16 : i32
      %mul3A_85 = arith.muli %add3A_83, %mul3A_84 : i32
      %swap3A_86 = arith.index_cast %mul3A_85 : i32 to index
      %swap3A_87 = tpu.vector_load %arg13[%swap3A_86] {strides = array<i32>} : memref<1024xf32, #tpu.memory_space<vmem>>, vector<16xf32>,
      %swap3A_88 = vector.shape_cast %swap3A_87 : vector<16xf32> to vector<16xf32>
      %swap3A_89 = vector.shape_cast %scan3A_80#0 : vector<16xf32> to vector<16xf32>
      tpu.vector_store %arg13[%swap3A_86], %swap3A_89 {strides = array<i32>} : memref<1024xf32, #tpu.memory_space<vmem>>, vector<16xf32>,
      %add3A_90 = arith.constant 16 : i32
      %add3A_91 = arith.addi %add3A_90, %scan3A_75 : i32
      %mul3A_92 = arith.constant 16 : i32
      %mul3A_93 = arith.muli %add3A_91, %mul3A_92 : i32
      %swap3A_94 = arith.index_cast %mul3A_93 : i32 to index
      %swap3A_95 = tpu.vector_load %arg13[%swap3A_94] {strides = array<i32>} : memref<1024xf32, #tpu.memory_space<vmem>>, vector<16xf32>,
      %swap3A_96 = vector.shape_cast %swap3A_95 : vector<16xf32> to vector<16xf32>
      %swap3A_97 = vector.shape_cast %scan3A_80#1 : vector<16xf32> to vector<16xf32>
      tpu.vector_store %arg13[%swap3A_94], %swap3A_97 {strides = array<i32>} : memref<1024xf32, #tpu.memory_space<vmem>>, vector<16xf32>,
      %add3A_98 = arith.constant 32 : i32
      %add3A_99 = arith.addi %add3A_98, %scan3A_75 : i32
      %mul3A_100 = arith.constant 16 : i32
      %mul3A_101 = arith.muli %add3A_99, %mul3A_100 : i32
      %swap3A_102 = arith.index_cast %mul3A_101 : i32 to index
      %swap3A_103 = tpu.vector_load %arg13[%swap3A_102] {strides = array<i32>} : memref<1024xf32, #tpu.memory_space<vmem>>, vector<16xf32>,
      %swap3A_104 = vector.shape_cast %swap3A_103 : vector<16xf32> to vector<16xf32>
      %swap3A_105 = vector.shape_cast %scan3A_80#2 : vector<16xf32> to vector<16xf32>
      tpu.vector_store %arg13[%swap3A_102], %swap3A_105 {strides = array<i32>} : memref<1024xf32, #tpu.memory_space<vmem>>, vector<16xf32>,
      %add3A_106 = arith.constant 48 : i32
      %add3A_107 = arith.addi %add3A_106, %scan3A_75 : i32
      %mul3A_108 = arith.constant 16 : i32
      %mul3A_109 = arith.muli %add3A_107, %mul3A_108 : i32
      %swap3A_110 = arith.index_cast %mul3A_109 : i32 to index
      %swap3A_111 = tpu.vector_load %arg13[%swap3A_110] {strides = array<i32>} : memref<1024xf32, #tpu.memory_space<vmem>>, vector<16xf32>,
      %swap3A_112 = vector.shape_cast %swap3A_111 : vector<16xf32> to vector<16xf32>
      %swap3A_113 = vector.shape_cast %scan3A_80#3 : vector<16xf32> to vector<16xf32>
      tpu.vector_store %arg13[%swap3A_110], %swap3A_113 {strides = array<i32>} : memref<1024xf32, #tpu.memory_space<vmem>>, vector<16xf32>,
    }
    %scan3A_39 = arith.constant 16 : i32
    %broadcast_in_dim3A_40 = arith.constant 9.990000e+02 : f32
    %broadcast_in_dim3A_41 = vector.broadcast %broadcast_in_dim3A_40 : f32 to vector<16xf32>
    %scan3A_42 = arith.constant 0 : i32
    %scan3A_43 = arith.constant 32 : i32
    %scan3A_44 = arith.addi %scan3A_42, %scan3A_43 : i32
    %scan3A_45 = arith.constant 1 : i32
    %scan3A_46:4 = scf.for %scan3A_75 = %scan3A_42 to %scan3A_44 step %scan3A_45 iter_args(%scan3A_76 = %broadcast_in_dim3A_41, %scan3A_77 = %broadcast_in_dim3A_41, %scan3A_78 = %broadcast_in_dim3A_41, %scan3A_79 = %broadcast_in_dim3A_41) -> (vector<16xf32>, vector<16xf32>, vector<16xf32>, vector<16xf32>)  : i32 {
      %get3A_80 = arith.constant 0 : index
      %get3A_81 = tpu.vector_load %arg13[%get3A_80] {strides = array<i32>} : memref<1024xf32, #tpu.memory_space<vmem>>, vector<16xf32>,
      %get3A_82 = vector.shape_cast %get3A_81 : vector<16xf32> to vector<16xf32>
      %get3A_83 = arith.constant 16 : index
      %get3A_84 = tpu.vector_load %arg13[%get3A_83] {strides = array<i32>} : memref<1024xf32, #tpu.memory_space<vmem>>, vector<16xf32>,
      %get3A_85 = vector.shape_cast %get3A_84 : vector<16xf32> to vector<16xf32>
      %get3A_86 = arith.constant 32 : index
      %get3A_87 = tpu.vector_load %arg13[%get3A_86] {strides = array<i32>} : memref<1024xf32, #tpu.memory_space<vmem>>, vector<16xf32>,
      %get3A_88 = vector.shape_cast %get3A_87 : vector<16xf32> to vector<16xf32>
      %get3A_89 = arith.constant 48 : index
      %get3A_90 = tpu.vector_load %arg13[%get3A_89] {strides = array<i32>} : memref<1024xf32, #tpu.memory_space<vmem>>, vector<16xf32>,
      %get3A_91 = vector.shape_cast %get3A_90 : vector<16xf32> to vector<16xf32>
      %get3A_92 = arith.constant 64 : index
      %get3A_93 = tpu.vector_load %arg13[%get3A_92] {strides = array<i32>} : memref<1024xf32, #tpu.memory_space<vmem>>, vector<16xf32>,
      %get3A_94 = vector.shape_cast %get3A_93 : vector<16xf32> to vector<16xf32>
      %get3A_95 = arith.constant 80 : index
      %get3A_96 = tpu.vector_load %arg13[%get3A_95] {strides = array<i32>} : memref<1024xf32, #tpu.memory_space<vmem>>, vector<16xf32>,
      %get3A_97 = vector.shape_cast %get3A_96 : vector<16xf32> to vector<16xf32>
      %get3A_98 = arith.constant 96 : index
      %get3A_99 = tpu.vector_load %arg13[%get3A_98] {strides = array<i32>} : memref<1024xf32, #tpu.memory_space<vmem>>, vector<16xf32>,
      %get3A_100 = vector.shape_cast %get3A_99 : vector<16xf32> to vector<16xf32>
      %get3A_101 = arith.constant 112 : index
      %get3A_102 = tpu.vector_load %arg13[%get3A_101] {strides = array<i32>} : memref<1024xf32, #tpu.memory_space<vmem>>, vector<16xf32>,
      %get3A_103 = vector.shape_cast %get3A_102 : vector<16xf32> to vector<16xf32>
      %get3A_104 = arith.constant 128 : index
      %get3A_105 = tpu.vector_load %arg13[%get3A_104] {strides = array<i32>} : memref<1024xf32, #tpu.memory_space<vmem>>, vector<16xf32>,
      %get3A_106 = vector.shape_cast %get3A_105 : vector<16xf32> to vector<16xf32>
      %get3A_107 = arith.constant 144 : index
      %get3A_108 = tpu.vector_load %arg13[%get3A_107] {strides = array<i32>} : memref<1024xf32, #tpu.memory_space<vmem>>, vector<16xf32>,
      %get3A_109 = vector.shape_cast %get3A_108 : vector<16xf32> to vector<16xf32>
      %get3A_110 = arith.constant 160 : index
      %get3A_111 = tpu.vector_load %arg13[%get3A_110] {strides = array<i32>} : memref<1024xf32, #tpu.memory_space<vmem>>, vector<16xf32>,
      %get3A_112 = vector.shape_cast %get3A_111 : vector<16xf32> to vector<16xf32>
      %get3A_113 = arith.constant 176 : index
      %get3A_114 = tpu.vector_load %arg13[%get3A_113] {strides = array<i32>} : memref<1024xf32, #tpu.memory_space<vmem>>, vector<16xf32>,
      %get3A_115 = vector.shape_cast %get3A_114 : vector<16xf32> to vector<16xf32>
      %get3A_116 = arith.constant 192 : index
      %get3A_117 = tpu.vector_load %arg13[%get3A_116] {strides = array<i32>} : memref<1024xf32, #tpu.memory_space<vmem>>, vector<16xf32>,
      %get3A_118 = vector.shape_cast %get3A_117 : vector<16xf32> to vector<16xf32>
      %get3A_119 = arith.constant 208 : index
      %get3A_120 = tpu.vector_load %arg13[%get3A_119] {strides = array<i32>} : memref<1024xf32, #tpu.memory_space<vmem>>, vector<16xf32>,
      %get3A_121 = vector.shape_cast %get3A_120 : vector<16xf32> to vector<16xf32>
      %get3A_122 = arith.constant 224 : index
      %get3A_123 = tpu.vector_load %arg13[%get3A_122] {strides = array<i32>} : memref<1024xf32, #tpu.memory_space<vmem>>, vector<16xf32>,
      %get3A_124 = vector.shape_cast %get3A_123 : vector<16xf32> to vector<16xf32>
      %get3A_125 = arith.constant 240 : index
      %get3A_126 = tpu.vector_load %arg13[%get3A_125] {strides = array<i32>} : memref<1024xf32, #tpu.memory_space<vmem>>, vector<16xf32>,
      %get3A_127 = vector.shape_cast %get3A_126 : vector<16xf32> to vector<16xf32>
      %max3A = arith.maximumf %get3A_82, %get3A_85 : vector<16xf32>
      %max3A_128 = arith.maximumf %max3A, %get3A_88 : vector<16xf32>
      %max3A_129 = arith.maximumf %max3A_128, %get3A_91 : vector<16xf32>
      %max3A_130 = arith.maximumf %max3A_129, %get3A_94 : vector<16xf32>
      %max3A_131 = arith.maximumf %max3A_130, %get3A_97 : vector<16xf32>
      %max3A_132 = arith.maximumf %max3A_131, %get3A_100 : vector<16xf32>
      %max3A_133 = arith.maximumf %max3A_132, %get3A_103 : vector<16xf32>
      %max3A_134 = arith.maximumf %max3A_133, %get3A_106 : vector<16xf32>
      %max3A_135 = arith.maximumf %max3A_134, %get3A_109 : vector<16xf32>
      %max3A_136 = arith.maximumf %max3A_135, %get3A_112 : vector<16xf32>
      %max3A_137 = arith.maximumf %max3A_136, %get3A_115 : vector<16xf32>
      %max3A_138 = arith.maximumf %max3A_137, %get3A_118 : vector<16xf32>
      %max3A_139 = arith.maximumf %max3A_138, %get3A_121 : vector<16xf32>
      %max3A_140 = arith.maximumf %max3A_139, %get3A_124 : vector<16xf32>
      %max3A_141 = arith.maximumf %max3A_140, %get3A_127 : vector<16xf32>
      %iota3A_142 = tpu.iota {dimensions = array<i32: 0>} : vector<16xi32>
      %xor3A = arith.constant 1 : i32
      %xor3A_143 = vector.broadcast %xor3A : i32 to vector<16xi32>
      %xor3A_144 = arith.xori %iota3A_142, %xor3A_143 : vector<16xi32>
      %lt3A = arith.constant 0 : i32
      %lt3A_145 = vector.broadcast %lt3A : i32 to vector<16xi32>
      %lt3A_146 = arith.cmpi slt, %xor3A_144, %lt3A_145 : vector<16xi32>
      %add3A_147 = arith.constant 16 : i32
      %add3A_148 = vector.broadcast %add3A_147 : i32 to vector<16xi32>
      %add3A_149 = arith.addi %xor3A_144, %add3A_148 : vector<16xi32>
      %select_n3A = arith.select %lt3A_146, %add3A_149, %xor3A_144 : vector<16xi1>, vector<16xi32>
      %broadcast_in_dim3A_150 = vector.shape_cast %select_n3A : vector<16xi32> to vector<16x1xi32>
      %gather3A = vector.shape_cast %broadcast_in_dim3A_150 : vector<16x1xi32> to vector<16xi32>
      %gather3A_151 = tpu.dynamic_gather %max3A_141[%gather3A] in [0] : vector<16xf32>, vector<16xi32> -> vector<16xf32>
      %max3A_152 = arith.maximumf %max3A_141, %gather3A_151 : vector<16xf32>
      %xor3A_153 = arith.constant 2 : i32
      %xor3A_154 = vector.broadcast %xor3A_153 : i32 to vector<16xi32>
      %xor3A_155 = arith.xori %iota3A_142, %xor3A_154 : vector<16xi32>
      %lt3A_156 = arith.constant 0 : i32
      %lt3A_157 = vector.broadcast %lt3A_156 : i32 to vector<16xi32>
      %lt3A_158 = arith.cmpi slt, %xor3A_155, %lt3A_157 : vector<16xi32>
      %add3A_159 = arith.constant 16 : i32
      %add3A_160 = vector.broadcast %add3A_159 : i32 to vector<16xi32>
      %add3A_161 = arith.addi %xor3A_155, %add3A_160 : vector<16xi32>
      %select_n3A_162 = arith.select %lt3A_158, %add3A_161, %xor3A_155 : vector<16xi1>, vector<16xi32>
      %broadcast_in_dim3A_163 = vector.shape_cast %select_n3A_162 : vector<16xi32> to vector<16x1xi32>
      %gather3A_164 = vector.shape_cast %broadcast_in_dim3A_163 : vector<16x1xi32> to vector<16xi32>
      %gather3A_165 = tpu.dynamic_gather %max3A_152[%gather3A_164] in [0] : vector<16xf32>, vector<16xi32> -> vector<16xf32>
      %max3A_166 = arith.maximumf %max3A_152, %gather3A_165 : vector<16xf32>
      %xor3A_167 = arith.constant 4 : i32
      %xor3A_168 = vector.broadcast %xor3A_167 : i32 to vector<16xi32>
      %xor3A_169 = arith.xori %iota3A_142, %xor3A_168 : vector<16xi32>
      %lt3A_170 = arith.constant 0 : i32
      %lt3A_171 = vector.broadcast %lt3A_170 : i32 to vector<16xi32>
      %lt3A_172 = arith.cmpi slt, %xor3A_169, %lt3A_171 : vector<16xi32>
      %add3A_173 = arith.constant 16 : i32
      %add3A_174 = vector.broadcast %add3A_173 : i32 to vector<16xi32>
      %add3A_175 = arith.addi %xor3A_169, %add3A_174 : vector<16xi32>
      %select_n3A_176 = arith.select %lt3A_172, %add3A_175, %xor3A_169 : vector<16xi1>, vector<16xi32>
      %broadcast_in_dim3A_177 = vector.shape_cast %select_n3A_176 : vector<16xi32> to vector<16x1xi32>
      %gather3A_178 = vector.shape_cast %broadcast_in_dim3A_177 : vector<16x1xi32> to vector<16xi32>
      %gather3A_179 = tpu.dynamic_gather %max3A_166[%gather3A_178] in [0] : vector<16xf32>, vector<16xi32> -> vector<16xf32>
      %max3A_180 = arith.maximumf %max3A_166, %gather3A_179 : vector<16xf32>
      %xor3A_181 = arith.constant 8 : i32
      %xor3A_182 = vector.broadcast %xor3A_181 : i32 to vector<16xi32>
      %xor3A_183 = arith.xori %iota3A_142, %xor3A_182 : vector<16xi32>
      %lt3A_184 = arith.constant 0 : i32
      %lt3A_185 = vector.broadcast %lt3A_184 : i32 to vector<16xi32>
      %lt3A_186 = arith.cmpi slt, %xor3A_183, %lt3A_185 : vector<16xi32>
      %add3A_187 = arith.constant 16 : i32
      %add3A_188 = vector.broadcast %add3A_187 : i32 to vector<16xi32>
      %add3A_189 = arith.addi %xor3A_183, %add3A_188 : vector<16xi32>
      %select_n3A_190 = arith.select %lt3A_186, %add3A_189, %xor3A_183 : vector<16xi1>, vector<16xi32>
      %broadcast_in_dim3A_191 = vector.shape_cast %select_n3A_190 : vector<16xi32> to vector<16x1xi32>
      %gather3A_192 = vector.shape_cast %broadcast_in_dim3A_191 : vector<16x1xi32> to vector<16xi32>
      %gather3A_193 = tpu.dynamic_gather %max3A_180[%gather3A_192] in [0] : vector<16xf32>, vector<16xi32> -> vector<16xf32>
      %max3A_194 = arith.maximumf %max3A_180, %gather3A_193 : vector<16xf32>
      %broadcast_in_dim3A_195 = arith.constant -1.000000e+00 : f32
      %broadcast_in_dim3A_196 = vector.broadcast %broadcast_in_dim3A_195 : f32 to vector<16xf32>
      %eq3A = arith.cmpf oeq, %get3A_82, %max3A_194 : vector<16xf32>
      %jit3A = arith.constant 0.000000e+00 : f32
      %broadcast_in_dim3A_197 = vector.broadcast %jit3A : f32 to vector<16xf32>
      %select_n3A_198 = arith.select %eq3A, %broadcast_in_dim3A_197, %broadcast_in_dim3A_196 : vector<16xi1>, vector<16xf32>
      %eq3A_199 = arith.cmpf oeq, %get3A_85, %max3A_194 : vector<16xf32>
      %jit3A_200 = arith.constant 1.000000e+00 : f32
      %broadcast_in_dim3A_201 = vector.broadcast %jit3A_200 : f32 to vector<16xf32>
      %select_n3A_202 = arith.select %eq3A_199, %broadcast_in_dim3A_201, %select_n3A_198 : vector<16xi1>, vector<16xf32>
      %eq3A_203 = arith.cmpf oeq, %get3A_88, %max3A_194 : vector<16xf32>
      %jit3A_204 = arith.constant 2.000000e+00 : f32
      %broadcast_in_dim3A_205 = vector.broadcast %jit3A_204 : f32 to vector<16xf32>
      %select_n3A_206 = arith.select %eq3A_203, %broadcast_in_dim3A_205, %select_n3A_202 : vector<16xi1>, vector<16xf32>
      %eq3A_207 = arith.cmpf oeq, %get3A_91, %max3A_194 : vector<16xf32>
      %jit3A_208 = arith.constant 3.000000e+00 : f32
      %broadcast_in_dim3A_209 = vector.broadcast %jit3A_208 : f32 to vector<16xf32>
      %select_n3A_210 = arith.select %eq3A_207, %broadcast_in_dim3A_209, %select_n3A_206 : vector<16xi1>, vector<16xf32>
      %eq3A_211 = arith.cmpf oeq, %get3A_94, %max3A_194 : vector<16xf32>
      %jit3A_212 = arith.constant 4.000000e+00 : f32
      %broadcast_in_dim3A_213 = vector.broadcast %jit3A_212 : f32 to vector<16xf32>
      %select_n3A_214 = arith.select %eq3A_211, %broadcast_in_dim3A_213, %select_n3A_210 : vector<16xi1>, vector<16xf32>
      %eq3A_215 = arith.cmpf oeq, %get3A_97, %max3A_194 : vector<16xf32>
      %jit3A_216 = arith.constant 5.000000e+00 : f32
      %broadcast_in_dim3A_217 = vector.broadcast %jit3A_216 : f32 to vector<16xf32>
      %select_n3A_218 = arith.select %eq3A_215, %broadcast_in_dim3A_217, %select_n3A_214 : vector<16xi1>, vector<16xf32>
      %eq3A_219 = arith.cmpf oeq, %get3A_100, %max3A_194 : vector<16xf32>
      %jit3A_220 = arith.constant 6.000000e+00 : f32
      %broadcast_in_dim3A_221 = vector.broadcast %jit3A_220 : f32 to vector<16xf32>
      %select_n3A_222 = arith.select %eq3A_219, %broadcast_in_dim3A_221, %select_n3A_218 : vector<16xi1>, vector<16xf32>
      %eq3A_223 = arith.cmpf oeq, %get3A_103, %max3A_194 : vector<16xf32>
      %jit3A_224 = arith.constant 7.000000e+00 : f32
      %broadcast_in_dim3A_225 = vector.broadcast %jit3A_224 : f32 to vector<16xf32>
      %select_n3A_226 = arith.select %eq3A_223, %broadcast_in_dim3A_225, %select_n3A_222 : vector<16xi1>, vector<16xf32>
      %eq3A_227 = arith.cmpf oeq, %get3A_106, %max3A_194 : vector<16xf32>
      %jit3A_228 = arith.constant 8.000000e+00 : f32
      %broadcast_in_dim3A_229 = vector.broadcast %jit3A_228 : f32 to vector<16xf32>
      %select_n3A_230 = arith.select %eq3A_227, %broadcast_in_dim3A_229, %select_n3A_226 : vector<16xi1>, vector<16xf32>
      %eq3A_231 = arith.cmpf oeq, %get3A_109, %max3A_194 : vector<16xf32>
      %jit3A_232 = arith.constant 9.000000e+00 : f32
      %broadcast_in_dim3A_233 = vector.broadcast %jit3A_232 : f32 to vector<16xf32>
      %select_n3A_234 = arith.select %eq3A_231, %broadcast_in_dim3A_233, %select_n3A_230 : vector<16xi1>, vector<16xf32>
      %eq3A_235 = arith.cmpf oeq, %get3A_112, %max3A_194 : vector<16xf32>
      %jit3A_236 = arith.constant 1.000000e+01 : f32
      %broadcast_in_dim3A_237 = vector.broadcast %jit3A_236 : f32 to vector<16xf32>
      %select_n3A_238 = arith.select %eq3A_235, %broadcast_in_dim3A_237, %select_n3A_234 : vector<16xi1>, vector<16xf32>
      %eq3A_239 = arith.cmpf oeq, %get3A_115, %max3A_194 : vector<16xf32>
      %jit3A_240 = arith.constant 1.100000e+01 : f32
      %broadcast_in_dim3A_241 = vector.broadcast %jit3A_240 : f32 to vector<16xf32>
      %select_n3A_242 = arith.select %eq3A_239, %broadcast_in_dim3A_241, %select_n3A_238 : vector<16xi1>, vector<16xf32>
      %eq3A_243 = arith.cmpf oeq, %get3A_118, %max3A_194 : vector<16xf32>
      %jit3A_244 = arith.constant 1.200000e+01 : f32
      %broadcast_in_dim3A_245 = vector.broadcast %jit3A_244 : f32 to vector<16xf32>
      %select_n3A_246 = arith.select %eq3A_243, %broadcast_in_dim3A_245, %select_n3A_242 : vector<16xi1>, vector<16xf32>
      %eq3A_247 = arith.cmpf oeq, %get3A_121, %max3A_194 : vector<16xf32>
      %jit3A_248 = arith.constant 1.300000e+01 : f32
      %broadcast_in_dim3A_249 = vector.broadcast %jit3A_248 : f32 to vector<16xf32>
      %select_n3A_250 = arith.select %eq3A_247, %broadcast_in_dim3A_249, %select_n3A_246 : vector<16xi1>, vector<16xf32>
      %eq3A_251 = arith.cmpf oeq, %get3A_124, %max3A_194 : vector<16xf32>
      %jit3A_252 = arith.constant 1.400000e+01 : f32
      %broadcast_in_dim3A_253 = vector.broadcast %jit3A_252 : f32 to vector<16xf32>
      %select_n3A_254 = arith.select %eq3A_251, %broadcast_in_dim3A_253, %select_n3A_250 : vector<16xi1>, vector<16xf32>
      %eq3A_255 = arith.cmpf oeq, %get3A_127, %max3A_194 : vector<16xf32>
      %jit3A_256 = arith.constant 1.500000e+01 : f32
      %broadcast_in_dim3A_257 = vector.broadcast %jit3A_256 : f32 to vector<16xf32>
      %select_n3A_258 = arith.select %eq3A_255, %broadcast_in_dim3A_257, %select_n3A_254 : vector<16xi1>, vector<16xf32>
      %iota3A_259 = tpu.iota {dimensions = array<i32: 0>} : vector<16xi32>
      %xor3A_260 = arith.constant 1 : i32
      %xor3A_261 = vector.broadcast %xor3A_260 : i32 to vector<16xi32>
      %xor3A_262 = arith.xori %iota3A_259, %xor3A_261 : vector<16xi32>
      %lt3A_263 = arith.constant 0 : i32
      %lt3A_264 = vector.broadcast %lt3A_263 : i32 to vector<16xi32>
      %lt3A_265 = arith.cmpi slt, %xor3A_262, %lt3A_264 : vector<16xi32>
      %add3A_266 = arith.constant 16 : i32
      %add3A_267 = vector.broadcast %add3A_266 : i32 to vector<16xi32>
      %add3A_268 = arith.addi %xor3A_262, %add3A_267 : vector<16xi32>
      %select_n3A_269 = arith.select %lt3A_265, %add3A_268, %xor3A_262 : vector<16xi1>, vector<16xi32>
      %broadcast_in_dim3A_270 = vector.shape_cast %select_n3A_269 : vector<16xi32> to vector<16x1xi32>
      %gather3A_271 = vector.shape_cast %broadcast_in_dim3A_270 : vector<16x1xi32> to vector<16xi32>
      %gather3A_272 = tpu.dynamic_gather %select_n3A_258[%gather3A_271] in [0] : vector<16xf32>, vector<16xi32> -> vector<16xf32>
      %max3A_273 = arith.maximumf %select_n3A_258, %gather3A_272 : vector<16xf32>
      %xor3A_274 = arith.constant 2 : i32
      %xor3A_275 = vector.broadcast %xor3A_274 : i32 to vector<16xi32>
      %xor3A_276 = arith.xori %iota3A_259, %xor3A_275 : vector<16xi32>
      %lt3A_277 = arith.constant 0 : i32
      %lt3A_278 = vector.broadcast %lt3A_277 : i32 to vector<16xi32>
      %lt3A_279 = arith.cmpi slt, %xor3A_276, %lt3A_278 : vector<16xi32>
      %add3A_280 = arith.constant 16 : i32
      %add3A_281 = vector.broadcast %add3A_280 : i32 to vector<16xi32>
      %add3A_282 = arith.addi %xor3A_276, %add3A_281 : vector<16xi32>
      %select_n3A_283 = arith.select %lt3A_279, %add3A_282, %xor3A_276 : vector<16xi1>, vector<16xi32>
      %broadcast_in_dim3A_284 = vector.shape_cast %select_n3A_283 : vector<16xi32> to vector<16x1xi32>
      %gather3A_285 = vector.shape_cast %broadcast_in_dim3A_284 : vector<16x1xi32> to vector<16xi32>
      %gather3A_286 = tpu.dynamic_gather %max3A_273[%gather3A_285] in [0] : vector<16xf32>, vector<16xi32> -> vector<16xf32>
      %max3A_287 = arith.maximumf %max3A_273, %gather3A_286 : vector<16xf32>
      %xor3A_288 = arith.constant 4 : i32
      %xor3A_289 = vector.broadcast %xor3A_288 : i32 to vector<16xi32>
      %xor3A_290 = arith.xori %iota3A_259, %xor3A_289 : vector<16xi32>
      %lt3A_291 = arith.constant 0 : i32
      %lt3A_292 = vector.broadcast %lt3A_291 : i32 to vector<16xi32>
      %lt3A_293 = arith.cmpi slt, %xor3A_290, %lt3A_292 : vector<16xi32>
      %add3A_294 = arith.constant 16 : i32
      %add3A_295 = vector.broadcast %add3A_294 : i32 to vector<16xi32>
      %add3A_296 = arith.addi %xor3A_290, %add3A_295 : vector<16xi32>
      %select_n3A_297 = arith.select %lt3A_293, %add3A_296, %xor3A_290 : vector<16xi1>, vector<16xi32>
      %broadcast_in_dim3A_298 = vector.shape_cast %select_n3A_297 : vector<16xi32> to vector<16x1xi32>
      %gather3A_299 = vector.shape_cast %broadcast_in_dim3A_298 : vector<16x1xi32> to vector<16xi32>
      %gather3A_300 = tpu.dynamic_gather %max3A_287[%gather3A_299] in [0] : vector<16xf32>, vector<16xi32> -> vector<16xf32>
      %max3A_301 = arith.maximumf %max3A_287, %gather3A_300 : vector<16xf32>
      %xor3A_302 = arith.constant 8 : i32
      %xor3A_303 = vector.broadcast %xor3A_302 : i32 to vector<16xi32>
      %xor3A_304 = arith.xori %iota3A_259, %xor3A_303 : vector<16xi32>
      %lt3A_305 = arith.constant 0 : i32
      %lt3A_306 = vector.broadcast %lt3A_305 : i32 to vector<16xi32>
      %lt3A_307 = arith.cmpi slt, %xor3A_304, %lt3A_306 : vector<16xi32>
      %add3A_308 = arith.constant 16 : i32
      %add3A_309 = vector.broadcast %add3A_308 : i32 to vector<16xi32>
      %add3A_310 = arith.addi %xor3A_304, %add3A_309 : vector<16xi32>
      %select_n3A_311 = arith.select %lt3A_307, %add3A_310, %xor3A_304 : vector<16xi1>, vector<16xi32>
      %broadcast_in_dim3A_312 = vector.shape_cast %select_n3A_311 : vector<16xi32> to vector<16x1xi32>
      %gather3A_313 = vector.shape_cast %broadcast_in_dim3A_312 : vector<16x1xi32> to vector<16xi32>
      %gather3A_314 = tpu.dynamic_gather %max3A_301[%gather3A_313] in [0] : vector<16xf32>, vector<16xi32> -> vector<16xf32>
      %max3A_315 = arith.maximumf %max3A_301, %gather3A_314 : vector<16xf32>
      %slice3A = vector.extract_strided_slice %max3A_315 {offsets = [0], sizes = [1], strides = [1]} : vector<16xf32> to vector<1xf32>
      %squeeze3A = vector.extract %slice3A[0] : f32 from vector<1xf32>
      %convert_element_type3A = arith.fptosi %squeeze3A : f32 to i32
      %mul3A_316 = arith.constant 256 : i32
      %mul3A_317 = arith.muli %convert_element_type3A, %mul3A_316 : i32
      %add3A_318 = arith.constant 0 : i32
      %add3A_319 = arith.addi %add3A_318, %mul3A_317 : i32
      %add3A_320 = arith.constant 0 : i32
      %add3A_321 = arith.addi %add3A_319, %add3A_320 : i32
      %get3A_322 = arith.index_cast %add3A_321 : i32 to index
      %get3A_323 = tpu.vector_load %arg12[%get3A_322] {strides = array<i32>} : memref<16384xf32, #tpu.memory_space<vmem>>, vector<16xf32>,
      %get3A_324 = vector.shape_cast %get3A_323 : vector<16xf32> to vector<16xf32>
      %ge3A = arith.cmpf oge, %get3A_324, %max3A_194 : vector<16xf32>
      %jit3A_325 = arith.constant -3.000000e+00 : f32
      %broadcast_in_dim3A_326 = vector.broadcast %jit3A_325 : f32 to vector<16xf32>
      %select_n3A_327 = arith.select %ge3A, %broadcast_in_dim3A_326, %get3A_324 : vector<16xi1>, vector<16xf32>
      %max3A_328 = arith.maximumf %broadcast_in_dim3A_34, %select_n3A_327 : vector<16xf32>
      %add3A_329 = arith.constant 16 : i32
      %add3A_330 = arith.addi %add3A_319, %add3A_329 : i32
      %get3A_331 = arith.index_cast %add3A_330 : i32 to index
      %get3A_332 = tpu.vector_load %arg12[%get3A_331] {strides = array<i32>} : memref<16384xf32, #tpu.memory_space<vmem>>, vector<16xf32>,
      %get3A_333 = vector.shape_cast %get3A_332 : vector<16xf32> to vector<16xf32>
      %ge3A_334 = arith.cmpf oge, %get3A_333, %max3A_194 : vector<16xf32>
      %jit3A_335 = arith.constant -3.000000e+00 : f32
      %broadcast_in_dim3A_336 = vector.broadcast %jit3A_335 : f32 to vector<16xf32>
      %select_n3A_337 = arith.select %ge3A_334, %broadcast_in_dim3A_336, %get3A_333 : vector<16xi1>, vector<16xf32>
      %max3A_338 = arith.maximumf %max3A_328, %select_n3A_337 : vector<16xf32>
      %add3A_339 = arith.constant 32 : i32
      %add3A_340 = arith.addi %add3A_319, %add3A_339 : i32
      %get3A_341 = arith.index_cast %add3A_340 : i32 to index
      %get3A_342 = tpu.vector_load %arg12[%get3A_341] {strides = array<i32>} : memref<16384xf32, #tpu.memory_space<vmem>>, vector<16xf32>,
      %get3A_343 = vector.shape_cast %get3A_342 : vector<16xf32> to vector<16xf32>
      %ge3A_344 = arith.cmpf oge, %get3A_343, %max3A_194 : vector<16xf32>
      %jit3A_345 = arith.constant -3.000000e+00 : f32
      %broadcast_in_dim3A_346 = vector.broadcast %jit3A_345 : f32 to vector<16xf32>
      %select_n3A_347 = arith.select %ge3A_344, %broadcast_in_dim3A_346, %get3A_343 : vector<16xi1>, vector<16xf32>
      %max3A_348 = arith.maximumf %max3A_338, %select_n3A_347 : vector<16xf32>
      %add3A_349 = arith.constant 48 : i32
      %add3A_350 = arith.addi %add3A_319, %add3A_349 : i32
      %get3A_351 = arith.index_cast %add3A_350 : i32 to index
      %get3A_352 = tpu.vector_load %arg12[%get3A_351] {strides = array<i32>} : memref<16384xf32, #tpu.memory_space<vmem>>, vector<16xf32>,
      %get3A_353 = vector.shape_cast %get3A_352 : vector<16xf32> to vector<16xf32>
      %ge3A_354 = arith.cmpf oge, %get3A_353, %max3A_194 : vector<16xf32>
      %jit3A_355 = arith.constant -3.000000e+00 : f32
      %broadcast_in_dim3A_356 = vector.broadcast %jit3A_355 : f32 to vector<16xf32>
      %select_n3A_357 = arith.select %ge3A_354, %broadcast_in_dim3A_356, %get3A_353 : vector<16xi1>, vector<16xf32>
      %max3A_358 = arith.maximumf %max3A_348, %select_n3A_357 : vector<16xf32>
      %add3A_359 = arith.constant 64 : i32
      %add3A_360 = arith.addi %add3A_319, %add3A_359 : i32
      %get3A_361 = arith.index_cast %add3A_360 : i32 to index
      %get3A_362 = tpu.vector_load %arg12[%get3A_361] {strides = array<i32>} : memref<16384xf32, #tpu.memory_space<vmem>>, vector<16xf32>,
      %get3A_363 = vector.shape_cast %get3A_362 : vector<16xf32> to vector<16xf32>
      %ge3A_364 = arith.cmpf oge, %get3A_363, %max3A_194 : vector<16xf32>
      %jit3A_365 = arith.constant -3.000000e+00 : f32
      %broadcast_in_dim3A_366 = vector.broadcast %jit3A_365 : f32 to vector<16xf32>
      %select_n3A_367 = arith.select %ge3A_364, %broadcast_in_dim3A_366, %get3A_363 : vector<16xi1>, vector<16xf32>
      %max3A_368 = arith.maximumf %max3A_358, %select_n3A_367 : vector<16xf32>
      %add3A_369 = arith.constant 80 : i32
      %add3A_370 = arith.addi %add3A_319, %add3A_369 : i32
      %get3A_371 = arith.index_cast %add3A_370 : i32 to index
      %get3A_372 = tpu.vector_load %arg12[%get3A_371] {strides = array<i32>} : memref<16384xf32, #tpu.memory_space<vmem>>, vector<16xf32>,
      %get3A_373 = vector.shape_cast %get3A_372 : vector<16xf32> to vector<16xf32>
      %ge3A_374 = arith.cmpf oge, %get3A_373, %max3A_194 : vector<16xf32>
      %jit3A_375 = arith.constant -3.000000e+00 : f32
      %broadcast_in_dim3A_376 = vector.broadcast %jit3A_375 : f32 to vector<16xf32>
      %select_n3A_377 = arith.select %ge3A_374, %broadcast_in_dim3A_376, %get3A_373 : vector<16xi1>, vector<16xf32>
      %max3A_378 = arith.maximumf %max3A_368, %select_n3A_377 : vector<16xf32>
      %add3A_379 = arith.constant 96 : i32
      %add3A_380 = arith.addi %add3A_319, %add3A_379 : i32
      %get3A_381 = arith.index_cast %add3A_380 : i32 to index
      %get3A_382 = tpu.vector_load %arg12[%get3A_381] {strides = array<i32>} : memref<16384xf32, #tpu.memory_space<vmem>>, vector<16xf32>,
      %get3A_383 = vector.shape_cast %get3A_382 : vector<16xf32> to vector<16xf32>
      %ge3A_384 = arith.cmpf oge, %get3A_383, %max3A_194 : vector<16xf32>
      %jit3A_385 = arith.constant -3.000000e+00 : f32
      %broadcast_in_dim3A_386 = vector.broadcast %jit3A_385 : f32 to vector<16xf32>
      %select_n3A_387 = arith.select %ge3A_384, %broadcast_in_dim3A_386, %get3A_383 : vector<16xi1>, vector<16xf32>
      %max3A_388 = arith.maximumf %max3A_378, %select_n3A_387 : vector<16xf32>
      %add3A_389 = arith.constant 112 : i32
      %add3A_390 = arith.addi %add3A_319, %add3A_389 : i32
      %get3A_391 = arith.index_cast %add3A_390 : i32 to index
      %get3A_392 = tpu.vector_load %arg12[%get3A_391] {strides = array<i32>} : memref<16384xf32, #tpu.memory_space<vmem>>, vector<16xf32>,
      %get3A_393 = vector.shape_cast %get3A_392 : vector<16xf32> to vector<16xf32>
      %ge3A_394 = arith.cmpf oge, %get3A_393, %max3A_194 : vector<16xf32>
      %jit3A_395 = arith.constant -3.000000e+00 : f32
      %broadcast_in_dim3A_396 = vector.broadcast %jit3A_395 : f32 to vector<16xf32>
      %select_n3A_397 = arith.select %ge3A_394, %broadcast_in_dim3A_396, %get3A_393 : vector<16xi1>, vector<16xf32>
      %max3A_398 = arith.maximumf %max3A_388, %select_n3A_397 : vector<16xf32>
      %add3A_399 = arith.constant 128 : i32
      %add3A_400 = arith.addi %add3A_319, %add3A_399 : i32
      %get3A_401 = arith.index_cast %add3A_400 : i32 to index
      %get3A_402 = tpu.vector_load %arg12[%get3A_401] {strides = array<i32>} : memref<16384xf32, #tpu.memory_space<vmem>>, vector<16xf32>,
      %get3A_403 = vector.shape_cast %get3A_402 : vector<16xf32> to vector<16xf32>
      %ge3A_404 = arith.cmpf oge, %get3A_403, %max3A_194 : vector<16xf32>
      %jit3A_405 = arith.constant -3.000000e+00 : f32
      %broadcast_in_dim3A_406 = vector.broadcast %jit3A_405 : f32 to vector<16xf32>
      %select_n3A_407 = arith.select %ge3A_404, %broadcast_in_dim3A_406, %get3A_403 : vector<16xi1>, vector<16xf32>
      %max3A_408 = arith.maximumf %max3A_398, %select_n3A_407 : vector<16xf32>
      %add3A_409 = arith.constant 144 : i32
      %add3A_410 = arith.addi %add3A_319, %add3A_409 : i32
      %get3A_411 = arith.index_cast %add3A_410 : i32 to index
      %get3A_412 = tpu.vector_load %arg12[%get3A_411] {strides = array<i32>} : memref<16384xf32, #tpu.memory_space<vmem>>, vector<16xf32>,
      %get3A_413 = vector.shape_cast %get3A_412 : vector<16xf32> to vector<16xf32>
      %ge3A_414 = arith.cmpf oge, %get3A_413, %max3A_194 : vector<16xf32>
      %jit3A_415 = arith.constant -3.000000e+00 : f32
      %broadcast_in_dim3A_416 = vector.broadcast %jit3A_415 : f32 to vector<16xf32>
      %select_n3A_417 = arith.select %ge3A_414, %broadcast_in_dim3A_416, %get3A_413 : vector<16xi1>, vector<16xf32>
      %max3A_418 = arith.maximumf %max3A_408, %select_n3A_417 : vector<16xf32>
      %add3A_419 = arith.constant 160 : i32
      %add3A_420 = arith.addi %add3A_319, %add3A_419 : i32
      %get3A_421 = arith.index_cast %add3A_420 : i32 to index
      %get3A_422 = tpu.vector_load %arg12[%get3A_421] {strides = array<i32>} : memref<16384xf32, #tpu.memory_space<vmem>>, vector<16xf32>,
      %get3A_423 = vector.shape_cast %get3A_422 : vector<16xf32> to vector<16xf32>
      %ge3A_424 = arith.cmpf oge, %get3A_423, %max3A_194 : vector<16xf32>
      %jit3A_425 = arith.constant -3.000000e+00 : f32
      %broadcast_in_dim3A_426 = vector.broadcast %jit3A_425 : f32 to vector<16xf32>
      %select_n3A_427 = arith.select %ge3A_424, %broadcast_in_dim3A_426, %get3A_423 : vector<16xi1>, vector<16xf32>
      %max3A_428 = arith.maximumf %max3A_418, %select_n3A_427 : vector<16xf32>
      %add3A_429 = arith.constant 176 : i32
      %add3A_430 = arith.addi %add3A_319, %add3A_429 : i32
      %get3A_431 = arith.index_cast %add3A_430 : i32 to index
      %get3A_432 = tpu.vector_load %arg12[%get3A_431] {strides = array<i32>} : memref<16384xf32, #tpu.memory_space<vmem>>, vector<16xf32>,
      %get3A_433 = vector.shape_cast %get3A_432 : vector<16xf32> to vector<16xf32>
      %ge3A_434 = arith.cmpf oge, %get3A_433, %max3A_194 : vector<16xf32>
      %jit3A_435 = arith.constant -3.000000e+00 : f32
      %broadcast_in_dim3A_436 = vector.broadcast %jit3A_435 : f32 to vector<16xf32>
      %select_n3A_437 = arith.select %ge3A_434, %broadcast_in_dim3A_436, %get3A_433 : vector<16xi1>, vector<16xf32>
      %max3A_438 = arith.maximumf %max3A_428, %select_n3A_437 : vector<16xf32>
      %add3A_439 = arith.constant 192 : i32
      %add3A_440 = arith.addi %add3A_319, %add3A_439 : i32
      %get3A_441 = arith.index_cast %add3A_440 : i32 to index
      %get3A_442 = tpu.vector_load %arg12[%get3A_441] {strides = array<i32>} : memref<16384xf32, #tpu.memory_space<vmem>>, vector<16xf32>,
      %get3A_443 = vector.shape_cast %get3A_442 : vector<16xf32> to vector<16xf32>
      %ge3A_444 = arith.cmpf oge, %get3A_443, %max3A_194 : vector<16xf32>
      %jit3A_445 = arith.constant -3.000000e+00 : f32
      %broadcast_in_dim3A_446 = vector.broadcast %jit3A_445 : f32 to vector<16xf32>
      %select_n3A_447 = arith.select %ge3A_444, %broadcast_in_dim3A_446, %get3A_443 : vector<16xi1>, vector<16xf32>
      %max3A_448 = arith.maximumf %max3A_438, %select_n3A_447 : vector<16xf32>
      %add3A_449 = arith.constant 208 : i32
      %add3A_450 = arith.addi %add3A_319, %add3A_449 : i32
      %get3A_451 = arith.index_cast %add3A_450 : i32 to index
      %get3A_452 = tpu.vector_load %arg12[%get3A_451] {strides = array<i32>} : memref<16384xf32, #tpu.memory_space<vmem>>, vector<16xf32>,
      %get3A_453 = vector.shape_cast %get3A_452 : vector<16xf32> to vector<16xf32>
      %ge3A_454 = arith.cmpf oge, %get3A_453, %max3A_194 : vector<16xf32>
      %jit3A_455 = arith.constant -3.000000e+00 : f32
      %broadcast_in_dim3A_456 = vector.broadcast %jit3A_455 : f32 to vector<16xf32>
      %select_n3A_457 = arith.select %ge3A_454, %broadcast_in_dim3A_456, %get3A_453 : vector<16xi1>, vector<16xf32>
      %max3A_458 = arith.maximumf %max3A_448, %select_n3A_457 : vector<16xf32>
      %add3A_459 = arith.constant 224 : i32
      %add3A_460 = arith.addi %add3A_319, %add3A_459 : i32
      %get3A_461 = arith.index_cast %add3A_460 : i32 to index
      %get3A_462 = tpu.vector_load %arg12[%get3A_461] {strides = array<i32>} : memref<16384xf32, #tpu.memory_space<vmem>>, vector<16xf32>,
      %get3A_463 = vector.shape_cast %get3A_462 : vector<16xf32> to vector<16xf32>
      %ge3A_464 = arith.cmpf oge, %get3A_463, %max3A_194 : vector<16xf32>
      %jit3A_465 = arith.constant -3.000000e+00 : f32
      %broadcast_in_dim3A_466 = vector.broadcast %jit3A_465 : f32 to vector<16xf32>
      %select_n3A_467 = arith.select %ge3A_464, %broadcast_in_dim3A_466, %get3A_463 : vector<16xi1>, vector<16xf32>
      %max3A_468 = arith.maximumf %max3A_458, %select_n3A_467 : vector<16xf32>
      %add3A_469 = arith.constant 240 : i32
      %add3A_470 = arith.addi %add3A_319, %add3A_469 : i32
      %get3A_471 = arith.index_cast %add3A_470 : i32 to index
      %get3A_472 = tpu.vector_load %arg12[%get3A_471] {strides = array<i32>} : memref<16384xf32, #tpu.memory_space<vmem>>, vector<16xf32>,
      %get3A_473 = vector.shape_cast %get3A_472 : vector<16xf32> to vector<16xf32>
      %ge3A_474 = arith.cmpf oge, %get3A_473, %max3A_194 : vector<16xf32>
      %jit3A_475 = arith.constant -3.000000e+00 : f32
      %broadcast_in_dim3A_476 = vector.broadcast %jit3A_475 : f32 to vector<16xf32>
      %select_n3A_477 = arith.select %ge3A_474, %broadcast_in_dim3A_476, %get3A_473 : vector<16xi1>, vector<16xf32>
      %max3A_478 = arith.maximumf %max3A_468, %select_n3A_477 : vector<16xf32>
      %mul3A_479 = arith.constant 16 : i32
      %mul3A_480 = arith.muli %convert_element_type3A, %mul3A_479 : i32
      %add3A_481 = arith.constant 0 : i32
      %add3A_482 = arith.addi %add3A_481, %mul3A_480 : i32
      %swap3A_483 = arith.index_cast %add3A_482 : i32 to index
      %swap3A_484 = tpu.vector_load %arg13[%swap3A_483] {strides = array<i32>} : memref<1024xf32, #tpu.memory_space<vmem>>, vector<16xf32>,
      %swap3A_485 = vector.shape_cast %swap3A_484 : vector<16xf32> to vector<16xf32>
      %swap3A_486 = vector.shape_cast %max3A_478 : vector<16xf32> to vector<16xf32>
      tpu.vector_store %arg13[%swap3A_483], %swap3A_486 {strides = array<i32>} : memref<1024xf32, #tpu.memory_space<vmem>>, vector<16xf32>,
      %get3A_487 = arith.constant 256 : index
      %get3A_488 = tpu.vector_load %arg13[%get3A_487] {strides = array<i32>} : memref<1024xf32, #tpu.memory_space<vmem>>, vector<16xf32>,
      %get3A_489 = vector.shape_cast %get3A_488 : vector<16xf32> to vector<16xf32>
      %get3A_490 = arith.constant 272 : index
      %get3A_491 = tpu.vector_load %arg13[%get3A_490] {strides = array<i32>} : memref<1024xf32, #tpu.memory_space<vmem>>, vector<16xf32>,
      %get3A_492 = vector.shape_cast %get3A_491 : vector<16xf32> to vector<16xf32>
      %get3A_493 = arith.constant 288 : index
      %get3A_494 = tpu.vector_load %arg13[%get3A_493] {strides = array<i32>} : memref<1024xf32, #tpu.memory_space<vmem>>, vector<16xf32>,
      %get3A_495 = vector.shape_cast %get3A_494 : vector<16xf32> to vector<16xf32>
      %get3A_496 = arith.constant 304 : index
      %get3A_497 = tpu.vector_load %arg13[%get3A_496] {strides = array<i32>} : memref<1024xf32, #tpu.memory_space<vmem>>, vector<16xf32>,
      %get3A_498 = vector.shape_cast %get3A_497 : vector<16xf32> to vector<16xf32>
      %get3A_499 = arith.constant 320 : index
      %get3A_500 = tpu.vector_load %arg13[%get3A_499] {strides = array<i32>} : memref<1024xf32, #tpu.memory_space<vmem>>, vector<16xf32>,
      %get3A_501 = vector.shape_cast %get3A_500 : vector<16xf32> to vector<16xf32>
      %get3A_502 = arith.constant 336 : index
      %get3A_503 = tpu.vector_load %arg13[%get3A_502] {strides = array<i32>} : memref<1024xf32, #tpu.memory_space<vmem>>, vector<16xf32>,
      %get3A_504 = vector.shape_cast %get3A_503 : vector<16xf32> to vector<16xf32>
      %get3A_505 = arith.constant 352 : index
      %get3A_506 = tpu.vector_load %arg13[%get3A_505] {strides = array<i32>} : memref<1024xf32, #tpu.memory_space<vmem>>, vector<16xf32>,
      %get3A_507 = vector.shape_cast %get3A_506 : vector<16xf32> to vector<16xf32>
      %get3A_508 = arith.constant 368 : index
      %get3A_509 = tpu.vector_load %arg13[%get3A_508] {strides = array<i32>} : memref<1024xf32, #tpu.memory_space<vmem>>, vector<16xf32>,
      %get3A_510 = vector.shape_cast %get3A_509 : vector<16xf32> to vector<16xf32>
      %get3A_511 = arith.constant 384 : index
      %get3A_512 = tpu.vector_load %arg13[%get3A_511] {strides = array<i32>} : memref<1024xf32, #tpu.memory_space<vmem>>, vector<16xf32>,
      %get3A_513 = vector.shape_cast %get3A_512 : vector<16xf32> to vector<16xf32>
      %get3A_514 = arith.constant 400 : index
      %get3A_515 = tpu.vector_load %arg13[%get3A_514] {strides = array<i32>} : memref<1024xf32, #tpu.memory_space<vmem>>, vector<16xf32>,
      %get3A_516 = vector.shape_cast %get3A_515 : vector<16xf32> to vector<16xf32>
      %get3A_517 = arith.constant 416 : index
      %get3A_518 = tpu.vector_load %arg13[%get3A_517] {strides = array<i32>} : memref<1024xf32, #tpu.memory_space<vmem>>, vector<16xf32>,
      %get3A_519 = vector.shape_cast %get3A_518 : vector<16xf32> to vector<16xf32>
      %get3A_520 = arith.constant 432 : index
      %get3A_521 = tpu.vector_load %arg13[%get3A_520] {strides = array<i32>} : memref<1024xf32, #tpu.memory_space<vmem>>, vector<16xf32>,
      %get3A_522 = vector.shape_cast %get3A_521 : vector<16xf32> to vector<16xf32>
      %get3A_523 = arith.constant 448 : index
      %get3A_524 = tpu.vector_load %arg13[%get3A_523] {strides = array<i32>} : memref<1024xf32, #tpu.memory_space<vmem>>, vector<16xf32>,
      %get3A_525 = vector.shape_cast %get3A_524 : vector<16xf32> to vector<16xf32>
      %get3A_526 = arith.constant 464 : index
      %get3A_527 = tpu.vector_load %arg13[%get3A_526] {strides = array<i32>} : memref<1024xf32, #tpu.memory_space<vmem>>, vector<16xf32>,
      %get3A_528 = vector.shape_cast %get3A_527 : vector<16xf32> to vector<16xf32>
      %get3A_529 = arith.constant 480 : index
      %get3A_530 = tpu.vector_load %arg13[%get3A_529] {strides = array<i32>} : memref<1024xf32, #tpu.memory_space<vmem>>, vector<16xf32>,
      %get3A_531 = vector.shape_cast %get3A_530 : vector<16xf32> to vector<16xf32>
      %get3A_532 = arith.constant 496 : index
      %get3A_533 = tpu.vector_load %arg13[%get3A_532] {strides = array<i32>} : memref<1024xf32, #tpu.memory_space<vmem>>, vector<16xf32>,
      %get3A_534 = vector.shape_cast %get3A_533 : vector<16xf32> to vector<16xf32>
      %max3A_535 = arith.maximumf %get3A_489, %get3A_492 : vector<16xf32>
      %max3A_536 = arith.maximumf %max3A_535, %get3A_495 : vector<16xf32>
      %max3A_537 = arith.maximumf %max3A_536, %get3A_498 : vector<16xf32>
      %max3A_538 = arith.maximumf %max3A_537, %get3A_501 : vector<16xf32>
      %max3A_539 = arith.maximumf %max3A_538, %get3A_504 : vector<16xf32>
      %max3A_540 = arith.maximumf %max3A_539, %get3A_507 : vector<16xf32>
      %max3A_541 = arith.maximumf %max3A_540, %get3A_510 : vector<16xf32>
      %max3A_542 = arith.maximumf %max3A_541, %get3A_513 : vector<16xf32>
      %max3A_543 = arith.maximumf %max3A_542, %get3A_516 : vector<16xf32>
      %max3A_544 = arith.maximumf %max3A_543, %get3A_519 : vector<16xf32>
      %max3A_545 = arith.maximumf %max3A_544, %get3A_522 : vector<16xf32>
      %max3A_546 = arith.maximumf %max3A_545, %get3A_525 : vector<16xf32>
      %max3A_547 = arith.maximumf %max3A_546, %get3A_528 : vector<16xf32>
      %max3A_548 = arith.maximumf %max3A_547, %get3A_531 : vector<16xf32>
      %max3A_549 = arith.maximumf %max3A_548, %get3A_534 : vector<16xf32>
      %iota3A_550 = tpu.iota {dimensions = array<i32: 0>} : vector<16xi32>
      %xor3A_551 = arith.constant 1 : i32
      %xor3A_552 = vector.broadcast %xor3A_551 : i32 to vector<16xi32>
      %xor3A_553 = arith.xori %iota3A_550, %xor3A_552 : vector<16xi32>
      %lt3A_554 = arith.constant 0 : i32
      %lt3A_555 = vector.broadcast %lt3A_554 : i32 to vector<16xi32>
      %lt3A_556 = arith.cmpi slt, %xor3A_553, %lt3A_555 : vector<16xi32>
      %add3A_557 = arith.constant 16 : i32
      %add3A_558 = vector.broadcast %add3A_557 : i32 to vector<16xi32>
      %add3A_559 = arith.addi %xor3A_553, %add3A_558 : vector<16xi32>
      %select_n3A_560 = arith.select %lt3A_556, %add3A_559, %xor3A_553 : vector<16xi1>, vector<16xi32>
      %broadcast_in_dim3A_561 = vector.shape_cast %select_n3A_560 : vector<16xi32> to vector<16x1xi32>
      %gather3A_562 = vector.shape_cast %broadcast_in_dim3A_561 : vector<16x1xi32> to vector<16xi32>
      %gather3A_563 = tpu.dynamic_gather %max3A_549[%gather3A_562] in [0] : vector<16xf32>, vector<16xi32> -> vector<16xf32>
      %max3A_564 = arith.maximumf %max3A_549, %gather3A_563 : vector<16xf32>
      %xor3A_565 = arith.constant 2 : i32
      %xor3A_566 = vector.broadcast %xor3A_565 : i32 to vector<16xi32>
      %xor3A_567 = arith.xori %iota3A_550, %xor3A_566 : vector<16xi32>
      %lt3A_568 = arith.constant 0 : i32
      %lt3A_569 = vector.broadcast %lt3A_568 : i32 to vector<16xi32>
      %lt3A_570 = arith.cmpi slt, %xor3A_567, %lt3A_569 : vector<16xi32>
      %add3A_571 = arith.constant 16 : i32
      %add3A_572 = vector.broadcast %add3A_571 : i32 to vector<16xi32>
      %add3A_573 = arith.addi %xor3A_567, %add3A_572 : vector<16xi32>
      %select_n3A_574 = arith.select %lt3A_570, %add3A_573, %xor3A_567 : vector<16xi1>, vector<16xi32>
      %broadcast_in_dim3A_575 = vector.shape_cast %select_n3A_574 : vector<16xi32> to vector<16x1xi32>
      %gather3A_576 = vector.shape_cast %broadcast_in_dim3A_575 : vector<16x1xi32> to vector<16xi32>
      %gather3A_577 = tpu.dynamic_gather %max3A_564[%gather3A_576] in [0] : vector<16xf32>, vector<16xi32> -> vector<16xf32>
      %max3A_578 = arith.maximumf %max3A_564, %gather3A_577 : vector<16xf32>
      %xor3A_579 = arith.constant 4 : i32
      %xor3A_580 = vector.broadcast %xor3A_579 : i32 to vector<16xi32>
      %xor3A_581 = arith.xori %iota3A_550, %xor3A_580 : vector<16xi32>
      %lt3A_582 = arith.constant 0 : i32
      %lt3A_583 = vector.broadcast %lt3A_582 : i32 to vector<16xi32>
      %lt3A_584 = arith.cmpi slt, %xor3A_581, %lt3A_583 : vector<16xi32>
      %add3A_585 = arith.constant 16 : i32
      %add3A_586 = vector.broadcast %add3A_585 : i32 to vector<16xi32>
      %add3A_587 = arith.addi %xor3A_581, %add3A_586 : vector<16xi32>
      %select_n3A_588 = arith.select %lt3A_584, %add3A_587, %xor3A_581 : vector<16xi1>, vector<16xi32>
      %broadcast_in_dim3A_589 = vector.shape_cast %select_n3A_588 : vector<16xi32> to vector<16x1xi32>
      %gather3A_590 = vector.shape_cast %broadcast_in_dim3A_589 : vector<16x1xi32> to vector<16xi32>
      %gather3A_591 = tpu.dynamic_gather %max3A_578[%gather3A_590] in [0] : vector<16xf32>, vector<16xi32> -> vector<16xf32>
      %max3A_592 = arith.maximumf %max3A_578, %gather3A_591 : vector<16xf32>
      %xor3A_593 = arith.constant 8 : i32
      %xor3A_594 = vector.broadcast %xor3A_593 : i32 to vector<16xi32>
      %xor3A_595 = arith.xori %iota3A_550, %xor3A_594 : vector<16xi32>
      %lt3A_596 = arith.constant 0 : i32
      %lt3A_597 = vector.broadcast %lt3A_596 : i32 to vector<16xi32>
      %lt3A_598 = arith.cmpi slt, %xor3A_595, %lt3A_597 : vector<16xi32>
      %add3A_599 = arith.constant 16 : i32
      %add3A_600 = vector.broadcast %add3A_599 : i32 to vector<16xi32>
      %add3A_601 = arith.addi %xor3A_595, %add3A_600 : vector<16xi32>
      %select_n3A_602 = arith.select %lt3A_598, %add3A_601, %xor3A_595 : vector<16xi1>, vector<16xi32>
      %broadcast_in_dim3A_603 = vector.shape_cast %select_n3A_602 : vector<16xi32> to vector<16x1xi32>
      %gather3A_604 = vector.shape_cast %broadcast_in_dim3A_603 : vector<16x1xi32> to vector<16xi32>
      %gather3A_605 = tpu.dynamic_gather %max3A_592[%gather3A_604] in [0] : vector<16xf32>, vector<16xi32> -> vector<16xf32>
      %max3A_606 = arith.maximumf %max3A_592, %gather3A_605 : vector<16xf32>
      %broadcast_in_dim3A_607 = arith.constant -1.000000e+00 : f32
      %broadcast_in_dim3A_608 = vector.broadcast %broadcast_in_dim3A_607 : f32 to vector<16xf32>
      %eq3A_609 = arith.cmpf oeq, %get3A_489, %max3A_606 : vector<16xf32>
      %jit3A_610 = arith.constant 0.000000e+00 : f32
      %broadcast_in_dim3A_611 = vector.broadcast %jit3A_610 : f32 to vector<16xf32>
      %select_n3A_612 = arith.select %eq3A_609, %broadcast_in_dim3A_611, %broadcast_in_dim3A_608 : vector<16xi1>, vector<16xf32>
      %eq3A_613 = arith.cmpf oeq, %get3A_492, %max3A_606 : vector<16xf32>
      %jit3A_614 = arith.constant 1.000000e+00 : f32
      %broadcast_in_dim3A_615 = vector.broadcast %jit3A_614 : f32 to vector<16xf32>
      %select_n3A_616 = arith.select %eq3A_613, %broadcast_in_dim3A_615, %select_n3A_612 : vector<16xi1>, vector<16xf32>
      %eq3A_617 = arith.cmpf oeq, %get3A_495, %max3A_606 : vector<16xf32>
      %jit3A_618 = arith.constant 2.000000e+00 : f32
      %broadcast_in_dim3A_619 = vector.broadcast %jit3A_618 : f32 to vector<16xf32>
      %select_n3A_620 = arith.select %eq3A_617, %broadcast_in_dim3A_619, %select_n3A_616 : vector<16xi1>, vector<16xf32>
      %eq3A_621 = arith.cmpf oeq, %get3A_498, %max3A_606 : vector<16xf32>
      %jit3A_622 = arith.constant 3.000000e+00 : f32
      %broadcast_in_dim3A_623 = vector.broadcast %jit3A_622 : f32 to vector<16xf32>
      %select_n3A_624 = arith.select %eq3A_621, %broadcast_in_dim3A_623, %select_n3A_620 : vector<16xi1>, vector<16xf32>
      %eq3A_625 = arith.cmpf oeq, %get3A_501, %max3A_606 : vector<16xf32>
      %jit3A_626 = arith.constant 4.000000e+00 : f32
      %broadcast_in_dim3A_627 = vector.broadcast %jit3A_626 : f32 to vector<16xf32>
      %select_n3A_628 = arith.select %eq3A_625, %broadcast_in_dim3A_627, %select_n3A_624 : vector<16xi1>, vector<16xf32>
      %eq3A_629 = arith.cmpf oeq, %get3A_504, %max3A_606 : vector<16xf32>
      %jit3A_630 = arith.constant 5.000000e+00 : f32
      %broadcast_in_dim3A_631 = vector.broadcast %jit3A_630 : f32 to vector<16xf32>
      %select_n3A_632 = arith.select %eq3A_629, %broadcast_in_dim3A_631, %select_n3A_628 : vector<16xi1>, vector<16xf32>
      %eq3A_633 = arith.cmpf oeq, %get3A_507, %max3A_606 : vector<16xf32>
      %jit3A_634 = arith.constant 6.000000e+00 : f32
      %broadcast_in_dim3A_635 = vector.broadcast %jit3A_634 : f32 to vector<16xf32>
      %select_n3A_636 = arith.select %eq3A_633, %broadcast_in_dim3A_635, %select_n3A_632 : vector<16xi1>, vector<16xf32>
      %eq3A_637 = arith.cmpf oeq, %get3A_510, %max3A_606 : vector<16xf32>
      %jit3A_638 = arith.constant 7.000000e+00 : f32
      %broadcast_in_dim3A_639 = vector.broadcast %jit3A_638 : f32 to vector<16xf32>
      %select_n3A_640 = arith.select %eq3A_637, %broadcast_in_dim3A_639, %select_n3A_636 : vector<16xi1>, vector<16xf32>
      %eq3A_641 = arith.cmpf oeq, %get3A_513, %max3A_606 : vector<16xf32>
      %jit3A_642 = arith.constant 8.000000e+00 : f32
      %broadcast_in_dim3A_643 = vector.broadcast %jit3A_642 : f32 to vector<16xf32>
      %select_n3A_644 = arith.select %eq3A_641, %broadcast_in_dim3A_643, %select_n3A_640 : vector<16xi1>, vector<16xf32>
      %eq3A_645 = arith.cmpf oeq, %get3A_516, %max3A_606 : vector<16xf32>
      %jit3A_646 = arith.constant 9.000000e+00 : f32
      %broadcast_in_dim3A_647 = vector.broadcast %jit3A_646 : f32 to vector<16xf32>
      %select_n3A_648 = arith.select %eq3A_645, %broadcast_in_dim3A_647, %select_n3A_644 : vector<16xi1>, vector<16xf32>
      %eq3A_649 = arith.cmpf oeq, %get3A_519, %max3A_606 : vector<16xf32>
      %jit3A_650 = arith.constant 1.000000e+01 : f32
      %broadcast_in_dim3A_651 = vector.broadcast %jit3A_650 : f32 to vector<16xf32>
      %select_n3A_652 = arith.select %eq3A_649, %broadcast_in_dim3A_651, %select_n3A_648 : vector<16xi1>, vector<16xf32>
      %eq3A_653 = arith.cmpf oeq, %get3A_522, %max3A_606 : vector<16xf32>
      %jit3A_654 = arith.constant 1.100000e+01 : f32
      %broadcast_in_dim3A_655 = vector.broadcast %jit3A_654 : f32 to vector<16xf32>
      %select_n3A_656 = arith.select %eq3A_653, %broadcast_in_dim3A_655, %select_n3A_652 : vector<16xi1>, vector<16xf32>
      %eq3A_657 = arith.cmpf oeq, %get3A_525, %max3A_606 : vector<16xf32>
      %jit3A_658 = arith.constant 1.200000e+01 : f32
      %broadcast_in_dim3A_659 = vector.broadcast %jit3A_658 : f32 to vector<16xf32>
      %select_n3A_660 = arith.select %eq3A_657, %broadcast_in_dim3A_659, %select_n3A_656 : vector<16xi1>, vector<16xf32>
      %eq3A_661 = arith.cmpf oeq, %get3A_528, %max3A_606 : vector<16xf32>
      %jit3A_662 = arith.constant 1.300000e+01 : f32
      %broadcast_in_dim3A_663 = vector.broadcast %jit3A_662 : f32 to vector<16xf32>
      %select_n3A_664 = arith.select %eq3A_661, %broadcast_in_dim3A_663, %select_n3A_660 : vector<16xi1>, vector<16xf32>
      %eq3A_665 = arith.cmpf oeq, %get3A_531, %max3A_606 : vector<16xf32>
      %jit3A_666 = arith.constant 1.400000e+01 : f32
      %broadcast_in_dim3A_667 = vector.broadcast %jit3A_666 : f32 to vector<16xf32>
      %select_n3A_668 = arith.select %eq3A_665, %broadcast_in_dim3A_667, %select_n3A_664 : vector<16xi1>, vector<16xf32>
      %eq3A_669 = arith.cmpf oeq, %get3A_534, %max3A_606 : vector<16xf32>
      %jit3A_670 = arith.constant 1.500000e+01 : f32
      %broadcast_in_dim3A_671 = vector.broadcast %jit3A_670 : f32 to vector<16xf32>
      %select_n3A_672 = arith.select %eq3A_669, %broadcast_in_dim3A_671, %select_n3A_668 : vector<16xi1>, vector<16xf32>
      %iota3A_673 = tpu.iota {dimensions = array<i32: 0>} : vector<16xi32>
      %xor3A_674 = arith.constant 1 : i32
      %xor3A_675 = vector.broadcast %xor3A_674 : i32 to vector<16xi32>
      %xor3A_676 = arith.xori %iota3A_673, %xor3A_675 : vector<16xi32>
      %lt3A_677 = arith.constant 0 : i32
      %lt3A_678 = vector.broadcast %lt3A_677 : i32 to vector<16xi32>
      %lt3A_679 = arith.cmpi slt, %xor3A_676, %lt3A_678 : vector<16xi32>
      %add3A_680 = arith.constant 16 : i32
      %add3A_681 = vector.broadcast %add3A_680 : i32 to vector<16xi32>
      %add3A_682 = arith.addi %xor3A_676, %add3A_681 : vector<16xi32>
      %select_n3A_683 = arith.select %lt3A_679, %add3A_682, %xor3A_676 : vector<16xi1>, vector<16xi32>
      %broadcast_in_dim3A_684 = vector.shape_cast %select_n3A_683 : vector<16xi32> to vector<16x1xi32>
      %gather3A_685 = vector.shape_cast %broadcast_in_dim3A_684 : vector<16x1xi32> to vector<16xi32>
      %gather3A_686 = tpu.dynamic_gather %select_n3A_672[%gather3A_685] in [0] : vector<16xf32>, vector<16xi32> -> vector<16xf32>
      %max3A_687 = arith.maximumf %select_n3A_672, %gather3A_686 : vector<16xf32>
      %xor3A_688 = arith.constant 2 : i32
      %xor3A_689 = vector.broadcast %xor3A_688 : i32 to vector<16xi32>
      %xor3A_690 = arith.xori %iota3A_673, %xor3A_689 : vector<16xi32>
      %lt3A_691 = arith.constant 0 : i32
      %lt3A_692 = vector.broadcast %lt3A_691 : i32 to vector<16xi32>
      %lt3A_693 = arith.cmpi slt, %xor3A_690, %lt3A_692 : vector<16xi32>
      %add3A_694 = arith.constant 16 : i32
      %add3A_695 = vector.broadcast %add3A_694 : i32 to vector<16xi32>
      %add3A_696 = arith.addi %xor3A_690, %add3A_695 : vector<16xi32>
      %select_n3A_697 = arith.select %lt3A_693, %add3A_696, %xor3A_690 : vector<16xi1>, vector<16xi32>
      %broadcast_in_dim3A_698 = vector.shape_cast %select_n3A_697 : vector<16xi32> to vector<16x1xi32>
      %gather3A_699 = vector.shape_cast %broadcast_in_dim3A_698 : vector<16x1xi32> to vector<16xi32>
      %gather3A_700 = tpu.dynamic_gather %max3A_687[%gather3A_699] in [0] : vector<16xf32>, vector<16xi32> -> vector<16xf32>
      %max3A_701 = arith.maximumf %max3A_687, %gather3A_700 : vector<16xf32>
      %xor3A_702 = arith.constant 4 : i32
      %xor3A_703 = vector.broadcast %xor3A_702 : i32 to vector<16xi32>
      %xor3A_704 = arith.xori %iota3A_673, %xor3A_703 : vector<16xi32>
      %lt3A_705 = arith.constant 0 : i32
      %lt3A_706 = vector.broadcast %lt3A_705 : i32 to vector<16xi32>
      %lt3A_707 = arith.cmpi slt, %xor3A_704, %lt3A_706 : vector<16xi32>
      %add3A_708 = arith.constant 16 : i32
      %add3A_709 = vector.broadcast %add3A_708 : i32 to vector<16xi32>
      %add3A_710 = arith.addi %xor3A_704, %add3A_709 : vector<16xi32>
      %select_n3A_711 = arith.select %lt3A_707, %add3A_710, %xor3A_704 : vector<16xi1>, vector<16xi32>
      %broadcast_in_dim3A_712 = vector.shape_cast %select_n3A_711 : vector<16xi32> to vector<16x1xi32>
      %gather3A_713 = vector.shape_cast %broadcast_in_dim3A_712 : vector<16x1xi32> to vector<16xi32>
      %gather3A_714 = tpu.dynamic_gather %max3A_701[%gather3A_713] in [0] : vector<16xf32>, vector<16xi32> -> vector<16xf32>
      %max3A_715 = arith.maximumf %max3A_701, %gather3A_714 : vector<16xf32>
      %xor3A_716 = arith.constant 8 : i32
      %xor3A_717 = vector.broadcast %xor3A_716 : i32 to vector<16xi32>
      %xor3A_718 = arith.xori %iota3A_673, %xor3A_717 : vector<16xi32>
      %lt3A_719 = arith.constant 0 : i32
      %lt3A_720 = vector.broadcast %lt3A_719 : i32 to vector<16xi32>
      %lt3A_721 = arith.cmpi slt, %xor3A_718, %lt3A_720 : vector<16xi32>
      %add3A_722 = arith.constant 16 : i32
      %add3A_723 = vector.broadcast %add3A_722 : i32 to vector<16xi32>
      %add3A_724 = arith.addi %xor3A_718, %add3A_723 : vector<16xi32>
      %select_n3A_725 = arith.select %lt3A_721, %add3A_724, %xor3A_718 : vector<16xi1>, vector<16xi32>
      %broadcast_in_dim3A_726 = vector.shape_cast %select_n3A_725 : vector<16xi32> to vector<16x1xi32>
      %gather3A_727 = vector.shape_cast %broadcast_in_dim3A_726 : vector<16x1xi32> to vector<16xi32>
      %gather3A_728 = tpu.dynamic_gather %max3A_715[%gather3A_727] in [0] : vector<16xf32>, vector<16xi32> -> vector<16xf32>
      %max3A_729 = arith.maximumf %max3A_715, %gather3A_728 : vector<16xf32>
      %slice3A_730 = vector.extract_strided_slice %max3A_729 {offsets = [0], sizes = [1], strides = [1]} : vector<16xf32> to vector<1xf32>
      %squeeze3A_731 = vector.extract %slice3A_730[0] : f32 from vector<1xf32>
      %convert_element_type3A_732 = arith.fptosi %squeeze3A_731 : f32 to i32
      %mul3A_733 = arith.constant 256 : i32
      %mul3A_734 = arith.muli %convert_element_type3A_732, %mul3A_733 : i32
      %add3A_735 = arith.constant 4096 : i32
      %add3A_736 = arith.addi %add3A_735, %mul3A_734 : i32
      %add3A_737 = arith.constant 0 : i32
      %add3A_738 = arith.addi %add3A_736, %add3A_737 : i32
      %get3A_739 = arith.index_cast %add3A_738 : i32 to index
      %get3A_740 = tpu.vector_load %arg12[%get3A_739] {strides = array<i32>} : memref<16384xf32, #tpu.memory_space<vmem>>, vector<16xf32>,
      %get3A_741 = vector.shape_cast %get3A_740 : vector<16xf32> to vector<16xf32>
      %ge3A_742 = arith.cmpf oge, %get3A_741, %max3A_606 : vector<16xf32>
      %jit3A_743 = arith.constant -3.000000e+00 : f32
      %broadcast_in_dim3A_744 = vector.broadcast %jit3A_743 : f32 to vector<16xf32>
      %select_n3A_745 = arith.select %ge3A_742, %broadcast_in_dim3A_744, %get3A_741 : vector<16xi1>, vector<16xf32>
      %max3A_746 = arith.maximumf %broadcast_in_dim3A_34, %select_n3A_745 : vector<16xf32>
      %add3A_747 = arith.constant 16 : i32
      %add3A_748 = arith.addi %add3A_736, %add3A_747 : i32
      %get3A_749 = arith.index_cast %add3A_748 : i32 to index
      %get3A_750 = tpu.vector_load %arg12[%get3A_749] {strides = array<i32>} : memref<16384xf32, #tpu.memory_space<vmem>>, vector<16xf32>,
      %get3A_751 = vector.shape_cast %get3A_750 : vector<16xf32> to vector<16xf32>
      %ge3A_752 = arith.cmpf oge, %get3A_751, %max3A_606 : vector<16xf32>
      %jit3A_753 = arith.constant -3.000000e+00 : f32
      %broadcast_in_dim3A_754 = vector.broadcast %jit3A_753 : f32 to vector<16xf32>
      %select_n3A_755 = arith.select %ge3A_752, %broadcast_in_dim3A_754, %get3A_751 : vector<16xi1>, vector<16xf32>
      %max3A_756 = arith.maximumf %max3A_746, %select_n3A_755 : vector<16xf32>
      %add3A_757 = arith.constant 32 : i32
      %add3A_758 = arith.addi %add3A_736, %add3A_757 : i32
      %get3A_759 = arith.index_cast %add3A_758 : i32 to index
      %get3A_760 = tpu.vector_load %arg12[%get3A_759] {strides = array<i32>} : memref<16384xf32, #tpu.memory_space<vmem>>, vector<16xf32>,
      %get3A_761 = vector.shape_cast %get3A_760 : vector<16xf32> to vector<16xf32>
      %ge3A_762 = arith.cmpf oge, %get3A_761, %max3A_606 : vector<16xf32>
      %jit3A_763 = arith.constant -3.000000e+00 : f32
      %broadcast_in_dim3A_764 = vector.broadcast %jit3A_763 : f32 to vector<16xf32>
      %select_n3A_765 = arith.select %ge3A_762, %broadcast_in_dim3A_764, %get3A_761 : vector<16xi1>, vector<16xf32>
      %max3A_766 = arith.maximumf %max3A_756, %select_n3A_765 : vector<16xf32>
      %add3A_767 = arith.constant 48 : i32
      %add3A_768 = arith.addi %add3A_736, %add3A_767 : i32
      %get3A_769 = arith.index_cast %add3A_768 : i32 to index
      %get3A_770 = tpu.vector_load %arg12[%get3A_769] {strides = array<i32>} : memref<16384xf32, #tpu.memory_space<vmem>>, vector<16xf32>,
      %get3A_771 = vector.shape_cast %get3A_770 : vector<16xf32> to vector<16xf32>
      %ge3A_772 = arith.cmpf oge, %get3A_771, %max3A_606 : vector<16xf32>
      %jit3A_773 = arith.constant -3.000000e+00 : f32
      %broadcast_in_dim3A_774 = vector.broadcast %jit3A_773 : f32 to vector<16xf32>
      %select_n3A_775 = arith.select %ge3A_772, %broadcast_in_dim3A_774, %get3A_771 : vector<16xi1>, vector<16xf32>
      %max3A_776 = arith.maximumf %max3A_766, %select_n3A_775 : vector<16xf32>
      %add3A_777 = arith.constant 64 : i32
      %add3A_778 = arith.addi %add3A_736, %add3A_777 : i32
      %get3A_779 = arith.index_cast %add3A_778 : i32 to index
      %get3A_780 = tpu.vector_load %arg12[%get3A_779] {strides = array<i32>} : memref<16384xf32, #tpu.memory_space<vmem>>, vector<16xf32>,
      %get3A_781 = vector.shape_cast %get3A_780 : vector<16xf32> to vector<16xf32>
      %ge3A_782 = arith.cmpf oge, %get3A_781, %max3A_606 : vector<16xf32>
      %jit3A_783 = arith.constant -3.000000e+00 : f32
      %broadcast_in_dim3A_784 = vector.broadcast %jit3A_783 : f32 to vector<16xf32>
      %select_n3A_785 = arith.select %ge3A_782, %broadcast_in_dim3A_784, %get3A_781 : vector<16xi1>, vector<16xf32>
      %max3A_786 = arith.maximumf %max3A_776, %select_n3A_785 : vector<16xf32>
      %add3A_787 = arith.constant 80 : i32
      %add3A_788 = arith.addi %add3A_736, %add3A_787 : i32
      %get3A_789 = arith.index_cast %add3A_788 : i32 to index
      %get3A_790 = tpu.vector_load %arg12[%get3A_789] {strides = array<i32>} : memref<16384xf32, #tpu.memory_space<vmem>>, vector<16xf32>,
      %get3A_791 = vector.shape_cast %get3A_790 : vector<16xf32> to vector<16xf32>
      %ge3A_792 = arith.cmpf oge, %get3A_791, %max3A_606 : vector<16xf32>
      %jit3A_793 = arith.constant -3.000000e+00 : f32
      %broadcast_in_dim3A_794 = vector.broadcast %jit3A_793 : f32 to vector<16xf32>
      %select_n3A_795 = arith.select %ge3A_792, %broadcast_in_dim3A_794, %get3A_791 : vector<16xi1>, vector<16xf32>
      %max3A_796 = arith.maximumf %max3A_786, %select_n3A_795 : vector<16xf32>
      %add3A_797 = arith.constant 96 : i32
      %add3A_798 = arith.addi %add3A_736, %add3A_797 : i32
      %get3A_799 = arith.index_cast %add3A_798 : i32 to index
      %get3A_800 = tpu.vector_load %arg12[%get3A_799] {strides = array<i32>} : memref<16384xf32, #tpu.memory_space<vmem>>, vector<16xf32>,
      %get3A_801 = vector.shape_cast %get3A_800 : vector<16xf32> to vector<16xf32>
      %ge3A_802 = arith.cmpf oge, %get3A_801, %max3A_606 : vector<16xf32>
      %jit3A_803 = arith.constant -3.000000e+00 : f32
      %broadcast_in_dim3A_804 = vector.broadcast %jit3A_803 : f32 to vector<16xf32>
      %select_n3A_805 = arith.select %ge3A_802, %broadcast_in_dim3A_804, %get3A_801 : vector<16xi1>, vector<16xf32>
      %max3A_806 = arith.maximumf %max3A_796, %select_n3A_805 : vector<16xf32>
      %add3A_807 = arith.constant 112 : i32
      %add3A_808 = arith.addi %add3A_736, %add3A_807 : i32
      %get3A_809 = arith.index_cast %add3A_808 : i32 to index
      %get3A_810 = tpu.vector_load %arg12[%get3A_809] {strides = array<i32>} : memref<16384xf32, #tpu.memory_space<vmem>>, vector<16xf32>,
      %get3A_811 = vector.shape_cast %get3A_810 : vector<16xf32> to vector<16xf32>
      %ge3A_812 = arith.cmpf oge, %get3A_811, %max3A_606 : vector<16xf32>
      %jit3A_813 = arith.constant -3.000000e+00 : f32
      %broadcast_in_dim3A_814 = vector.broadcast %jit3A_813 : f32 to vector<16xf32>
      %select_n3A_815 = arith.select %ge3A_812, %broadcast_in_dim3A_814, %get3A_811 : vector<16xi1>, vector<16xf32>
      %max3A_816 = arith.maximumf %max3A_806, %select_n3A_815 : vector<16xf32>
      %add3A_817 = arith.constant 128 : i32
      %add3A_818 = arith.addi %add3A_736, %add3A_817 : i32
      %get3A_819 = arith.index_cast %add3A_818 : i32 to index
      %get3A_820 = tpu.vector_load %arg12[%get3A_819] {strides = array<i32>} : memref<16384xf32, #tpu.memory_space<vmem>>, vector<16xf32>,
      %get3A_821 = vector.shape_cast %get3A_820 : vector<16xf32> to vector<16xf32>
      %ge3A_822 = arith.cmpf oge, %get3A_821, %max3A_606 : vector<16xf32>
      %jit3A_823 = arith.constant -3.000000e+00 : f32
      %broadcast_in_dim3A_824 = vector.broadcast %jit3A_823 : f32 to vector<16xf32>
      %select_n3A_825 = arith.select %ge3A_822, %broadcast_in_dim3A_824, %get3A_821 : vector<16xi1>, vector<16xf32>
      %max3A_826 = arith.maximumf %max3A_816, %select_n3A_825 : vector<16xf32>
      %add3A_827 = arith.constant 144 : i32
      %add3A_828 = arith.addi %add3A_736, %add3A_827 : i32
      %get3A_829 = arith.index_cast %add3A_828 : i32 to index
      %get3A_830 = tpu.vector_load %arg12[%get3A_829] {strides = array<i32>} : memref<16384xf32, #tpu.memory_space<vmem>>, vector<16xf32>,
      %get3A_831 = vector.shape_cast %get3A_830 : vector<16xf32> to vector<16xf32>
      %ge3A_832 = arith.cmpf oge, %get3A_831, %max3A_606 : vector<16xf32>
      %jit3A_833 = arith.constant -3.000000e+00 : f32
      %broadcast_in_dim3A_834 = vector.broadcast %jit3A_833 : f32 to vector<16xf32>
      %select_n3A_835 = arith.select %ge3A_832, %broadcast_in_dim3A_834, %get3A_831 : vector<16xi1>, vector<16xf32>
      %max3A_836 = arith.maximumf %max3A_826, %select_n3A_835 : vector<16xf32>
      %add3A_837 = arith.constant 160 : i32
      %add3A_838 = arith.addi %add3A_736, %add3A_837 : i32
      %get3A_839 = arith.index_cast %add3A_838 : i32 to index
      %get3A_840 = tpu.vector_load %arg12[%get3A_839] {strides = array<i32>} : memref<16384xf32, #tpu.memory_space<vmem>>, vector<16xf32>,
      %get3A_841 = vector.shape_cast %get3A_840 : vector<16xf32> to vector<16xf32>
      %ge3A_842 = arith.cmpf oge, %get3A_841, %max3A_606 : vector<16xf32>
      %jit3A_843 = arith.constant -3.000000e+00 : f32
      %broadcast_in_dim3A_844 = vector.broadcast %jit3A_843 : f32 to vector<16xf32>
      %select_n3A_845 = arith.select %ge3A_842, %broadcast_in_dim3A_844, %get3A_841 : vector<16xi1>, vector<16xf32>
      %max3A_846 = arith.maximumf %max3A_836, %select_n3A_845 : vector<16xf32>
      %add3A_847 = arith.constant 176 : i32
      %add3A_848 = arith.addi %add3A_736, %add3A_847 : i32
      %get3A_849 = arith.index_cast %add3A_848 : i32 to index
      %get3A_850 = tpu.vector_load %arg12[%get3A_849] {strides = array<i32>} : memref<16384xf32, #tpu.memory_space<vmem>>, vector<16xf32>,
      %get3A_851 = vector.shape_cast %get3A_850 : vector<16xf32> to vector<16xf32>
      %ge3A_852 = arith.cmpf oge, %get3A_851, %max3A_606 : vector<16xf32>
      %jit3A_853 = arith.constant -3.000000e+00 : f32
      %broadcast_in_dim3A_854 = vector.broadcast %jit3A_853 : f32 to vector<16xf32>
      %select_n3A_855 = arith.select %ge3A_852, %broadcast_in_dim3A_854, %get3A_851 : vector<16xi1>, vector<16xf32>
      %max3A_856 = arith.maximumf %max3A_846, %select_n3A_855 : vector<16xf32>
      %add3A_857 = arith.constant 192 : i32
      %add3A_858 = arith.addi %add3A_736, %add3A_857 : i32
      %get3A_859 = arith.index_cast %add3A_858 : i32 to index
      %get3A_860 = tpu.vector_load %arg12[%get3A_859] {strides = array<i32>} : memref<16384xf32, #tpu.memory_space<vmem>>, vector<16xf32>,
      %get3A_861 = vector.shape_cast %get3A_860 : vector<16xf32> to vector<16xf32>
      %ge3A_862 = arith.cmpf oge, %get3A_861, %max3A_606 : vector<16xf32>
      %jit3A_863 = arith.constant -3.000000e+00 : f32
      %broadcast_in_dim3A_864 = vector.broadcast %jit3A_863 : f32 to vector<16xf32>
      %select_n3A_865 = arith.select %ge3A_862, %broadcast_in_dim3A_864, %get3A_861 : vector<16xi1>, vector<16xf32>
      %max3A_866 = arith.maximumf %max3A_856, %select_n3A_865 : vector<16xf32>
      %add3A_867 = arith.constant 208 : i32
      %add3A_868 = arith.addi %add3A_736, %add3A_867 : i32
      %get3A_869 = arith.index_cast %add3A_868 : i32 to index
      %get3A_870 = tpu.vector_load %arg12[%get3A_869] {strides = array<i32>} : memref<16384xf32, #tpu.memory_space<vmem>>, vector<16xf32>,
      %get3A_871 = vector.shape_cast %get3A_870 : vector<16xf32> to vector<16xf32>
      %ge3A_872 = arith.cmpf oge, %get3A_871, %max3A_606 : vector<16xf32>
      %jit3A_873 = arith.constant -3.000000e+00 : f32
      %broadcast_in_dim3A_874 = vector.broadcast %jit3A_873 : f32 to vector<16xf32>
      %select_n3A_875 = arith.select %ge3A_872, %broadcast_in_dim3A_874, %get3A_871 : vector<16xi1>, vector<16xf32>
      %max3A_876 = arith.maximumf %max3A_866, %select_n3A_875 : vector<16xf32>
      %add3A_877 = arith.constant 224 : i32
      %add3A_878 = arith.addi %add3A_736, %add3A_877 : i32
      %get3A_879 = arith.index_cast %add3A_878 : i32 to index
      %get3A_880 = tpu.vector_load %arg12[%get3A_879] {strides = array<i32>} : memref<16384xf32, #tpu.memory_space<vmem>>, vector<16xf32>,
      %get3A_881 = vector.shape_cast %get3A_880 : vector<16xf32> to vector<16xf32>
      %ge3A_882 = arith.cmpf oge, %get3A_881, %max3A_606 : vector<16xf32>
      %jit3A_883 = arith.constant -3.000000e+00 : f32
      %broadcast_in_dim3A_884 = vector.broadcast %jit3A_883 : f32 to vector<16xf32>
      %select_n3A_885 = arith.select %ge3A_882, %broadcast_in_dim3A_884, %get3A_881 : vector<16xi1>, vector<16xf32>
      %max3A_886 = arith.maximumf %max3A_876, %select_n3A_885 : vector<16xf32>
      %add3A_887 = arith.constant 240 : i32
      %add3A_888 = arith.addi %add3A_736, %add3A_887 : i32
      %get3A_889 = arith.index_cast %add3A_888 : i32 to index
      %get3A_890 = tpu.vector_load %arg12[%get3A_889] {strides = array<i32>} : memref<16384xf32, #tpu.memory_space<vmem>>, vector<16xf32>,
      %get3A_891 = vector.shape_cast %get3A_890 : vector<16xf32> to vector<16xf32>
      %ge3A_892 = arith.cmpf oge, %get3A_891, %max3A_606 : vector<16xf32>
      %jit3A_893 = arith.constant -3.000000e+00 : f32
      %broadcast_in_dim3A_894 = vector.broadcast %jit3A_893 : f32 to vector<16xf32>
      %select_n3A_895 = arith.select %ge3A_892, %broadcast_in_dim3A_894, %get3A_891 : vector<16xi1>, vector<16xf32>
      %max3A_896 = arith.maximumf %max3A_886, %select_n3A_895 : vector<16xf32>
      %mul3A_897 = arith.constant 16 : i32
      %mul3A_898 = arith.muli %convert_element_type3A_732, %mul3A_897 : i32
      %add3A_899 = arith.constant 256 : i32
      %add3A_900 = arith.addi %add3A_899, %mul3A_898 : i32
      %swap3A_901 = arith.index_cast %add3A_900 : i32 to index
      %swap3A_902 = tpu.vector_load %arg13[%swap3A_901] {strides = array<i32>} : memref<1024xf32, #tpu.memory_space<vmem>>, vector<16xf32>,
      %swap3A_903 = vector.shape_cast %swap3A_902 : vector<16xf32> to vector<16xf32>
      %swap3A_904 = vector.shape_cast %max3A_896 : vector<16xf32> to vector<16xf32>
      tpu.vector_store %arg13[%swap3A_901], %swap3A_904 {strides = array<i32>} : memref<1024xf32, #tpu.memory_space<vmem>>, vector<16xf32>,
      %get3A_905 = arith.constant 512 : index
      %get3A_906 = tpu.vector_load %arg13[%get3A_905] {strides = array<i32>} : memref<1024xf32, #tpu.memory_space<vmem>>, vector<16xf32>,
      %get3A_907 = vector.shape_cast %get3A_906 : vector<16xf32> to vector<16xf32>
      %get3A_908 = arith.constant 528 : index
      %get3A_909 = tpu.vector_load %arg13[%get3A_908] {strides = array<i32>} : memref<1024xf32, #tpu.memory_space<vmem>>, vector<16xf32>,
      %get3A_910 = vector.shape_cast %get3A_909 : vector<16xf32> to vector<16xf32>
      %get3A_911 = arith.constant 544 : index
      %get3A_912 = tpu.vector_load %arg13[%get3A_911] {strides = array<i32>} : memref<1024xf32, #tpu.memory_space<vmem>>, vector<16xf32>,
      %get3A_913 = vector.shape_cast %get3A_912 : vector<16xf32> to vector<16xf32>
      %get3A_914 = arith.constant 560 : index
      %get3A_915 = tpu.vector_load %arg13[%get3A_914] {strides = array<i32>} : memref<1024xf32, #tpu.memory_space<vmem>>, vector<16xf32>,
      %get3A_916 = vector.shape_cast %get3A_915 : vector<16xf32> to vector<16xf32>
      %get3A_917 = arith.constant 576 : index
      %get3A_918 = tpu.vector_load %arg13[%get3A_917] {strides = array<i32>} : memref<1024xf32, #tpu.memory_space<vmem>>, vector<16xf32>,
      %get3A_919 = vector.shape_cast %get3A_918 : vector<16xf32> to vector<16xf32>
      %get3A_920 = arith.constant 592 : index
      %get3A_921 = tpu.vector_load %arg13[%get3A_920] {strides = array<i32>} : memref<1024xf32, #tpu.memory_space<vmem>>, vector<16xf32>,
      %get3A_922 = vector.shape_cast %get3A_921 : vector<16xf32> to vector<16xf32>
      %get3A_923 = arith.constant 608 : index
      %get3A_924 = tpu.vector_load %arg13[%get3A_923] {strides = array<i32>} : memref<1024xf32, #tpu.memory_space<vmem>>, vector<16xf32>,
      %get3A_925 = vector.shape_cast %get3A_924 : vector<16xf32> to vector<16xf32>
      %get3A_926 = arith.constant 624 : index
      %get3A_927 = tpu.vector_load %arg13[%get3A_926] {strides = array<i32>} : memref<1024xf32, #tpu.memory_space<vmem>>, vector<16xf32>,
      %get3A_928 = vector.shape_cast %get3A_927 : vector<16xf32> to vector<16xf32>
      %get3A_929 = arith.constant 640 : index
      %get3A_930 = tpu.vector_load %arg13[%get3A_929] {strides = array<i32>} : memref<1024xf32, #tpu.memory_space<vmem>>, vector<16xf32>,
      %get3A_931 = vector.shape_cast %get3A_930 : vector<16xf32> to vector<16xf32>
      %get3A_932 = arith.constant 656 : index
      %get3A_933 = tpu.vector_load %arg13[%get3A_932] {strides = array<i32>} : memref<1024xf32, #tpu.memory_space<vmem>>, vector<16xf32>,
      %get3A_934 = vector.shape_cast %get3A_933 : vector<16xf32> to vector<16xf32>
      %get3A_935 = arith.constant 672 : index
      %get3A_936 = tpu.vector_load %arg13[%get3A_935] {strides = array<i32>} : memref<1024xf32, #tpu.memory_space<vmem>>, vector<16xf32>,
      %get3A_937 = vector.shape_cast %get3A_936 : vector<16xf32> to vector<16xf32>
      %get3A_938 = arith.constant 688 : index
      %get3A_939 = tpu.vector_load %arg13[%get3A_938] {strides = array<i32>} : memref<1024xf32, #tpu.memory_space<vmem>>, vector<16xf32>,
      %get3A_940 = vector.shape_cast %get3A_939 : vector<16xf32> to vector<16xf32>
      %get3A_941 = arith.constant 704 : index
      %get3A_942 = tpu.vector_load %arg13[%get3A_941] {strides = array<i32>} : memref<1024xf32, #tpu.memory_space<vmem>>, vector<16xf32>,
      %get3A_943 = vector.shape_cast %get3A_942 : vector<16xf32> to vector<16xf32>
      %get3A_944 = arith.constant 720 : index
      %get3A_945 = tpu.vector_load %arg13[%get3A_944] {strides = array<i32>} : memref<1024xf32, #tpu.memory_space<vmem>>, vector<16xf32>,
      %get3A_946 = vector.shape_cast %get3A_945 : vector<16xf32> to vector<16xf32>
      %get3A_947 = arith.constant 736 : index
      %get3A_948 = tpu.vector_load %arg13[%get3A_947] {strides = array<i32>} : memref<1024xf32, #tpu.memory_space<vmem>>, vector<16xf32>,
      %get3A_949 = vector.shape_cast %get3A_948 : vector<16xf32> to vector<16xf32>
      %get3A_950 = arith.constant 752 : index
      %get3A_951 = tpu.vector_load %arg13[%get3A_950] {strides = array<i32>} : memref<1024xf32, #tpu.memory_space<vmem>>, vector<16xf32>,
      %get3A_952 = vector.shape_cast %get3A_951 : vector<16xf32> to vector<16xf32>
      %max3A_953 = arith.maximumf %get3A_907, %get3A_910 : vector<16xf32>
      %max3A_954 = arith.maximumf %max3A_953, %get3A_913 : vector<16xf32>
      %max3A_955 = arith.maximumf %max3A_954, %get3A_916 : vector<16xf32>
      %max3A_956 = arith.maximumf %max3A_955, %get3A_919 : vector<16xf32>
      %max3A_957 = arith.maximumf %max3A_956, %get3A_922 : vector<16xf32>
      %max3A_958 = arith.maximumf %max3A_957, %get3A_925 : vector<16xf32>
      %max3A_959 = arith.maximumf %max3A_958, %get3A_928 : vector<16xf32>
      %max3A_960 = arith.maximumf %max3A_959, %get3A_931 : vector<16xf32>
      %max3A_961 = arith.maximumf %max3A_960, %get3A_934 : vector<16xf32>
      %max3A_962 = arith.maximumf %max3A_961, %get3A_937 : vector<16xf32>
      %max3A_963 = arith.maximumf %max3A_962, %get3A_940 : vector<16xf32>
      %max3A_964 = arith.maximumf %max3A_963, %get3A_943 : vector<16xf32>
      %max3A_965 = arith.maximumf %max3A_964, %get3A_946 : vector<16xf32>
      %max3A_966 = arith.maximumf %max3A_965, %get3A_949 : vector<16xf32>
      %max3A_967 = arith.maximumf %max3A_966, %get3A_952 : vector<16xf32>
      %iota3A_968 = tpu.iota {dimensions = array<i32: 0>} : vector<16xi32>
      %xor3A_969 = arith.constant 1 : i32
      %xor3A_970 = vector.broadcast %xor3A_969 : i32 to vector<16xi32>
      %xor3A_971 = arith.xori %iota3A_968, %xor3A_970 : vector<16xi32>
      %lt3A_972 = arith.constant 0 : i32
      %lt3A_973 = vector.broadcast %lt3A_972 : i32 to vector<16xi32>
      %lt3A_974 = arith.cmpi slt, %xor3A_971, %lt3A_973 : vector<16xi32>
      %add3A_975 = arith.constant 16 : i32
      %add3A_976 = vector.broadcast %add3A_975 : i32 to vector<16xi32>
      %add3A_977 = arith.addi %xor3A_971, %add3A_976 : vector<16xi32>
      %select_n3A_978 = arith.select %lt3A_974, %add3A_977, %xor3A_971 : vector<16xi1>, vector<16xi32>
      %broadcast_in_dim3A_979 = vector.shape_cast %select_n3A_978 : vector<16xi32> to vector<16x1xi32>
      %gather3A_980 = vector.shape_cast %broadcast_in_dim3A_979 : vector<16x1xi32> to vector<16xi32>
      %gather3A_981 = tpu.dynamic_gather %max3A_967[%gather3A_980] in [0] : vector<16xf32>, vector<16xi32> -> vector<16xf32>
      %max3A_982 = arith.maximumf %max3A_967, %gather3A_981 : vector<16xf32>
      %xor3A_983 = arith.constant 2 : i32
      %xor3A_984 = vector.broadcast %xor3A_983 : i32 to vector<16xi32>
      %xor3A_985 = arith.xori %iota3A_968, %xor3A_984 : vector<16xi32>
      %lt3A_986 = arith.constant 0 : i32
      %lt3A_987 = vector.broadcast %lt3A_986 : i32 to vector<16xi32>
      %lt3A_988 = arith.cmpi slt, %xor3A_985, %lt3A_987 : vector<16xi32>
      %add3A_989 = arith.constant 16 : i32
      %add3A_990 = vector.broadcast %add3A_989 : i32 to vector<16xi32>
      %add3A_991 = arith.addi %xor3A_985, %add3A_990 : vector<16xi32>
      %select_n3A_992 = arith.select %lt3A_988, %add3A_991, %xor3A_985 : vector<16xi1>, vector<16xi32>
      %broadcast_in_dim3A_993 = vector.shape_cast %select_n3A_992 : vector<16xi32> to vector<16x1xi32>
      %gather3A_994 = vector.shape_cast %broadcast_in_dim3A_993 : vector<16x1xi32> to vector<16xi32>
      %gather3A_995 = tpu.dynamic_gather %max3A_982[%gather3A_994] in [0] : vector<16xf32>, vector<16xi32> -> vector<16xf32>
      %max3A_996 = arith.maximumf %max3A_982, %gather3A_995 : vector<16xf32>
      %xor3A_997 = arith.constant 4 : i32
      %xor3A_998 = vector.broadcast %xor3A_997 : i32 to vector<16xi32>
      %xor3A_999 = arith.xori %iota3A_968, %xor3A_998 : vector<16xi32>
      %lt3A_1000 = arith.constant 0 : i32
      %lt3A_1001 = vector.broadcast %lt3A_1000 : i32 to vector<16xi32>
      %lt3A_1002 = arith.cmpi slt, %xor3A_999, %lt3A_1001 : vector<16xi32>
      %add3A_1003 = arith.constant 16 : i32
      %add3A_1004 = vector.broadcast %add3A_1003 : i32 to vector<16xi32>
      %add3A_1005 = arith.addi %xor3A_999, %add3A_1004 : vector<16xi32>
      %select_n3A_1006 = arith.select %lt3A_1002, %add3A_1005, %xor3A_999 : vector<16xi1>, vector<16xi32>
      %broadcast_in_dim3A_1007 = vector.shape_cast %select_n3A_1006 : vector<16xi32> to vector<16x1xi32>
      %gather3A_1008 = vector.shape_cast %broadcast_in_dim3A_1007 : vector<16x1xi32> to vector<16xi32>
      %gather3A_1009 = tpu.dynamic_gather %max3A_996[%gather3A_1008] in [0] : vector<16xf32>, vector<16xi32> -> vector<16xf32>
      %max3A_1010 = arith.maximumf %max3A_996, %gather3A_1009 : vector<16xf32>
      %xor3A_1011 = arith.constant 8 : i32
      %xor3A_1012 = vector.broadcast %xor3A_1011 : i32 to vector<16xi32>
      %xor3A_1013 = arith.xori %iota3A_968, %xor3A_1012 : vector<16xi32>
      %lt3A_1014 = arith.constant 0 : i32
      %lt3A_1015 = vector.broadcast %lt3A_1014 : i32 to vector<16xi32>
      %lt3A_1016 = arith.cmpi slt, %xor3A_1013, %lt3A_1015 : vector<16xi32>
      %add3A_1017 = arith.constant 16 : i32
      %add3A_1018 = vector.broadcast %add3A_1017 : i32 to vector<16xi32>
      %add3A_1019 = arith.addi %xor3A_1013, %add3A_1018 : vector<16xi32>
      %select_n3A_1020 = arith.select %lt3A_1016, %add3A_1019, %xor3A_1013 : vector<16xi1>, vector<16xi32>
      %broadcast_in_dim3A_1021 = vector.shape_cast %select_n3A_1020 : vector<16xi32> to vector<16x1xi32>
      %gather3A_1022 = vector.shape_cast %broadcast_in_dim3A_1021 : vector<16x1xi32> to vector<16xi32>
      %gather3A_1023 = tpu.dynamic_gather %max3A_1010[%gather3A_1022] in [0] : vector<16xf32>, vector<16xi32> -> vector<16xf32>
      %max3A_1024 = arith.maximumf %max3A_1010, %gather3A_1023 : vector<16xf32>
      %broadcast_in_dim3A_1025 = arith.constant -1.000000e+00 : f32
      %broadcast_in_dim3A_1026 = vector.broadcast %broadcast_in_dim3A_1025 : f32 to vector<16xf32>
      %eq3A_1027 = arith.cmpf oeq, %get3A_907, %max3A_1024 : vector<16xf32>
      %jit3A_1028 = arith.constant 0.000000e+00 : f32
      %broadcast_in_dim3A_1029 = vector.broadcast %jit3A_1028 : f32 to vector<16xf32>
      %select_n3A_1030 = arith.select %eq3A_1027, %broadcast_in_dim3A_1029, %broadcast_in_dim3A_1026 : vector<16xi1>, vector<16xf32>
      %eq3A_1031 = arith.cmpf oeq, %get3A_910, %max3A_1024 : vector<16xf32>
      %jit3A_1032 = arith.constant 1.000000e+00 : f32
      %broadcast_in_dim3A_1033 = vector.broadcast %jit3A_1032 : f32 to vector<16xf32>
      %select_n3A_1034 = arith.select %eq3A_1031, %broadcast_in_dim3A_1033, %select_n3A_1030 : vector<16xi1>, vector<16xf32>
      %eq3A_1035 = arith.cmpf oeq, %get3A_913, %max3A_1024 : vector<16xf32>
      %jit3A_1036 = arith.constant 2.000000e+00 : f32
      %broadcast_in_dim3A_1037 = vector.broadcast %jit3A_1036 : f32 to vector<16xf32>
      %select_n3A_1038 = arith.select %eq3A_1035, %broadcast_in_dim3A_1037, %select_n3A_1034 : vector<16xi1>, vector<16xf32>
      %eq3A_1039 = arith.cmpf oeq, %get3A_916, %max3A_1024 : vector<16xf32>
      %jit3A_1040 = arith.constant 3.000000e+00 : f32
      %broadcast_in_dim3A_1041 = vector.broadcast %jit3A_1040 : f32 to vector<16xf32>
      %select_n3A_1042 = arith.select %eq3A_1039, %broadcast_in_dim3A_1041, %select_n3A_1038 : vector<16xi1>, vector<16xf32>
      %eq3A_1043 = arith.cmpf oeq, %get3A_919, %max3A_1024 : vector<16xf32>
      %jit3A_1044 = arith.constant 4.000000e+00 : f32
      %broadcast_in_dim3A_1045 = vector.broadcast %jit3A_1044 : f32 to vector<16xf32>
      %select_n3A_1046 = arith.select %eq3A_1043, %broadcast_in_dim3A_1045, %select_n3A_1042 : vector<16xi1>, vector<16xf32>
      %eq3A_1047 = arith.cmpf oeq, %get3A_922, %max3A_1024 : vector<16xf32>
      %jit3A_1048 = arith.constant 5.000000e+00 : f32
      %broadcast_in_dim3A_1049 = vector.broadcast %jit3A_1048 : f32 to vector<16xf32>
      %select_n3A_1050 = arith.select %eq3A_1047, %broadcast_in_dim3A_1049, %select_n3A_1046 : vector<16xi1>, vector<16xf32>
      %eq3A_1051 = arith.cmpf oeq, %get3A_925, %max3A_1024 : vector<16xf32>
      %jit3A_1052 = arith.constant 6.000000e+00 : f32
      %broadcast_in_dim3A_1053 = vector.broadcast %jit3A_1052 : f32 to vector<16xf32>
      %select_n3A_1054 = arith.select %eq3A_1051, %broadcast_in_dim3A_1053, %select_n3A_1050 : vector<16xi1>, vector<16xf32>
      %eq3A_1055 = arith.cmpf oeq, %get3A_928, %max3A_1024 : vector<16xf32>
      %jit3A_1056 = arith.constant 7.000000e+00 : f32
      %broadcast_in_dim3A_1057 = vector.broadcast %jit3A_1056 : f32 to vector<16xf32>
      %select_n3A_1058 = arith.select %eq3A_1055, %broadcast_in_dim3A_1057, %select_n3A_1054 : vector<16xi1>, vector<16xf32>
      %eq3A_1059 = arith.cmpf oeq, %get3A_931, %max3A_1024 : vector<16xf32>
      %jit3A_1060 = arith.constant 8.000000e+00 : f32
      %broadcast_in_dim3A_1061 = vector.broadcast %jit3A_1060 : f32 to vector<16xf32>
      %select_n3A_1062 = arith.select %eq3A_1059, %broadcast_in_dim3A_1061, %select_n3A_1058 : vector<16xi1>, vector<16xf32>
      %eq3A_1063 = arith.cmpf oeq, %get3A_934, %max3A_1024 : vector<16xf32>
      %jit3A_1064 = arith.constant 9.000000e+00 : f32
      %broadcast_in_dim3A_1065 = vector.broadcast %jit3A_1064 : f32 to vector<16xf32>
      %select_n3A_1066 = arith.select %eq3A_1063, %broadcast_in_dim3A_1065, %select_n3A_1062 : vector<16xi1>, vector<16xf32>
      %eq3A_1067 = arith.cmpf oeq, %get3A_937, %max3A_1024 : vector<16xf32>
      %jit3A_1068 = arith.constant 1.000000e+01 : f32
      %broadcast_in_dim3A_1069 = vector.broadcast %jit3A_1068 : f32 to vector<16xf32>
      %select_n3A_1070 = arith.select %eq3A_1067, %broadcast_in_dim3A_1069, %select_n3A_1066 : vector<16xi1>, vector<16xf32>
      %eq3A_1071 = arith.cmpf oeq, %get3A_940, %max3A_1024 : vector<16xf32>
      %jit3A_1072 = arith.constant 1.100000e+01 : f32
      %broadcast_in_dim3A_1073 = vector.broadcast %jit3A_1072 : f32 to vector<16xf32>
      %select_n3A_1074 = arith.select %eq3A_1071, %broadcast_in_dim3A_1073, %select_n3A_1070 : vector<16xi1>, vector<16xf32>
      %eq3A_1075 = arith.cmpf oeq, %get3A_943, %max3A_1024 : vector<16xf32>
      %jit3A_1076 = arith.constant 1.200000e+01 : f32
      %broadcast_in_dim3A_1077 = vector.broadcast %jit3A_1076 : f32 to vector<16xf32>
      %select_n3A_1078 = arith.select %eq3A_1075, %broadcast_in_dim3A_1077, %select_n3A_1074 : vector<16xi1>, vector<16xf32>
      %eq3A_1079 = arith.cmpf oeq, %get3A_946, %max3A_1024 : vector<16xf32>
      %jit3A_1080 = arith.constant 1.300000e+01 : f32
      %broadcast_in_dim3A_1081 = vector.broadcast %jit3A_1080 : f32 to vector<16xf32>
      %select_n3A_1082 = arith.select %eq3A_1079, %broadcast_in_dim3A_1081, %select_n3A_1078 : vector<16xi1>, vector<16xf32>
      %eq3A_1083 = arith.cmpf oeq, %get3A_949, %max3A_1024 : vector<16xf32>
      %jit3A_1084 = arith.constant 1.400000e+01 : f32
      %broadcast_in_dim3A_1085 = vector.broadcast %jit3A_1084 : f32 to vector<16xf32>
      %select_n3A_1086 = arith.select %eq3A_1083, %broadcast_in_dim3A_1085, %select_n3A_1082 : vector<16xi1>, vector<16xf32>
      %eq3A_1087 = arith.cmpf oeq, %get3A_952, %max3A_1024 : vector<16xf32>
      %jit3A_1088 = arith.constant 1.500000e+01 : f32
      %broadcast_in_dim3A_1089 = vector.broadcast %jit3A_1088 : f32 to vector<16xf32>
      %select_n3A_1090 = arith.select %eq3A_1087, %broadcast_in_dim3A_1089, %select_n3A_1086 : vector<16xi1>, vector<16xf32>
      %iota3A_1091 = tpu.iota {dimensions = array<i32: 0>} : vector<16xi32>
      %xor3A_1092 = arith.constant 1 : i32
      %xor3A_1093 = vector.broadcast %xor3A_1092 : i32 to vector<16xi32>
      %xor3A_1094 = arith.xori %iota3A_1091, %xor3A_1093 : vector<16xi32>
      %lt3A_1095 = arith.constant 0 : i32
      %lt3A_1096 = vector.broadcast %lt3A_1095 : i32 to vector<16xi32>
      %lt3A_1097 = arith.cmpi slt, %xor3A_1094, %lt3A_1096 : vector<16xi32>
      %add3A_1098 = arith.constant 16 : i32
      %add3A_1099 = vector.broadcast %add3A_1098 : i32 to vector<16xi32>
      %add3A_1100 = arith.addi %xor3A_1094, %add3A_1099 : vector<16xi32>
      %select_n3A_1101 = arith.select %lt3A_1097, %add3A_1100, %xor3A_1094 : vector<16xi1>, vector<16xi32>
      %broadcast_in_dim3A_1102 = vector.shape_cast %select_n3A_1101 : vector<16xi32> to vector<16x1xi32>
      %gather3A_1103 = vector.shape_cast %broadcast_in_dim3A_1102 : vector<16x1xi32> to vector<16xi32>
      %gather3A_1104 = tpu.dynamic_gather %select_n3A_1090[%gather3A_1103] in [0] : vector<16xf32>, vector<16xi32> -> vector<16xf32>
      %max3A_1105 = arith.maximumf %select_n3A_1090, %gather3A_1104 : vector<16xf32>
      %xor3A_1106 = arith.constant 2 : i32
      %xor3A_1107 = vector.broadcast %xor3A_1106 : i32 to vector<16xi32>
      %xor3A_1108 = arith.xori %iota3A_1091, %xor3A_1107 : vector<16xi32>
      %lt3A_1109 = arith.constant 0 : i32
      %lt3A_1110 = vector.broadcast %lt3A_1109 : i32 to vector<16xi32>
      %lt3A_1111 = arith.cmpi slt, %xor3A_1108, %lt3A_1110 : vector<16xi32>
      %add3A_1112 = arith.constant 16 : i32
      %add3A_1113 = vector.broadcast %add3A_1112 : i32 to vector<16xi32>
      %add3A_1114 = arith.addi %xor3A_1108, %add3A_1113 : vector<16xi32>
      %select_n3A_1115 = arith.select %lt3A_1111, %add3A_1114, %xor3A_1108 : vector<16xi1>, vector<16xi32>
      %broadcast_in_dim3A_1116 = vector.shape_cast %select_n3A_1115 : vector<16xi32> to vector<16x1xi32>
      %gather3A_1117 = vector.shape_cast %broadcast_in_dim3A_1116 : vector<16x1xi32> to vector<16xi32>
      %gather3A_1118 = tpu.dynamic_gather %max3A_1105[%gather3A_1117] in [0] : vector<16xf32>, vector<16xi32> -> vector<16xf32>
      %max3A_1119 = arith.maximumf %max3A_1105, %gather3A_1118 : vector<16xf32>
      %xor3A_1120 = arith.constant 4 : i32
      %xor3A_1121 = vector.broadcast %xor3A_1120 : i32 to vector<16xi32>
      %xor3A_1122 = arith.xori %iota3A_1091, %xor3A_1121 : vector<16xi32>
      %lt3A_1123 = arith.constant 0 : i32
      %lt3A_1124 = vector.broadcast %lt3A_1123 : i32 to vector<16xi32>
      %lt3A_1125 = arith.cmpi slt, %xor3A_1122, %lt3A_1124 : vector<16xi32>
      %add3A_1126 = arith.constant 16 : i32
      %add3A_1127 = vector.broadcast %add3A_1126 : i32 to vector<16xi32>
      %add3A_1128 = arith.addi %xor3A_1122, %add3A_1127 : vector<16xi32>
      %select_n3A_1129 = arith.select %lt3A_1125, %add3A_1128, %xor3A_1122 : vector<16xi1>, vector<16xi32>
      %broadcast_in_dim3A_1130 = vector.shape_cast %select_n3A_1129 : vector<16xi32> to vector<16x1xi32>
      %gather3A_1131 = vector.shape_cast %broadcast_in_dim3A_1130 : vector<16x1xi32> to vector<16xi32>
      %gather3A_1132 = tpu.dynamic_gather %max3A_1119[%gather3A_1131] in [0] : vector<16xf32>, vector<16xi32> -> vector<16xf32>
      %max3A_1133 = arith.maximumf %max3A_1119, %gather3A_1132 : vector<16xf32>
      %xor3A_1134 = arith.constant 8 : i32
      %xor3A_1135 = vector.broadcast %xor3A_1134 : i32 to vector<16xi32>
      %xor3A_1136 = arith.xori %iota3A_1091, %xor3A_1135 : vector<16xi32>
      %lt3A_1137 = arith.constant 0 : i32
      %lt3A_1138 = vector.broadcast %lt3A_1137 : i32 to vector<16xi32>
      %lt3A_1139 = arith.cmpi slt, %xor3A_1136, %lt3A_1138 : vector<16xi32>
      %add3A_1140 = arith.constant 16 : i32
      %add3A_1141 = vector.broadcast %add3A_1140 : i32 to vector<16xi32>
      %add3A_1142 = arith.addi %xor3A_1136, %add3A_1141 : vector<16xi32>
      %select_n3A_1143 = arith.select %lt3A_1139, %add3A_1142, %xor3A_1136 : vector<16xi1>, vector<16xi32>
      %broadcast_in_dim3A_1144 = vector.shape_cast %select_n3A_1143 : vector<16xi32> to vector<16x1xi32>
      %gather3A_1145 = vector.shape_cast %broadcast_in_dim3A_1144 : vector<16x1xi32> to vector<16xi32>
      %gather3A_1146 = tpu.dynamic_gather %max3A_1133[%gather3A_1145] in [0] : vector<16xf32>, vector<16xi32> -> vector<16xf32>
      %max3A_1147 = arith.maximumf %max3A_1133, %gather3A_1146 : vector<16xf32>
      %slice3A_1148 = vector.extract_strided_slice %max3A_1147 {offsets = [0], sizes = [1], strides = [1]} : vector<16xf32> to vector<1xf32>
      %squeeze3A_1149 = vector.extract %slice3A_1148[0] : f32 from vector<1xf32>
      %convert_element_type3A_1150 = arith.fptosi %squeeze3A_1149 : f32 to i32
      %mul3A_1151 = arith.constant 256 : i32
      %mul3A_1152 = arith.muli %convert_element_type3A_1150, %mul3A_1151 : i32
      %add3A_1153 = arith.constant 8192 : i32
      %add3A_1154 = arith.addi %add3A_1153, %mul3A_1152 : i32
      %add3A_1155 = arith.constant 0 : i32
      %add3A_1156 = arith.addi %add3A_1154, %add3A_1155 : i32
      %get3A_1157 = arith.index_cast %add3A_1156 : i32 to index
      %get3A_1158 = tpu.vector_load %arg12[%get3A_1157] {strides = array<i32>} : memref<16384xf32, #tpu.memory_space<vmem>>, vector<16xf32>,
      %get3A_1159 = vector.shape_cast %get3A_1158 : vector<16xf32> to vector<16xf32>
      %ge3A_1160 = arith.cmpf oge, %get3A_1159, %max3A_1024 : vector<16xf32>
      %jit3A_1161 = arith.constant -3.000000e+00 : f32
      %broadcast_in_dim3A_1162 = vector.broadcast %jit3A_1161 : f32 to vector<16xf32>
      %select_n3A_1163 = arith.select %ge3A_1160, %broadcast_in_dim3A_1162, %get3A_1159 : vector<16xi1>, vector<16xf32>
      %max3A_1164 = arith.maximumf %broadcast_in_dim3A_34, %select_n3A_1163 : vector<16xf32>
      %add3A_1165 = arith.constant 16 : i32
      %add3A_1166 = arith.addi %add3A_1154, %add3A_1165 : i32
      %get3A_1167 = arith.index_cast %add3A_1166 : i32 to index
      %get3A_1168 = tpu.vector_load %arg12[%get3A_1167] {strides = array<i32>} : memref<16384xf32, #tpu.memory_space<vmem>>, vector<16xf32>,
      %get3A_1169 = vector.shape_cast %get3A_1168 : vector<16xf32> to vector<16xf32>
      %ge3A_1170 = arith.cmpf oge, %get3A_1169, %max3A_1024 : vector<16xf32>
      %jit3A_1171 = arith.constant -3.000000e+00 : f32
      %broadcast_in_dim3A_1172 = vector.broadcast %jit3A_1171 : f32 to vector<16xf32>
      %select_n3A_1173 = arith.select %ge3A_1170, %broadcast_in_dim3A_1172, %get3A_1169 : vector<16xi1>, vector<16xf32>
      %max3A_1174 = arith.maximumf %max3A_1164, %select_n3A_1173 : vector<16xf32>
      %add3A_1175 = arith.constant 32 : i32
      %add3A_1176 = arith.addi %add3A_1154, %add3A_1175 : i32
      %get3A_1177 = arith.index_cast %add3A_1176 : i32 to index
      %get3A_1178 = tpu.vector_load %arg12[%get3A_1177] {strides = array<i32>} : memref<16384xf32, #tpu.memory_space<vmem>>, vector<16xf32>,
      %get3A_1179 = vector.shape_cast %get3A_1178 : vector<16xf32> to vector<16xf32>
      %ge3A_1180 = arith.cmpf oge, %get3A_1179, %max3A_1024 : vector<16xf32>
      %jit3A_1181 = arith.constant -3.000000e+00 : f32
      %broadcast_in_dim3A_1182 = vector.broadcast %jit3A_1181 : f32 to vector<16xf32>
      %select_n3A_1183 = arith.select %ge3A_1180, %broadcast_in_dim3A_1182, %get3A_1179 : vector<16xi1>, vector<16xf32>
      %max3A_1184 = arith.maximumf %max3A_1174, %select_n3A_1183 : vector<16xf32>
      %add3A_1185 = arith.constant 48 : i32
      %add3A_1186 = arith.addi %add3A_1154, %add3A_1185 : i32
      %get3A_1187 = arith.index_cast %add3A_1186 : i32 to index
      %get3A_1188 = tpu.vector_load %arg12[%get3A_1187] {strides = array<i32>} : memref<16384xf32, #tpu.memory_space<vmem>>, vector<16xf32>,
      %get3A_1189 = vector.shape_cast %get3A_1188 : vector<16xf32> to vector<16xf32>
      %ge3A_1190 = arith.cmpf oge, %get3A_1189, %max3A_1024 : vector<16xf32>
      %jit3A_1191 = arith.constant -3.000000e+00 : f32
      %broadcast_in_dim3A_1192 = vector.broadcast %jit3A_1191 : f32 to vector<16xf32>
      %select_n3A_1193 = arith.select %ge3A_1190, %broadcast_in_dim3A_1192, %get3A_1189 : vector<16xi1>, vector<16xf32>
      %max3A_1194 = arith.maximumf %max3A_1184, %select_n3A_1193 : vector<16xf32>
      %add3A_1195 = arith.constant 64 : i32
      %add3A_1196 = arith.addi %add3A_1154, %add3A_1195 : i32
      %get3A_1197 = arith.index_cast %add3A_1196 : i32 to index
      %get3A_1198 = tpu.vector_load %arg12[%get3A_1197] {strides = array<i32>} : memref<16384xf32, #tpu.memory_space<vmem>>, vector<16xf32>,
      %get3A_1199 = vector.shape_cast %get3A_1198 : vector<16xf32> to vector<16xf32>
      %ge3A_1200 = arith.cmpf oge, %get3A_1199, %max3A_1024 : vector<16xf32>
      %jit3A_1201 = arith.constant -3.000000e+00 : f32
      %broadcast_in_dim3A_1202 = vector.broadcast %jit3A_1201 : f32 to vector<16xf32>
      %select_n3A_1203 = arith.select %ge3A_1200, %broadcast_in_dim3A_1202, %get3A_1199 : vector<16xi1>, vector<16xf32>
      %max3A_1204 = arith.maximumf %max3A_1194, %select_n3A_1203 : vector<16xf32>
      %add3A_1205 = arith.constant 80 : i32
      %add3A_1206 = arith.addi %add3A_1154, %add3A_1205 : i32
      %get3A_1207 = arith.index_cast %add3A_1206 : i32 to index
      %get3A_1208 = tpu.vector_load %arg12[%get3A_1207] {strides = array<i32>} : memref<16384xf32, #tpu.memory_space<vmem>>, vector<16xf32>,
      %get3A_1209 = vector.shape_cast %get3A_1208 : vector<16xf32> to vector<16xf32>
      %ge3A_1210 = arith.cmpf oge, %get3A_1209, %max3A_1024 : vector<16xf32>
      %jit3A_1211 = arith.constant -3.000000e+00 : f32
      %broadcast_in_dim3A_1212 = vector.broadcast %jit3A_1211 : f32 to vector<16xf32>
      %select_n3A_1213 = arith.select %ge3A_1210, %broadcast_in_dim3A_1212, %get3A_1209 : vector<16xi1>, vector<16xf32>
      %max3A_1214 = arith.maximumf %max3A_1204, %select_n3A_1213 : vector<16xf32>
      %add3A_1215 = arith.constant 96 : i32
      %add3A_1216 = arith.addi %add3A_1154, %add3A_1215 : i32
      %get3A_1217 = arith.index_cast %add3A_1216 : i32 to index
      %get3A_1218 = tpu.vector_load %arg12[%get3A_1217] {strides = array<i32>} : memref<16384xf32, #tpu.memory_space<vmem>>, vector<16xf32>,
      %get3A_1219 = vector.shape_cast %get3A_1218 : vector<16xf32> to vector<16xf32>
      %ge3A_1220 = arith.cmpf oge, %get3A_1219, %max3A_1024 : vector<16xf32>
      %jit3A_1221 = arith.constant -3.000000e+00 : f32
      %broadcast_in_dim3A_1222 = vector.broadcast %jit3A_1221 : f32 to vector<16xf32>
      %select_n3A_1223 = arith.select %ge3A_1220, %broadcast_in_dim3A_1222, %get3A_1219 : vector<16xi1>, vector<16xf32>
      %max3A_1224 = arith.maximumf %max3A_1214, %select_n3A_1223 : vector<16xf32>
      %add3A_1225 = arith.constant 112 : i32
      %add3A_1226 = arith.addi %add3A_1154, %add3A_1225 : i32
      %get3A_1227 = arith.index_cast %add3A_1226 : i32 to index
      %get3A_1228 = tpu.vector_load %arg12[%get3A_1227] {strides = array<i32>} : memref<16384xf32, #tpu.memory_space<vmem>>, vector<16xf32>,
      %get3A_1229 = vector.shape_cast %get3A_1228 : vector<16xf32> to vector<16xf32>
      %ge3A_1230 = arith.cmpf oge, %get3A_1229, %max3A_1024 : vector<16xf32>
      %jit3A_1231 = arith.constant -3.000000e+00 : f32
      %broadcast_in_dim3A_1232 = vector.broadcast %jit3A_1231 : f32 to vector<16xf32>
      %select_n3A_1233 = arith.select %ge3A_1230, %broadcast_in_dim3A_1232, %get3A_1229 : vector<16xi1>, vector<16xf32>
      %max3A_1234 = arith.maximumf %max3A_1224, %select_n3A_1233 : vector<16xf32>
      %add3A_1235 = arith.constant 128 : i32
      %add3A_1236 = arith.addi %add3A_1154, %add3A_1235 : i32
      %get3A_1237 = arith.index_cast %add3A_1236 : i32 to index
      %get3A_1238 = tpu.vector_load %arg12[%get3A_1237] {strides = array<i32>} : memref<16384xf32, #tpu.memory_space<vmem>>, vector<16xf32>,
      %get3A_1239 = vector.shape_cast %get3A_1238 : vector<16xf32> to vector<16xf32>
      %ge3A_1240 = arith.cmpf oge, %get3A_1239, %max3A_1024 : vector<16xf32>
      %jit3A_1241 = arith.constant -3.000000e+00 : f32
      %broadcast_in_dim3A_1242 = vector.broadcast %jit3A_1241 : f32 to vector<16xf32>
      %select_n3A_1243 = arith.select %ge3A_1240, %broadcast_in_dim3A_1242, %get3A_1239 : vector<16xi1>, vector<16xf32>
      %max3A_1244 = arith.maximumf %max3A_1234, %select_n3A_1243 : vector<16xf32>
      %add3A_1245 = arith.constant 144 : i32
      %add3A_1246 = arith.addi %add3A_1154, %add3A_1245 : i32
      %get3A_1247 = arith.index_cast %add3A_1246 : i32 to index
      %get3A_1248 = tpu.vector_load %arg12[%get3A_1247] {strides = array<i32>} : memref<16384xf32, #tpu.memory_space<vmem>>, vector<16xf32>,
      %get3A_1249 = vector.shape_cast %get3A_1248 : vector<16xf32> to vector<16xf32>
      %ge3A_1250 = arith.cmpf oge, %get3A_1249, %max3A_1024 : vector<16xf32>
      %jit3A_1251 = arith.constant -3.000000e+00 : f32
      %broadcast_in_dim3A_1252 = vector.broadcast %jit3A_1251 : f32 to vector<16xf32>
      %select_n3A_1253 = arith.select %ge3A_1250, %broadcast_in_dim3A_1252, %get3A_1249 : vector<16xi1>, vector<16xf32>
      %max3A_1254 = arith.maximumf %max3A_1244, %select_n3A_1253 : vector<16xf32>
      %add3A_1255 = arith.constant 160 : i32
      %add3A_1256 = arith.addi %add3A_1154, %add3A_1255 : i32
      %get3A_1257 = arith.index_cast %add3A_1256 : i32 to index
      %get3A_1258 = tpu.vector_load %arg12[%get3A_1257] {strides = array<i32>} : memref<16384xf32, #tpu.memory_space<vmem>>, vector<16xf32>,
      %get3A_1259 = vector.shape_cast %get3A_1258 : vector<16xf32> to vector<16xf32>
      %ge3A_1260 = arith.cmpf oge, %get3A_1259, %max3A_1024 : vector<16xf32>
      %jit3A_1261 = arith.constant -3.000000e+00 : f32
      %broadcast_in_dim3A_1262 = vector.broadcast %jit3A_1261 : f32 to vector<16xf32>
      %select_n3A_1263 = arith.select %ge3A_1260, %broadcast_in_dim3A_1262, %get3A_1259 : vector<16xi1>, vector<16xf32>
      %max3A_1264 = arith.maximumf %max3A_1254, %select_n3A_1263 : vector<16xf32>
      %add3A_1265 = arith.constant 176 : i32
      %add3A_1266 = arith.addi %add3A_1154, %add3A_1265 : i32
      %get3A_1267 = arith.index_cast %add3A_1266 : i32 to index
      %get3A_1268 = tpu.vector_load %arg12[%get3A_1267] {strides = array<i32>} : memref<16384xf32, #tpu.memory_space<vmem>>, vector<16xf32>,
      %get3A_1269 = vector.shape_cast %get3A_1268 : vector<16xf32> to vector<16xf32>
      %ge3A_1270 = arith.cmpf oge, %get3A_1269, %max3A_1024 : vector<16xf32>
      %jit3A_1271 = arith.constant -3.000000e+00 : f32
      %broadcast_in_dim3A_1272 = vector.broadcast %jit3A_1271 : f32 to vector<16xf32>
      %select_n3A_1273 = arith.select %ge3A_1270, %broadcast_in_dim3A_1272, %get3A_1269 : vector<16xi1>, vector<16xf32>
      %max3A_1274 = arith.maximumf %max3A_1264, %select_n3A_1273 : vector<16xf32>
      %add3A_1275 = arith.constant 192 : i32
      %add3A_1276 = arith.addi %add3A_1154, %add3A_1275 : i32
      %get3A_1277 = arith.index_cast %add3A_1276 : i32 to index
      %get3A_1278 = tpu.vector_load %arg12[%get3A_1277] {strides = array<i32>} : memref<16384xf32, #tpu.memory_space<vmem>>, vector<16xf32>,
      %get3A_1279 = vector.shape_cast %get3A_1278 : vector<16xf32> to vector<16xf32>
      %ge3A_1280 = arith.cmpf oge, %get3A_1279, %max3A_1024 : vector<16xf32>
      %jit3A_1281 = arith.constant -3.000000e+00 : f32
      %broadcast_in_dim3A_1282 = vector.broadcast %jit3A_1281 : f32 to vector<16xf32>
      %select_n3A_1283 = arith.select %ge3A_1280, %broadcast_in_dim3A_1282, %get3A_1279 : vector<16xi1>, vector<16xf32>
      %max3A_1284 = arith.maximumf %max3A_1274, %select_n3A_1283 : vector<16xf32>
      %add3A_1285 = arith.constant 208 : i32
      %add3A_1286 = arith.addi %add3A_1154, %add3A_1285 : i32
      %get3A_1287 = arith.index_cast %add3A_1286 : i32 to index
      %get3A_1288 = tpu.vector_load %arg12[%get3A_1287] {strides = array<i32>} : memref<16384xf32, #tpu.memory_space<vmem>>, vector<16xf32>,
      %get3A_1289 = vector.shape_cast %get3A_1288 : vector<16xf32> to vector<16xf32>
      %ge3A_1290 = arith.cmpf oge, %get3A_1289, %max3A_1024 : vector<16xf32>
      %jit3A_1291 = arith.constant -3.000000e+00 : f32
      %broadcast_in_dim3A_1292 = vector.broadcast %jit3A_1291 : f32 to vector<16xf32>
      %select_n3A_1293 = arith.select %ge3A_1290, %broadcast_in_dim3A_1292, %get3A_1289 : vector<16xi1>, vector<16xf32>
      %max3A_1294 = arith.maximumf %max3A_1284, %select_n3A_1293 : vector<16xf32>
      %add3A_1295 = arith.constant 224 : i32
      %add3A_1296 = arith.addi %add3A_1154, %add3A_1295 : i32
      %get3A_1297 = arith.index_cast %add3A_1296 : i32 to index
      %get3A_1298 = tpu.vector_load %arg12[%get3A_1297] {strides = array<i32>} : memref<16384xf32, #tpu.memory_space<vmem>>, vector<16xf32>,
      %get3A_1299 = vector.shape_cast %get3A_1298 : vector<16xf32> to vector<16xf32>
      %ge3A_1300 = arith.cmpf oge, %get3A_1299, %max3A_1024 : vector<16xf32>
      %jit3A_1301 = arith.constant -3.000000e+00 : f32
      %broadcast_in_dim3A_1302 = vector.broadcast %jit3A_1301 : f32 to vector<16xf32>
      %select_n3A_1303 = arith.select %ge3A_1300, %broadcast_in_dim3A_1302, %get3A_1299 : vector<16xi1>, vector<16xf32>
      %max3A_1304 = arith.maximumf %max3A_1294, %select_n3A_1303 : vector<16xf32>
      %add3A_1305 = arith.constant 240 : i32
      %add3A_1306 = arith.addi %add3A_1154, %add3A_1305 : i32
      %get3A_1307 = arith.index_cast %add3A_1306 : i32 to index
      %get3A_1308 = tpu.vector_load %arg12[%get3A_1307] {strides = array<i32>} : memref<16384xf32, #tpu.memory_space<vmem>>, vector<16xf32>,
      %get3A_1309 = vector.shape_cast %get3A_1308 : vector<16xf32> to vector<16xf32>
      %ge3A_1310 = arith.cmpf oge, %get3A_1309, %max3A_1024 : vector<16xf32>
      %jit3A_1311 = arith.constant -3.000000e+00 : f32
      %broadcast_in_dim3A_1312 = vector.broadcast %jit3A_1311 : f32 to vector<16xf32>
      %select_n3A_1313 = arith.select %ge3A_1310, %broadcast_in_dim3A_1312, %get3A_1309 : vector<16xi1>, vector<16xf32>
      %max3A_1314 = arith.maximumf %max3A_1304, %select_n3A_1313 : vector<16xf32>
      %mul3A_1315 = arith.constant 16 : i32
      %mul3A_1316 = arith.muli %convert_element_type3A_1150, %mul3A_1315 : i32
      %add3A_1317 = arith.constant 512 : i32
      %add3A_1318 = arith.addi %add3A_1317, %mul3A_1316 : i32
      %swap3A_1319 = arith.index_cast %add3A_1318 : i32 to index
      %swap3A_1320 = tpu.vector_load %arg13[%swap3A_1319] {strides = array<i32>} : memref<1024xf32, #tpu.memory_space<vmem>>, vector<16xf32>,
      %swap3A_1321 = vector.shape_cast %swap3A_1320 : vector<16xf32> to vector<16xf32>
      %swap3A_1322 = vector.shape_cast %max3A_1314 : vector<16xf32> to vector<16xf32>
      tpu.vector_store %arg13[%swap3A_1319], %swap3A_1322 {strides = array<i32>} : memref<1024xf32, #tpu.memory_space<vmem>>, vector<16xf32>,
      %get3A_1323 = arith.constant 768 : index
      %get3A_1324 = tpu.vector_load %arg13[%get3A_1323] {strides = array<i32>} : memref<1024xf32, #tpu.memory_space<vmem>>, vector<16xf32>,
      %get3A_1325 = vector.shape_cast %get3A_1324 : vector<16xf32> to vector<16xf32>
      %get3A_1326 = arith.constant 784 : index
      %get3A_1327 = tpu.vector_load %arg13[%get3A_1326] {strides = array<i32>} : memref<1024xf32, #tpu.memory_space<vmem>>, vector<16xf32>,
      %get3A_1328 = vector.shape_cast %get3A_1327 : vector<16xf32> to vector<16xf32>
      %get3A_1329 = arith.constant 800 : index
      %get3A_1330 = tpu.vector_load %arg13[%get3A_1329] {strides = array<i32>} : memref<1024xf32, #tpu.memory_space<vmem>>, vector<16xf32>,
      %get3A_1331 = vector.shape_cast %get3A_1330 : vector<16xf32> to vector<16xf32>
      %get3A_1332 = arith.constant 816 : index
      %get3A_1333 = tpu.vector_load %arg13[%get3A_1332] {strides = array<i32>} : memref<1024xf32, #tpu.memory_space<vmem>>, vector<16xf32>,
      %get3A_1334 = vector.shape_cast %get3A_1333 : vector<16xf32> to vector<16xf32>
      %get3A_1335 = arith.constant 832 : index
      %get3A_1336 = tpu.vector_load %arg13[%get3A_1335] {strides = array<i32>} : memref<1024xf32, #tpu.memory_space<vmem>>, vector<16xf32>,
      %get3A_1337 = vector.shape_cast %get3A_1336 : vector<16xf32> to vector<16xf32>
      %get3A_1338 = arith.constant 848 : index
      %get3A_1339 = tpu.vector_load %arg13[%get3A_1338] {strides = array<i32>} : memref<1024xf32, #tpu.memory_space<vmem>>, vector<16xf32>,
      %get3A_1340 = vector.shape_cast %get3A_1339 : vector<16xf32> to vector<16xf32>
      %get3A_1341 = arith.constant 864 : index
      %get3A_1342 = tpu.vector_load %arg13[%get3A_1341] {strides = array<i32>} : memref<1024xf32, #tpu.memory_space<vmem>>, vector<16xf32>,
      %get3A_1343 = vector.shape_cast %get3A_1342 : vector<16xf32> to vector<16xf32>
      %get3A_1344 = arith.constant 880 : index
      %get3A_1345 = tpu.vector_load %arg13[%get3A_1344] {strides = array<i32>} : memref<1024xf32, #tpu.memory_space<vmem>>, vector<16xf32>,
      %get3A_1346 = vector.shape_cast %get3A_1345 : vector<16xf32> to vector<16xf32>
      %get3A_1347 = arith.constant 896 : index
      %get3A_1348 = tpu.vector_load %arg13[%get3A_1347] {strides = array<i32>} : memref<1024xf32, #tpu.memory_space<vmem>>, vector<16xf32>,
      %get3A_1349 = vector.shape_cast %get3A_1348 : vector<16xf32> to vector<16xf32>
      %get3A_1350 = arith.constant 912 : index
      %get3A_1351 = tpu.vector_load %arg13[%get3A_1350] {strides = array<i32>} : memref<1024xf32, #tpu.memory_space<vmem>>, vector<16xf32>,
      %get3A_1352 = vector.shape_cast %get3A_1351 : vector<16xf32> to vector<16xf32>
      %get3A_1353 = arith.constant 928 : index
      %get3A_1354 = tpu.vector_load %arg13[%get3A_1353] {strides = array<i32>} : memref<1024xf32, #tpu.memory_space<vmem>>, vector<16xf32>,
      %get3A_1355 = vector.shape_cast %get3A_1354 : vector<16xf32> to vector<16xf32>
      %get3A_1356 = arith.constant 944 : index
      %get3A_1357 = tpu.vector_load %arg13[%get3A_1356] {strides = array<i32>} : memref<1024xf32, #tpu.memory_space<vmem>>, vector<16xf32>,
      %get3A_1358 = vector.shape_cast %get3A_1357 : vector<16xf32> to vector<16xf32>
      %get3A_1359 = arith.constant 960 : index
      %get3A_1360 = tpu.vector_load %arg13[%get3A_1359] {strides = array<i32>} : memref<1024xf32, #tpu.memory_space<vmem>>, vector<16xf32>,
      %get3A_1361 = vector.shape_cast %get3A_1360 : vector<16xf32> to vector<16xf32>
      %get3A_1362 = arith.constant 976 : index
      %get3A_1363 = tpu.vector_load %arg13[%get3A_1362] {strides = array<i32>} : memref<1024xf32, #tpu.memory_space<vmem>>, vector<16xf32>,
      %get3A_1364 = vector.shape_cast %get3A_1363 : vector<16xf32> to vector<16xf32>
      %get3A_1365 = arith.constant 992 : index
      %get3A_1366 = tpu.vector_load %arg13[%get3A_1365] {strides = array<i32>} : memref<1024xf32, #tpu.memory_space<vmem>>, vector<16xf32>,
      %get3A_1367 = vector.shape_cast %get3A_1366 : vector<16xf32> to vector<16xf32>
      %get3A_1368 = arith.constant 1008 : index
      %get3A_1369 = tpu.vector_load %arg13[%get3A_1368] {strides = array<i32>} : memref<1024xf32, #tpu.memory_space<vmem>>, vector<16xf32>,
      %get3A_1370 = vector.shape_cast %get3A_1369 : vector<16xf32> to vector<16xf32>
      %max3A_1371 = arith.maximumf %get3A_1325, %get3A_1328 : vector<16xf32>
      %max3A_1372 = arith.maximumf %max3A_1371, %get3A_1331 : vector<16xf32>
      %max3A_1373 = arith.maximumf %max3A_1372, %get3A_1334 : vector<16xf32>
      %max3A_1374 = arith.maximumf %max3A_1373, %get3A_1337 : vector<16xf32>
      %max3A_1375 = arith.maximumf %max3A_1374, %get3A_1340 : vector<16xf32>
      %max3A_1376 = arith.maximumf %max3A_1375, %get3A_1343 : vector<16xf32>
      %max3A_1377 = arith.maximumf %max3A_1376, %get3A_1346 : vector<16xf32>
      %max3A_1378 = arith.maximumf %max3A_1377, %get3A_1349 : vector<16xf32>
      %max3A_1379 = arith.maximumf %max3A_1378, %get3A_1352 : vector<16xf32>
      %max3A_1380 = arith.maximumf %max3A_1379, %get3A_1355 : vector<16xf32>
      %max3A_1381 = arith.maximumf %max3A_1380, %get3A_1358 : vector<16xf32>
      %max3A_1382 = arith.maximumf %max3A_1381, %get3A_1361 : vector<16xf32>
      %max3A_1383 = arith.maximumf %max3A_1382, %get3A_1364 : vector<16xf32>
      %max3A_1384 = arith.maximumf %max3A_1383, %get3A_1367 : vector<16xf32>
      %max3A_1385 = arith.maximumf %max3A_1384, %get3A_1370 : vector<16xf32>
      %iota3A_1386 = tpu.iota {dimensions = array<i32: 0>} : vector<16xi32>
      %xor3A_1387 = arith.constant 1 : i32
      %xor3A_1388 = vector.broadcast %xor3A_1387 : i32 to vector<16xi32>
      %xor3A_1389 = arith.xori %iota3A_1386, %xor3A_1388 : vector<16xi32>
      %lt3A_1390 = arith.constant 0 : i32
      %lt3A_1391 = vector.broadcast %lt3A_1390 : i32 to vector<16xi32>
      %lt3A_1392 = arith.cmpi slt, %xor3A_1389, %lt3A_1391 : vector<16xi32>
      %add3A_1393 = arith.constant 16 : i32
      %add3A_1394 = vector.broadcast %add3A_1393 : i32 to vector<16xi32>
      %add3A_1395 = arith.addi %xor3A_1389, %add3A_1394 : vector<16xi32>
      %select_n3A_1396 = arith.select %lt3A_1392, %add3A_1395, %xor3A_1389 : vector<16xi1>, vector<16xi32>
      %broadcast_in_dim3A_1397 = vector.shape_cast %select_n3A_1396 : vector<16xi32> to vector<16x1xi32>
      %gather3A_1398 = vector.shape_cast %broadcast_in_dim3A_1397 : vector<16x1xi32> to vector<16xi32>
      %gather3A_1399 = tpu.dynamic_gather %max3A_1385[%gather3A_1398] in [0] : vector<16xf32>, vector<16xi32> -> vector<16xf32>
      %max3A_1400 = arith.maximumf %max3A_1385, %gather3A_1399 : vector<16xf32>
      %xor3A_1401 = arith.constant 2 : i32
      %xor3A_1402 = vector.broadcast %xor3A_1401 : i32 to vector<16xi32>
      %xor3A_1403 = arith.xori %iota3A_1386, %xor3A_1402 : vector<16xi32>
      %lt3A_1404 = arith.constant 0 : i32
      %lt3A_1405 = vector.broadcast %lt3A_1404 : i32 to vector<16xi32>
      %lt3A_1406 = arith.cmpi slt, %xor3A_1403, %lt3A_1405 : vector<16xi32>
      %add3A_1407 = arith.constant 16 : i32
      %add3A_1408 = vector.broadcast %add3A_1407 : i32 to vector<16xi32>
      %add3A_1409 = arith.addi %xor3A_1403, %add3A_1408 : vector<16xi32>
      %select_n3A_1410 = arith.select %lt3A_1406, %add3A_1409, %xor3A_1403 : vector<16xi1>, vector<16xi32>
      %broadcast_in_dim3A_1411 = vector.shape_cast %select_n3A_1410 : vector<16xi32> to vector<16x1xi32>
      %gather3A_1412 = vector.shape_cast %broadcast_in_dim3A_1411 : vector<16x1xi32> to vector<16xi32>
      %gather3A_1413 = tpu.dynamic_gather %max3A_1400[%gather3A_1412] in [0] : vector<16xf32>, vector<16xi32> -> vector<16xf32>
      %max3A_1414 = arith.maximumf %max3A_1400, %gather3A_1413 : vector<16xf32>
      %xor3A_1415 = arith.constant 4 : i32
      %xor3A_1416 = vector.broadcast %xor3A_1415 : i32 to vector<16xi32>
      %xor3A_1417 = arith.xori %iota3A_1386, %xor3A_1416 : vector<16xi32>
      %lt3A_1418 = arith.constant 0 : i32
      %lt3A_1419 = vector.broadcast %lt3A_1418 : i32 to vector<16xi32>
      %lt3A_1420 = arith.cmpi slt, %xor3A_1417, %lt3A_1419 : vector<16xi32>
      %add3A_1421 = arith.constant 16 : i32
      %add3A_1422 = vector.broadcast %add3A_1421 : i32 to vector<16xi32>
      %add3A_1423 = arith.addi %xor3A_1417, %add3A_1422 : vector<16xi32>
      %select_n3A_1424 = arith.select %lt3A_1420, %add3A_1423, %xor3A_1417 : vector<16xi1>, vector<16xi32>
      %broadcast_in_dim3A_1425 = vector.shape_cast %select_n3A_1424 : vector<16xi32> to vector<16x1xi32>
      %gather3A_1426 = vector.shape_cast %broadcast_in_dim3A_1425 : vector<16x1xi32> to vector<16xi32>
      %gather3A_1427 = tpu.dynamic_gather %max3A_1414[%gather3A_1426] in [0] : vector<16xf32>, vector<16xi32> -> vector<16xf32>
      %max3A_1428 = arith.maximumf %max3A_1414, %gather3A_1427 : vector<16xf32>
      %xor3A_1429 = arith.constant 8 : i32
      %xor3A_1430 = vector.broadcast %xor3A_1429 : i32 to vector<16xi32>
      %xor3A_1431 = arith.xori %iota3A_1386, %xor3A_1430 : vector<16xi32>
      %lt3A_1432 = arith.constant 0 : i32
      %lt3A_1433 = vector.broadcast %lt3A_1432 : i32 to vector<16xi32>
      %lt3A_1434 = arith.cmpi slt, %xor3A_1431, %lt3A_1433 : vector<16xi32>
      %add3A_1435 = arith.constant 16 : i32
      %add3A_1436 = vector.broadcast %add3A_1435 : i32 to vector<16xi32>
      %add3A_1437 = arith.addi %xor3A_1431, %add3A_1436 : vector<16xi32>
      %select_n3A_1438 = arith.select %lt3A_1434, %add3A_1437, %xor3A_1431 : vector<16xi1>, vector<16xi32>
      %broadcast_in_dim3A_1439 = vector.shape_cast %select_n3A_1438 : vector<16xi32> to vector<16x1xi32>
      %gather3A_1440 = vector.shape_cast %broadcast_in_dim3A_1439 : vector<16x1xi32> to vector<16xi32>
      %gather3A_1441 = tpu.dynamic_gather %max3A_1428[%gather3A_1440] in [0] : vector<16xf32>, vector<16xi32> -> vector<16xf32>
      %max3A_1442 = arith.maximumf %max3A_1428, %gather3A_1441 : vector<16xf32>
      %broadcast_in_dim3A_1443 = arith.constant -1.000000e+00 : f32
      %broadcast_in_dim3A_1444 = vector.broadcast %broadcast_in_dim3A_1443 : f32 to vector<16xf32>
      %eq3A_1445 = arith.cmpf oeq, %get3A_1325, %max3A_1442 : vector<16xf32>
      %jit3A_1446 = arith.constant 0.000000e+00 : f32
      %broadcast_in_dim3A_1447 = vector.broadcast %jit3A_1446 : f32 to vector<16xf32>
      %select_n3A_1448 = arith.select %eq3A_1445, %broadcast_in_dim3A_1447, %broadcast_in_dim3A_1444 : vector<16xi1>, vector<16xf32>
      %eq3A_1449 = arith.cmpf oeq, %get3A_1328, %max3A_1442 : vector<16xf32>
      %jit3A_1450 = arith.constant 1.000000e+00 : f32
      %broadcast_in_dim3A_1451 = vector.broadcast %jit3A_1450 : f32 to vector<16xf32>
      %select_n3A_1452 = arith.select %eq3A_1449, %broadcast_in_dim3A_1451, %select_n3A_1448 : vector<16xi1>, vector<16xf32>
      %eq3A_1453 = arith.cmpf oeq, %get3A_1331, %max3A_1442 : vector<16xf32>
      %jit3A_1454 = arith.constant 2.000000e+00 : f32
      %broadcast_in_dim3A_1455 = vector.broadcast %jit3A_1454 : f32 to vector<16xf32>
      %select_n3A_1456 = arith.select %eq3A_1453, %broadcast_in_dim3A_1455, %select_n3A_1452 : vector<16xi1>, vector<16xf32>
      %eq3A_1457 = arith.cmpf oeq, %get3A_1334, %max3A_1442 : vector<16xf32>
      %jit3A_1458 = arith.constant 3.000000e+00 : f32
      %broadcast_in_dim3A_1459 = vector.broadcast %jit3A_1458 : f32 to vector<16xf32>
      %select_n3A_1460 = arith.select %eq3A_1457, %broadcast_in_dim3A_1459, %select_n3A_1456 : vector<16xi1>, vector<16xf32>
      %eq3A_1461 = arith.cmpf oeq, %get3A_1337, %max3A_1442 : vector<16xf32>
      %jit3A_1462 = arith.constant 4.000000e+00 : f32
      %broadcast_in_dim3A_1463 = vector.broadcast %jit3A_1462 : f32 to vector<16xf32>
      %select_n3A_1464 = arith.select %eq3A_1461, %broadcast_in_dim3A_1463, %select_n3A_1460 : vector<16xi1>, vector<16xf32>
      %eq3A_1465 = arith.cmpf oeq, %get3A_1340, %max3A_1442 : vector<16xf32>
      %jit3A_1466 = arith.constant 5.000000e+00 : f32
      %broadcast_in_dim3A_1467 = vector.broadcast %jit3A_1466 : f32 to vector<16xf32>
      %select_n3A_1468 = arith.select %eq3A_1465, %broadcast_in_dim3A_1467, %select_n3A_1464 : vector<16xi1>, vector<16xf32>
      %eq3A_1469 = arith.cmpf oeq, %get3A_1343, %max3A_1442 : vector<16xf32>
      %jit3A_1470 = arith.constant 6.000000e+00 : f32
      %broadcast_in_dim3A_1471 = vector.broadcast %jit3A_1470 : f32 to vector<16xf32>
      %select_n3A_1472 = arith.select %eq3A_1469, %broadcast_in_dim3A_1471, %select_n3A_1468 : vector<16xi1>, vector<16xf32>
      %eq3A_1473 = arith.cmpf oeq, %get3A_1346, %max3A_1442 : vector<16xf32>
      %jit3A_1474 = arith.constant 7.000000e+00 : f32
      %broadcast_in_dim3A_1475 = vector.broadcast %jit3A_1474 : f32 to vector<16xf32>
      %select_n3A_1476 = arith.select %eq3A_1473, %broadcast_in_dim3A_1475, %select_n3A_1472 : vector<16xi1>, vector<16xf32>
      %eq3A_1477 = arith.cmpf oeq, %get3A_1349, %max3A_1442 : vector<16xf32>
      %jit3A_1478 = arith.constant 8.000000e+00 : f32
      %broadcast_in_dim3A_1479 = vector.broadcast %jit3A_1478 : f32 to vector<16xf32>
      %select_n3A_1480 = arith.select %eq3A_1477, %broadcast_in_dim3A_1479, %select_n3A_1476 : vector<16xi1>, vector<16xf32>
      %eq3A_1481 = arith.cmpf oeq, %get3A_1352, %max3A_1442 : vector<16xf32>
      %jit3A_1482 = arith.constant 9.000000e+00 : f32
      %broadcast_in_dim3A_1483 = vector.broadcast %jit3A_1482 : f32 to vector<16xf32>
      %select_n3A_1484 = arith.select %eq3A_1481, %broadcast_in_dim3A_1483, %select_n3A_1480 : vector<16xi1>, vector<16xf32>
      %eq3A_1485 = arith.cmpf oeq, %get3A_1355, %max3A_1442 : vector<16xf32>
      %jit3A_1486 = arith.constant 1.000000e+01 : f32
      %broadcast_in_dim3A_1487 = vector.broadcast %jit3A_1486 : f32 to vector<16xf32>
      %select_n3A_1488 = arith.select %eq3A_1485, %broadcast_in_dim3A_1487, %select_n3A_1484 : vector<16xi1>, vector<16xf32>
      %eq3A_1489 = arith.cmpf oeq, %get3A_1358, %max3A_1442 : vector<16xf32>
      %jit3A_1490 = arith.constant 1.100000e+01 : f32
      %broadcast_in_dim3A_1491 = vector.broadcast %jit3A_1490 : f32 to vector<16xf32>
      %select_n3A_1492 = arith.select %eq3A_1489, %broadcast_in_dim3A_1491, %select_n3A_1488 : vector<16xi1>, vector<16xf32>
      %eq3A_1493 = arith.cmpf oeq, %get3A_1361, %max3A_1442 : vector<16xf32>
      %jit3A_1494 = arith.constant 1.200000e+01 : f32
      %broadcast_in_dim3A_1495 = vector.broadcast %jit3A_1494 : f32 to vector<16xf32>
      %select_n3A_1496 = arith.select %eq3A_1493, %broadcast_in_dim3A_1495, %select_n3A_1492 : vector<16xi1>, vector<16xf32>
      %eq3A_1497 = arith.cmpf oeq, %get3A_1364, %max3A_1442 : vector<16xf32>
      %jit3A_1498 = arith.constant 1.300000e+01 : f32
      %broadcast_in_dim3A_1499 = vector.broadcast %jit3A_1498 : f32 to vector<16xf32>
      %select_n3A_1500 = arith.select %eq3A_1497, %broadcast_in_dim3A_1499, %select_n3A_1496 : vector<16xi1>, vector<16xf32>
      %eq3A_1501 = arith.cmpf oeq, %get3A_1367, %max3A_1442 : vector<16xf32>
      %jit3A_1502 = arith.constant 1.400000e+01 : f32
      %broadcast_in_dim3A_1503 = vector.broadcast %jit3A_1502 : f32 to vector<16xf32>
      %select_n3A_1504 = arith.select %eq3A_1501, %broadcast_in_dim3A_1503, %select_n3A_1500 : vector<16xi1>, vector<16xf32>
      %eq3A_1505 = arith.cmpf oeq, %get3A_1370, %max3A_1442 : vector<16xf32>
      %jit3A_1506 = arith.constant 1.500000e+01 : f32
      %broadcast_in_dim3A_1507 = vector.broadcast %jit3A_1506 : f32 to vector<16xf32>
      %select_n3A_1508 = arith.select %eq3A_1505, %broadcast_in_dim3A_1507, %select_n3A_1504 : vector<16xi1>, vector<16xf32>
      %iota3A_1509 = tpu.iota {dimensions = array<i32: 0>} : vector<16xi32>
      %xor3A_1510 = arith.constant 1 : i32
      %xor3A_1511 = vector.broadcast %xor3A_1510 : i32 to vector<16xi32>
      %xor3A_1512 = arith.xori %iota3A_1509, %xor3A_1511 : vector<16xi32>
      %lt3A_1513 = arith.constant 0 : i32
      %lt3A_1514 = vector.broadcast %lt3A_1513 : i32 to vector<16xi32>
      %lt3A_1515 = arith.cmpi slt, %xor3A_1512, %lt3A_1514 : vector<16xi32>
      %add3A_1516 = arith.constant 16 : i32
      %add3A_1517 = vector.broadcast %add3A_1516 : i32 to vector<16xi32>
      %add3A_1518 = arith.addi %xor3A_1512, %add3A_1517 : vector<16xi32>
      %select_n3A_1519 = arith.select %lt3A_1515, %add3A_1518, %xor3A_1512 : vector<16xi1>, vector<16xi32>
      %broadcast_in_dim3A_1520 = vector.shape_cast %select_n3A_1519 : vector<16xi32> to vector<16x1xi32>
      %gather3A_1521 = vector.shape_cast %broadcast_in_dim3A_1520 : vector<16x1xi32> to vector<16xi32>
      %gather3A_1522 = tpu.dynamic_gather %select_n3A_1508[%gather3A_1521] in [0] : vector<16xf32>, vector<16xi32> -> vector<16xf32>
      %max3A_1523 = arith.maximumf %select_n3A_1508, %gather3A_1522 : vector<16xf32>
      %xor3A_1524 = arith.constant 2 : i32
      %xor3A_1525 = vector.broadcast %xor3A_1524 : i32 to vector<16xi32>
      %xor3A_1526 = arith.xori %iota3A_1509, %xor3A_1525 : vector<16xi32>
      %lt3A_1527 = arith.constant 0 : i32
      %lt3A_1528 = vector.broadcast %lt3A_1527 : i32 to vector<16xi32>
      %lt3A_1529 = arith.cmpi slt, %xor3A_1526, %lt3A_1528 : vector<16xi32>
      %add3A_1530 = arith.constant 16 : i32
      %add3A_1531 = vector.broadcast %add3A_1530 : i32 to vector<16xi32>
      %add3A_1532 = arith.addi %xor3A_1526, %add3A_1531 : vector<16xi32>
      %select_n3A_1533 = arith.select %lt3A_1529, %add3A_1532, %xor3A_1526 : vector<16xi1>, vector<16xi32>
      %broadcast_in_dim3A_1534 = vector.shape_cast %select_n3A_1533 : vector<16xi32> to vector<16x1xi32>
      %gather3A_1535 = vector.shape_cast %broadcast_in_dim3A_1534 : vector<16x1xi32> to vector<16xi32>
      %gather3A_1536 = tpu.dynamic_gather %max3A_1523[%gather3A_1535] in [0] : vector<16xf32>, vector<16xi32> -> vector<16xf32>
      %max3A_1537 = arith.maximumf %max3A_1523, %gather3A_1536 : vector<16xf32>
      %xor3A_1538 = arith.constant 4 : i32
      %xor3A_1539 = vector.broadcast %xor3A_1538 : i32 to vector<16xi32>
      %xor3A_1540 = arith.xori %iota3A_1509, %xor3A_1539 : vector<16xi32>
      %lt3A_1541 = arith.constant 0 : i32
      %lt3A_1542 = vector.broadcast %lt3A_1541 : i32 to vector<16xi32>
      %lt3A_1543 = arith.cmpi slt, %xor3A_1540, %lt3A_1542 : vector<16xi32>
      %add3A_1544 = arith.constant 16 : i32
      %add3A_1545 = vector.broadcast %add3A_1544 : i32 to vector<16xi32>
      %add3A_1546 = arith.addi %xor3A_1540, %add3A_1545 : vector<16xi32>
      %select_n3A_1547 = arith.select %lt3A_1543, %add3A_1546, %xor3A_1540 : vector<16xi1>, vector<16xi32>
      %broadcast_in_dim3A_1548 = vector.shape_cast %select_n3A_1547 : vector<16xi32> to vector<16x1xi32>
      %gather3A_1549 = vector.shape_cast %broadcast_in_dim3A_1548 : vector<16x1xi32> to vector<16xi32>
      %gather3A_1550 = tpu.dynamic_gather %max3A_1537[%gather3A_1549] in [0] : vector<16xf32>, vector<16xi32> -> vector<16xf32>
      %max3A_1551 = arith.maximumf %max3A_1537, %gather3A_1550 : vector<16xf32>
      %xor3A_1552 = arith.constant 8 : i32
      %xor3A_1553 = vector.broadcast %xor3A_1552 : i32 to vector<16xi32>
      %xor3A_1554 = arith.xori %iota3A_1509, %xor3A_1553 : vector<16xi32>
      %lt3A_1555 = arith.constant 0 : i32
      %lt3A_1556 = vector.broadcast %lt3A_1555 : i32 to vector<16xi32>
      %lt3A_1557 = arith.cmpi slt, %xor3A_1554, %lt3A_1556 : vector<16xi32>
      %add3A_1558 = arith.constant 16 : i32
      %add3A_1559 = vector.broadcast %add3A_1558 : i32 to vector<16xi32>
      %add3A_1560 = arith.addi %xor3A_1554, %add3A_1559 : vector<16xi32>
      %select_n3A_1561 = arith.select %lt3A_1557, %add3A_1560, %xor3A_1554 : vector<16xi1>, vector<16xi32>
      %broadcast_in_dim3A_1562 = vector.shape_cast %select_n3A_1561 : vector<16xi32> to vector<16x1xi32>
      %gather3A_1563 = vector.shape_cast %broadcast_in_dim3A_1562 : vector<16x1xi32> to vector<16xi32>
      %gather3A_1564 = tpu.dynamic_gather %max3A_1551[%gather3A_1563] in [0] : vector<16xf32>, vector<16xi32> -> vector<16xf32>
      %max3A_1565 = arith.maximumf %max3A_1551, %gather3A_1564 : vector<16xf32>
      %slice3A_1566 = vector.extract_strided_slice %max3A_1565 {offsets = [0], sizes = [1], strides = [1]} : vector<16xf32> to vector<1xf32>
      %squeeze3A_1567 = vector.extract %slice3A_1566[0] : f32 from vector<1xf32>
      %convert_element_type3A_1568 = arith.fptosi %squeeze3A_1567 : f32 to i32
      %mul3A_1569 = arith.constant 256 : i32
      %mul3A_1570 = arith.muli %convert_element_type3A_1568, %mul3A_1569 : i32
      %add3A_1571 = arith.constant 12288 : i32
      %add3A_1572 = arith.addi %add3A_1571, %mul3A_1570 : i32
      %add3A_1573 = arith.constant 0 : i32
      %add3A_1574 = arith.addi %add3A_1572, %add3A_1573 : i32
      %get3A_1575 = arith.index_cast %add3A_1574 : i32 to index
      %get3A_1576 = tpu.vector_load %arg12[%get3A_1575] {strides = array<i32>} : memref<16384xf32, #tpu.memory_space<vmem>>, vector<16xf32>,
      %get3A_1577 = vector.shape_cast %get3A_1576 : vector<16xf32> to vector<16xf32>
      %ge3A_1578 = arith.cmpf oge, %get3A_1577, %max3A_1442 : vector<16xf32>
      %jit3A_1579 = arith.constant -3.000000e+00 : f32
      %broadcast_in_dim3A_1580 = vector.broadcast %jit3A_1579 : f32 to vector<16xf32>
      %select_n3A_1581 = arith.select %ge3A_1578, %broadcast_in_dim3A_1580, %get3A_1577 : vector<16xi1>, vector<16xf32>
      %max3A_1582 = arith.maximumf %broadcast_in_dim3A_34, %select_n3A_1581 : vector<16xf32>
      %add3A_1583 = arith.constant 16 : i32
      %add3A_1584 = arith.addi %add3A_1572, %add3A_1583 : i32
      %get3A_1585 = arith.index_cast %add3A_1584 : i32 to index
      %get3A_1586 = tpu.vector_load %arg12[%get3A_1585] {strides = array<i32>} : memref<16384xf32, #tpu.memory_space<vmem>>, vector<16xf32>,
      %get3A_1587 = vector.shape_cast %get3A_1586 : vector<16xf32> to vector<16xf32>
      %ge3A_1588 = arith.cmpf oge, %get3A_1587, %max3A_1442 : vector<16xf32>
      %jit3A_1589 = arith.constant -3.000000e+00 : f32
      %broadcast_in_dim3A_1590 = vector.broadcast %jit3A_1589 : f32 to vector<16xf32>
      %select_n3A_1591 = arith.select %ge3A_1588, %broadcast_in_dim3A_1590, %get3A_1587 : vector<16xi1>, vector<16xf32>
      %max3A_1592 = arith.maximumf %max3A_1582, %select_n3A_1591 : vector<16xf32>
      %add3A_1593 = arith.constant 32 : i32
      %add3A_1594 = arith.addi %add3A_1572, %add3A_1593 : i32
      %get3A_1595 = arith.index_cast %add3A_1594 : i32 to index
      %get3A_1596 = tpu.vector_load %arg12[%get3A_1595] {strides = array<i32>} : memref<16384xf32, #tpu.memory_space<vmem>>, vector<16xf32>,
      %get3A_1597 = vector.shape_cast %get3A_1596 : vector<16xf32> to vector<16xf32>
      %ge3A_1598 = arith.cmpf oge, %get3A_1597, %max3A_1442 : vector<16xf32>
      %jit3A_1599 = arith.constant -3.000000e+00 : f32
      %broadcast_in_dim3A_1600 = vector.broadcast %jit3A_1599 : f32 to vector<16xf32>
      %select_n3A_1601 = arith.select %ge3A_1598, %broadcast_in_dim3A_1600, %get3A_1597 : vector<16xi1>, vector<16xf32>
      %max3A_1602 = arith.maximumf %max3A_1592, %select_n3A_1601 : vector<16xf32>
      %add3A_1603 = arith.constant 48 : i32
      %add3A_1604 = arith.addi %add3A_1572, %add3A_1603 : i32
      %get3A_1605 = arith.index_cast %add3A_1604 : i32 to index
      %get3A_1606 = tpu.vector_load %arg12[%get3A_1605] {strides = array<i32>} : memref<16384xf32, #tpu.memory_space<vmem>>, vector<16xf32>,
      %get3A_1607 = vector.shape_cast %get3A_1606 : vector<16xf32> to vector<16xf32>
      %ge3A_1608 = arith.cmpf oge, %get3A_1607, %max3A_1442 : vector<16xf32>
      %jit3A_1609 = arith.constant -3.000000e+00 : f32
      %broadcast_in_dim3A_1610 = vector.broadcast %jit3A_1609 : f32 to vector<16xf32>
      %select_n3A_1611 = arith.select %ge3A_1608, %broadcast_in_dim3A_1610, %get3A_1607 : vector<16xi1>, vector<16xf32>
      %max3A_1612 = arith.maximumf %max3A_1602, %select_n3A_1611 : vector<16xf32>
      %add3A_1613 = arith.constant 64 : i32
      %add3A_1614 = arith.addi %add3A_1572, %add3A_1613 : i32
      %get3A_1615 = arith.index_cast %add3A_1614 : i32 to index
      %get3A_1616 = tpu.vector_load %arg12[%get3A_1615] {strides = array<i32>} : memref<16384xf32, #tpu.memory_space<vmem>>, vector<16xf32>,
      %get3A_1617 = vector.shape_cast %get3A_1616 : vector<16xf32> to vector<16xf32>
      %ge3A_1618 = arith.cmpf oge, %get3A_1617, %max3A_1442 : vector<16xf32>
      %jit3A_1619 = arith.constant -3.000000e+00 : f32
      %broadcast_in_dim3A_1620 = vector.broadcast %jit3A_1619 : f32 to vector<16xf32>
      %select_n3A_1621 = arith.select %ge3A_1618, %broadcast_in_dim3A_1620, %get3A_1617 : vector<16xi1>, vector<16xf32>
      %max3A_1622 = arith.maximumf %max3A_1612, %select_n3A_1621 : vector<16xf32>
      %add3A_1623 = arith.constant 80 : i32
      %add3A_1624 = arith.addi %add3A_1572, %add3A_1623 : i32
      %get3A_1625 = arith.index_cast %add3A_1624 : i32 to index
      %get3A_1626 = tpu.vector_load %arg12[%get3A_1625] {strides = array<i32>} : memref<16384xf32, #tpu.memory_space<vmem>>, vector<16xf32>,
      %get3A_1627 = vector.shape_cast %get3A_1626 : vector<16xf32> to vector<16xf32>
      %ge3A_1628 = arith.cmpf oge, %get3A_1627, %max3A_1442 : vector<16xf32>
      %jit3A_1629 = arith.constant -3.000000e+00 : f32
      %broadcast_in_dim3A_1630 = vector.broadcast %jit3A_1629 : f32 to vector<16xf32>
      %select_n3A_1631 = arith.select %ge3A_1628, %broadcast_in_dim3A_1630, %get3A_1627 : vector<16xi1>, vector<16xf32>
      %max3A_1632 = arith.maximumf %max3A_1622, %select_n3A_1631 : vector<16xf32>
      %add3A_1633 = arith.constant 96 : i32
      %add3A_1634 = arith.addi %add3A_1572, %add3A_1633 : i32
      %get3A_1635 = arith.index_cast %add3A_1634 : i32 to index
      %get3A_1636 = tpu.vector_load %arg12[%get3A_1635] {strides = array<i32>} : memref<16384xf32, #tpu.memory_space<vmem>>, vector<16xf32>,
      %get3A_1637 = vector.shape_cast %get3A_1636 : vector<16xf32> to vector<16xf32>
      %ge3A_1638 = arith.cmpf oge, %get3A_1637, %max3A_1442 : vector<16xf32>
      %jit3A_1639 = arith.constant -3.000000e+00 : f32
      %broadcast_in_dim3A_1640 = vector.broadcast %jit3A_1639 : f32 to vector<16xf32>
      %select_n3A_1641 = arith.select %ge3A_1638, %broadcast_in_dim3A_1640, %get3A_1637 : vector<16xi1>, vector<16xf32>
      %max3A_1642 = arith.maximumf %max3A_1632, %select_n3A_1641 : vector<16xf32>
      %add3A_1643 = arith.constant 112 : i32
      %add3A_1644 = arith.addi %add3A_1572, %add3A_1643 : i32
      %get3A_1645 = arith.index_cast %add3A_1644 : i32 to index
      %get3A_1646 = tpu.vector_load %arg12[%get3A_1645] {strides = array<i32>} : memref<16384xf32, #tpu.memory_space<vmem>>, vector<16xf32>,
      %get3A_1647 = vector.shape_cast %get3A_1646 : vector<16xf32> to vector<16xf32>
      %ge3A_1648 = arith.cmpf oge, %get3A_1647, %max3A_1442 : vector<16xf32>
      %jit3A_1649 = arith.constant -3.000000e+00 : f32
      %broadcast_in_dim3A_1650 = vector.broadcast %jit3A_1649 : f32 to vector<16xf32>
      %select_n3A_1651 = arith.select %ge3A_1648, %broadcast_in_dim3A_1650, %get3A_1647 : vector<16xi1>, vector<16xf32>
      %max3A_1652 = arith.maximumf %max3A_1642, %select_n3A_1651 : vector<16xf32>
      %add3A_1653 = arith.constant 128 : i32
      %add3A_1654 = arith.addi %add3A_1572, %add3A_1653 : i32
      %get3A_1655 = arith.index_cast %add3A_1654 : i32 to index
      %get3A_1656 = tpu.vector_load %arg12[%get3A_1655] {strides = array<i32>} : memref<16384xf32, #tpu.memory_space<vmem>>, vector<16xf32>,
      %get3A_1657 = vector.shape_cast %get3A_1656 : vector<16xf32> to vector<16xf32>
      %ge3A_1658 = arith.cmpf oge, %get3A_1657, %max3A_1442 : vector<16xf32>
      %jit3A_1659 = arith.constant -3.000000e+00 : f32
      %broadcast_in_dim3A_1660 = vector.broadcast %jit3A_1659 : f32 to vector<16xf32>
      %select_n3A_1661 = arith.select %ge3A_1658, %broadcast_in_dim3A_1660, %get3A_1657 : vector<16xi1>, vector<16xf32>
      %max3A_1662 = arith.maximumf %max3A_1652, %select_n3A_1661 : vector<16xf32>
      %add3A_1663 = arith.constant 144 : i32
      %add3A_1664 = arith.addi %add3A_1572, %add3A_1663 : i32
      %get3A_1665 = arith.index_cast %add3A_1664 : i32 to index
      %get3A_1666 = tpu.vector_load %arg12[%get3A_1665] {strides = array<i32>} : memref<16384xf32, #tpu.memory_space<vmem>>, vector<16xf32>,
      %get3A_1667 = vector.shape_cast %get3A_1666 : vector<16xf32> to vector<16xf32>
      %ge3A_1668 = arith.cmpf oge, %get3A_1667, %max3A_1442 : vector<16xf32>
      %jit3A_1669 = arith.constant -3.000000e+00 : f32
      %broadcast_in_dim3A_1670 = vector.broadcast %jit3A_1669 : f32 to vector<16xf32>
      %select_n3A_1671 = arith.select %ge3A_1668, %broadcast_in_dim3A_1670, %get3A_1667 : vector<16xi1>, vector<16xf32>
      %max3A_1672 = arith.maximumf %max3A_1662, %select_n3A_1671 : vector<16xf32>
      %add3A_1673 = arith.constant 160 : i32
      %add3A_1674 = arith.addi %add3A_1572, %add3A_1673 : i32
      %get3A_1675 = arith.index_cast %add3A_1674 : i32 to index
      %get3A_1676 = tpu.vector_load %arg12[%get3A_1675] {strides = array<i32>} : memref<16384xf32, #tpu.memory_space<vmem>>, vector<16xf32>,
      %get3A_1677 = vector.shape_cast %get3A_1676 : vector<16xf32> to vector<16xf32>
      %ge3A_1678 = arith.cmpf oge, %get3A_1677, %max3A_1442 : vector<16xf32>
      %jit3A_1679 = arith.constant -3.000000e+00 : f32
      %broadcast_in_dim3A_1680 = vector.broadcast %jit3A_1679 : f32 to vector<16xf32>
      %select_n3A_1681 = arith.select %ge3A_1678, %broadcast_in_dim3A_1680, %get3A_1677 : vector<16xi1>, vector<16xf32>
      %max3A_1682 = arith.maximumf %max3A_1672, %select_n3A_1681 : vector<16xf32>
      %add3A_1683 = arith.constant 176 : i32
      %add3A_1684 = arith.addi %add3A_1572, %add3A_1683 : i32
      %get3A_1685 = arith.index_cast %add3A_1684 : i32 to index
      %get3A_1686 = tpu.vector_load %arg12[%get3A_1685] {strides = array<i32>} : memref<16384xf32, #tpu.memory_space<vmem>>, vector<16xf32>,
      %get3A_1687 = vector.shape_cast %get3A_1686 : vector<16xf32> to vector<16xf32>
      %ge3A_1688 = arith.cmpf oge, %get3A_1687, %max3A_1442 : vector<16xf32>
      %jit3A_1689 = arith.constant -3.000000e+00 : f32
      %broadcast_in_dim3A_1690 = vector.broadcast %jit3A_1689 : f32 to vector<16xf32>
      %select_n3A_1691 = arith.select %ge3A_1688, %broadcast_in_dim3A_1690, %get3A_1687 : vector<16xi1>, vector<16xf32>
      %max3A_1692 = arith.maximumf %max3A_1682, %select_n3A_1691 : vector<16xf32>
      %add3A_1693 = arith.constant 192 : i32
      %add3A_1694 = arith.addi %add3A_1572, %add3A_1693 : i32
      %get3A_1695 = arith.index_cast %add3A_1694 : i32 to index
      %get3A_1696 = tpu.vector_load %arg12[%get3A_1695] {strides = array<i32>} : memref<16384xf32, #tpu.memory_space<vmem>>, vector<16xf32>,
      %get3A_1697 = vector.shape_cast %get3A_1696 : vector<16xf32> to vector<16xf32>
      %ge3A_1698 = arith.cmpf oge, %get3A_1697, %max3A_1442 : vector<16xf32>
      %jit3A_1699 = arith.constant -3.000000e+00 : f32
      %broadcast_in_dim3A_1700 = vector.broadcast %jit3A_1699 : f32 to vector<16xf32>
      %select_n3A_1701 = arith.select %ge3A_1698, %broadcast_in_dim3A_1700, %get3A_1697 : vector<16xi1>, vector<16xf32>
      %max3A_1702 = arith.maximumf %max3A_1692, %select_n3A_1701 : vector<16xf32>
      %add3A_1703 = arith.constant 208 : i32
      %add3A_1704 = arith.addi %add3A_1572, %add3A_1703 : i32
      %get3A_1705 = arith.index_cast %add3A_1704 : i32 to index
      %get3A_1706 = tpu.vector_load %arg12[%get3A_1705] {strides = array<i32>} : memref<16384xf32, #tpu.memory_space<vmem>>, vector<16xf32>,
      %get3A_1707 = vector.shape_cast %get3A_1706 : vector<16xf32> to vector<16xf32>
      %ge3A_1708 = arith.cmpf oge, %get3A_1707, %max3A_1442 : vector<16xf32>
      %jit3A_1709 = arith.constant -3.000000e+00 : f32
      %broadcast_in_dim3A_1710 = vector.broadcast %jit3A_1709 : f32 to vector<16xf32>
      %select_n3A_1711 = arith.select %ge3A_1708, %broadcast_in_dim3A_1710, %get3A_1707 : vector<16xi1>, vector<16xf32>
      %max3A_1712 = arith.maximumf %max3A_1702, %select_n3A_1711 : vector<16xf32>
      %add3A_1713 = arith.constant 224 : i32
      %add3A_1714 = arith.addi %add3A_1572, %add3A_1713 : i32
      %get3A_1715 = arith.index_cast %add3A_1714 : i32 to index
      %get3A_1716 = tpu.vector_load %arg12[%get3A_1715] {strides = array<i32>} : memref<16384xf32, #tpu.memory_space<vmem>>, vector<16xf32>,
      %get3A_1717 = vector.shape_cast %get3A_1716 : vector<16xf32> to vector<16xf32>
      %ge3A_1718 = arith.cmpf oge, %get3A_1717, %max3A_1442 : vector<16xf32>
      %jit3A_1719 = arith.constant -3.000000e+00 : f32
      %broadcast_in_dim3A_1720 = vector.broadcast %jit3A_1719 : f32 to vector<16xf32>
      %select_n3A_1721 = arith.select %ge3A_1718, %broadcast_in_dim3A_1720, %get3A_1717 : vector<16xi1>, vector<16xf32>
      %max3A_1722 = arith.maximumf %max3A_1712, %select_n3A_1721 : vector<16xf32>
      %add3A_1723 = arith.constant 240 : i32
      %add3A_1724 = arith.addi %add3A_1572, %add3A_1723 : i32
      %get3A_1725 = arith.index_cast %add3A_1724 : i32 to index
      %get3A_1726 = tpu.vector_load %arg12[%get3A_1725] {strides = array<i32>} : memref<16384xf32, #tpu.memory_space<vmem>>, vector<16xf32>,
      %get3A_1727 = vector.shape_cast %get3A_1726 : vector<16xf32> to vector<16xf32>
      %ge3A_1728 = arith.cmpf oge, %get3A_1727, %max3A_1442 : vector<16xf32>
      %jit3A_1729 = arith.constant -3.000000e+00 : f32
      %broadcast_in_dim3A_1730 = vector.broadcast %jit3A_1729 : f32 to vector<16xf32>
      %select_n3A_1731 = arith.select %ge3A_1728, %broadcast_in_dim3A_1730, %get3A_1727 : vector<16xi1>, vector<16xf32>
      %max3A_1732 = arith.maximumf %max3A_1722, %select_n3A_1731 : vector<16xf32>
      %mul3A_1733 = arith.constant 16 : i32
      %mul3A_1734 = arith.muli %convert_element_type3A_1568, %mul3A_1733 : i32
      %add3A_1735 = arith.constant 768 : i32
      %add3A_1736 = arith.addi %add3A_1735, %mul3A_1734 : i32
      %swap3A_1737 = arith.index_cast %add3A_1736 : i32 to index
      %swap3A_1738 = tpu.vector_load %arg13[%swap3A_1737] {strides = array<i32>} : memref<1024xf32, #tpu.memory_space<vmem>>, vector<16xf32>,
      %swap3A_1739 = vector.shape_cast %swap3A_1738 : vector<16xf32> to vector<16xf32>
      %swap3A_1740 = vector.shape_cast %max3A_1732 : vector<16xf32> to vector<16xf32>
      tpu.vector_store %arg13[%swap3A_1737], %swap3A_1740 {strides = array<i32>} : memref<1024xf32, #tpu.memory_space<vmem>>, vector<16xf32>,
      scf.yield %max3A_194, %max3A_606, %max3A_1024, %max3A_1442 : vector<16xf32>, vector<16xf32>, vector<16xf32>, vector<16xf32>
    }
    %scan3A_47 = arith.constant 32 : i32
    %broadcast_in_dim3A_48 = arith.constant 0.000000e+00 : f32
    %broadcast_in_dim3A_49 = vector.broadcast %broadcast_in_dim3A_48 : f32 to vector<16xf32>
    %scan3A_50 = arith.constant 0 : i32
    %scan3A_51 = arith.constant 256 : i32
    %scan3A_52 = arith.addi %scan3A_50, %scan3A_51 : i32
    %scan3A_53 = arith.constant 1 : i32
    %scan3A_54:4 = scf.for %scan3A_75 = %scan3A_50 to %scan3A_52 step %scan3A_53 iter_args(%scan3A_76 = %broadcast_in_dim3A_49, %scan3A_77 = %broadcast_in_dim3A_49, %scan3A_78 = %broadcast_in_dim3A_49, %scan3A_79 = %broadcast_in_dim3A_49) -> (vector<16xf32>, vector<16xf32>, vector<16xf32>, vector<16xf32>)  : i32 {
      %mul3A_80 = arith.constant 16 : i32
      %mul3A_81 = arith.muli %scan3A_75, %mul3A_80 : i32
      %add3A_82 = arith.constant 0 : i32
      %add3A_83 = arith.addi %add3A_82, %mul3A_81 : i32
      %get3A_84 = arith.index_cast %add3A_83 : i32 to index
      %get3A_85 = tpu.vector_load %arg12[%get3A_84] {strides = array<i32>} : memref<16384xf32, #tpu.memory_space<vmem>>, vector<16xf32>,
      %get3A_86 = vector.shape_cast %get3A_85 : vector<16xf32> to vector<16xf32>
      %ge3A = arith.cmpf oge, %get3A_86, %scan3A_46#0 : vector<16xf32>
      %jit3A = arith.constant 1.000000e+00 : f32
      %jit3A_87 = arith.constant 0.000000e+00 : f32
      %broadcast_in_dim3A_88 = vector.broadcast %jit3A : f32 to vector<16xf32>
      %broadcast_in_dim3A_89 = vector.broadcast %jit3A_87 : f32 to vector<16xf32>
      %select_n3A = arith.select %ge3A, %broadcast_in_dim3A_88, %broadcast_in_dim3A_89 : vector<16xi1>, vector<16xf32>
      %swap3A_90 = arith.index_cast %add3A_83 : i32 to index
      %swap3A_91 = tpu.vector_load %arg14[%swap3A_90] {strides = array<i32>} : memref<16384xf32, #tpu.memory_space<vmem>>, vector<16xf32>,
      %swap3A_92 = vector.shape_cast %swap3A_91 : vector<16xf32> to vector<16xf32>
      %swap3A_93 = vector.shape_cast %select_n3A : vector<16xf32> to vector<16xf32>
      tpu.vector_store %arg14[%swap3A_90], %swap3A_93 {strides = array<i32>} : memref<16384xf32, #tpu.memory_space<vmem>>, vector<16xf32>,
      %get3A_94 = arith.index_cast %add3A_83 : i32 to index
      %get3A_95 = tpu.vector_load %arg8[%get3A_94] {strides = array<i32>} : memref<16384xf32, #tpu.memory_space<vmem>>, vector<16xf32>,
      %get3A_96 = vector.shape_cast %get3A_95 : vector<16xf32> to vector<16xf32>
      %get3A_97 = arith.index_cast %add3A_83 : i32 to index
      %get3A_98 = tpu.vector_load %arg9[%get3A_97] {strides = array<i32>} : memref<16384xf32, #tpu.memory_space<vmem>>, vector<16xf32>,
      %get3A_99 = vector.shape_cast %get3A_98 : vector<16xf32> to vector<16xf32>
      %sub3A = arith.subf %get3A_96, %get3A_12 : vector<16xf32>
      %abs3A = math.absf %sub3A : vector<16xf32>
      %sub3A_100 = arith.subf %get3A_99, %get3A_24 : vector<16xf32>
      %abs3A_101 = math.absf %sub3A_100 : vector<16xf32>
      %add3A_102 = arith.addf %abs3A, %abs3A_101 : vector<16xf32>
      %mul3A_103 = arith.mulf %select_n3A, %add3A_102 : vector<16xf32>
      %add3A_104 = arith.addf %scan3A_76, %mul3A_103 : vector<16xf32>
      %mul3A_105 = arith.constant 16 : i32
      %mul3A_106 = arith.muli %scan3A_75, %mul3A_105 : i32
      %add3A_107 = arith.constant 4096 : i32
      %add3A_108 = arith.addi %add3A_107, %mul3A_106 : i32
      %get3A_109 = arith.index_cast %add3A_108 : i32 to index
      %get3A_110 = tpu.vector_load %arg12[%get3A_109] {strides = array<i32>} : memref<16384xf32, #tpu.memory_space<vmem>>, vector<16xf32>,
      %get3A_111 = vector.shape_cast %get3A_110 : vector<16xf32> to vector<16xf32>
      %ge3A_112 = arith.cmpf oge, %get3A_111, %scan3A_46#1 : vector<16xf32>
      %jit3A_113 = arith.constant 1.000000e+00 : f32
      %jit3A_114 = arith.constant 0.000000e+00 : f32
      %broadcast_in_dim3A_115 = vector.broadcast %jit3A_113 : f32 to vector<16xf32>
      %broadcast_in_dim3A_116 = vector.broadcast %jit3A_114 : f32 to vector<16xf32>
      %select_n3A_117 = arith.select %ge3A_112, %broadcast_in_dim3A_115, %broadcast_in_dim3A_116 : vector<16xi1>, vector<16xf32>
      %swap3A_118 = arith.index_cast %add3A_108 : i32 to index
      %swap3A_119 = tpu.vector_load %arg14[%swap3A_118] {strides = array<i32>} : memref<16384xf32, #tpu.memory_space<vmem>>, vector<16xf32>,
      %swap3A_120 = vector.shape_cast %swap3A_119 : vector<16xf32> to vector<16xf32>
      %swap3A_121 = vector.shape_cast %select_n3A_117 : vector<16xf32> to vector<16xf32>
      tpu.vector_store %arg14[%swap3A_118], %swap3A_121 {strides = array<i32>} : memref<16384xf32, #tpu.memory_space<vmem>>, vector<16xf32>,
      %get3A_122 = arith.index_cast %add3A_108 : i32 to index
      %get3A_123 = tpu.vector_load %arg8[%get3A_122] {strides = array<i32>} : memref<16384xf32, #tpu.memory_space<vmem>>, vector<16xf32>,
      %get3A_124 = vector.shape_cast %get3A_123 : vector<16xf32> to vector<16xf32>
      %get3A_125 = arith.index_cast %add3A_108 : i32 to index
      %get3A_126 = tpu.vector_load %arg9[%get3A_125] {strides = array<i32>} : memref<16384xf32, #tpu.memory_space<vmem>>, vector<16xf32>,
      %get3A_127 = vector.shape_cast %get3A_126 : vector<16xf32> to vector<16xf32>
      %sub3A_128 = arith.subf %get3A_124, %get3A_15 : vector<16xf32>
      %abs3A_129 = math.absf %sub3A_128 : vector<16xf32>
      %sub3A_130 = arith.subf %get3A_127, %get3A_27 : vector<16xf32>
      %abs3A_131 = math.absf %sub3A_130 : vector<16xf32>
      %add3A_132 = arith.addf %abs3A_129, %abs3A_131 : vector<16xf32>
      %mul3A_133 = arith.mulf %select_n3A_117, %add3A_132 : vector<16xf32>
      %add3A_134 = arith.addf %scan3A_77, %mul3A_133 : vector<16xf32>
      %mul3A_135 = arith.constant 16 : i32
      %mul3A_136 = arith.muli %scan3A_75, %mul3A_135 : i32
      %add3A_137 = arith.constant 8192 : i32
      %add3A_138 = arith.addi %add3A_137, %mul3A_136 : i32
      %get3A_139 = arith.index_cast %add3A_138 : i32 to index
      %get3A_140 = tpu.vector_load %arg12[%get3A_139] {strides = array<i32>} : memref<16384xf32, #tpu.memory_space<vmem>>, vector<16xf32>,
      %get3A_141 = vector.shape_cast %get3A_140 : vector<16xf32> to vector<16xf32>
      %ge3A_142 = arith.cmpf oge, %get3A_141, %scan3A_46#2 : vector<16xf32>
      %jit3A_143 = arith.constant 1.000000e+00 : f32
      %jit3A_144 = arith.constant 0.000000e+00 : f32
      %broadcast_in_dim3A_145 = vector.broadcast %jit3A_143 : f32 to vector<16xf32>
      %broadcast_in_dim3A_146 = vector.broadcast %jit3A_144 : f32 to vector<16xf32>
      %select_n3A_147 = arith.select %ge3A_142, %broadcast_in_dim3A_145, %broadcast_in_dim3A_146 : vector<16xi1>, vector<16xf32>
      %swap3A_148 = arith.index_cast %add3A_138 : i32 to index
      %swap3A_149 = tpu.vector_load %arg14[%swap3A_148] {strides = array<i32>} : memref<16384xf32, #tpu.memory_space<vmem>>, vector<16xf32>,
      %swap3A_150 = vector.shape_cast %swap3A_149 : vector<16xf32> to vector<16xf32>
      %swap3A_151 = vector.shape_cast %select_n3A_147 : vector<16xf32> to vector<16xf32>
      tpu.vector_store %arg14[%swap3A_148], %swap3A_151 {strides = array<i32>} : memref<16384xf32, #tpu.memory_space<vmem>>, vector<16xf32>,
      %get3A_152 = arith.index_cast %add3A_138 : i32 to index
      %get3A_153 = tpu.vector_load %arg8[%get3A_152] {strides = array<i32>} : memref<16384xf32, #tpu.memory_space<vmem>>, vector<16xf32>,
      %get3A_154 = vector.shape_cast %get3A_153 : vector<16xf32> to vector<16xf32>
      %get3A_155 = arith.index_cast %add3A_138 : i32 to index
      %get3A_156 = tpu.vector_load %arg9[%get3A_155] {strides = array<i32>} : memref<16384xf32, #tpu.memory_space<vmem>>, vector<16xf32>,
      %get3A_157 = vector.shape_cast %get3A_156 : vector<16xf32> to vector<16xf32>
      %sub3A_158 = arith.subf %get3A_154, %get3A_18 : vector<16xf32>
      %abs3A_159 = math.absf %sub3A_158 : vector<16xf32>
      %sub3A_160 = arith.subf %get3A_157, %get3A_30 : vector<16xf32>
      %abs3A_161 = math.absf %sub3A_160 : vector<16xf32>
      %add3A_162 = arith.addf %abs3A_159, %abs3A_161 : vector<16xf32>
      %mul3A_163 = arith.mulf %select_n3A_147, %add3A_162 : vector<16xf32>
      %add3A_164 = arith.addf %scan3A_78, %mul3A_163 : vector<16xf32>
      %mul3A_165 = arith.constant 16 : i32
      %mul3A_166 = arith.muli %scan3A_75, %mul3A_165 : i32
      %add3A_167 = arith.constant 12288 : i32
      %add3A_168 = arith.addi %add3A_167, %mul3A_166 : i32
      %get3A_169 = arith.index_cast %add3A_168 : i32 to index
      %get3A_170 = tpu.vector_load %arg12[%get3A_169] {strides = array<i32>} : memref<16384xf32, #tpu.memory_space<vmem>>, vector<16xf32>,
      %get3A_171 = vector.shape_cast %get3A_170 : vector<16xf32> to vector<16xf32>
      %ge3A_172 = arith.cmpf oge, %get3A_171, %scan3A_46#3 : vector<16xf32>
      %jit3A_173 = arith.constant 1.000000e+00 : f32
      %jit3A_174 = arith.constant 0.000000e+00 : f32
      %broadcast_in_dim3A_175 = vector.broadcast %jit3A_173 : f32 to vector<16xf32>
      %broadcast_in_dim3A_176 = vector.broadcast %jit3A_174 : f32 to vector<16xf32>
      %select_n3A_177 = arith.select %ge3A_172, %broadcast_in_dim3A_175, %broadcast_in_dim3A_176 : vector<16xi1>, vector<16xf32>
      %swap3A_178 = arith.index_cast %add3A_168 : i32 to index
      %swap3A_179 = tpu.vector_load %arg14[%swap3A_178] {strides = array<i32>} : memref<16384xf32, #tpu.memory_space<vmem>>, vector<16xf32>,
      %swap3A_180 = vector.shape_cast %swap3A_179 : vector<16xf32> to vector<16xf32>
      %swap3A_181 = vector.shape_cast %select_n3A_177 : vector<16xf32> to vector<16xf32>
      tpu.vector_store %arg14[%swap3A_178], %swap3A_181 {strides = array<i32>} : memref<16384xf32, #tpu.memory_space<vmem>>, vector<16xf32>,
      %get3A_182 = arith.index_cast %add3A_168 : i32 to index
      %get3A_183 = tpu.vector_load %arg8[%get3A_182] {strides = array<i32>} : memref<16384xf32, #tpu.memory_space<vmem>>, vector<16xf32>,
      %get3A_184 = vector.shape_cast %get3A_183 : vector<16xf32> to vector<16xf32>
      %get3A_185 = arith.index_cast %add3A_168 : i32 to index
      %get3A_186 = tpu.vector_load %arg9[%get3A_185] {strides = array<i32>} : memref<16384xf32, #tpu.memory_space<vmem>>, vector<16xf32>,
      %get3A_187 = vector.shape_cast %get3A_186 : vector<16xf32> to vector<16xf32>
      %sub3A_188 = arith.subf %get3A_184, %get3A_21 : vector<16xf32>
      %abs3A_189 = math.absf %sub3A_188 : vector<16xf32>
      %sub3A_190 = arith.subf %get3A_187, %get3A_33 : vector<16xf32>
      %abs3A_191 = math.absf %sub3A_190 : vector<16xf32>
      %add3A_192 = arith.addf %abs3A_189, %abs3A_191 : vector<16xf32>
      %mul3A_193 = arith.mulf %select_n3A_177, %add3A_192 : vector<16xf32>
      %add3A_194 = arith.addf %scan3A_79, %mul3A_193 : vector<16xf32>
      scf.yield %add3A_104, %add3A_134, %add3A_164, %add3A_194 : vector<16xf32>, vector<16xf32>, vector<16xf32>, vector<16xf32>
    }
    %scan3A_55 = arith.constant 256 : i32
    %swap3A = arith.constant 0 : index
    %swap3A_56 = tpu.vector_load %arg15[%swap3A] {strides = array<i32>} : memref<64xf32, #tpu.memory_space<vmem>>, vector<16xf32>,
    %swap3A_57 = vector.shape_cast %swap3A_56 : vector<16xf32> to vector<16xf32>
    %swap3A_58 = vector.shape_cast %scan3A_54#0 : vector<16xf32> to vector<16xf32>
    tpu.vector_store %arg15[%swap3A], %swap3A_58 {strides = array<i32>} : memref<64xf32, #tpu.memory_space<vmem>>, vector<16xf32>,
    %swap3A_59 = arith.constant 16 : index
    %swap3A_60 = tpu.vector_load %arg15[%swap3A_59] {strides = array<i32>} : memref<64xf32, #tpu.memory_space<vmem>>, vector<16xf32>,
    %swap3A_61 = vector.shape_cast %swap3A_60 : vector<16xf32> to vector<16xf32>
    %swap3A_62 = vector.shape_cast %scan3A_54#1 : vector<16xf32> to vector<16xf32>
    tpu.vector_store %arg15[%swap3A_59], %swap3A_62 {strides = array<i32>} : memref<64xf32, #tpu.memory_space<vmem>>, vector<16xf32>,
    %swap3A_63 = arith.constant 32 : index
    %swap3A_64 = tpu.vector_load %arg15[%swap3A_63] {strides = array<i32>} : memref<64xf32, #tpu.memory_space<vmem>>, vector<16xf32>,
    %swap3A_65 = vector.shape_cast %swap3A_64 : vector<16xf32> to vector<16xf32>
    %swap3A_66 = vector.shape_cast %scan3A_54#2 : vector<16xf32> to vector<16xf32>
    tpu.vector_store %arg15[%swap3A_63], %swap3A_66 {strides = array<i32>} : memref<64xf32, #tpu.memory_space<vmem>>, vector<16xf32>,
    %swap3A_67 = arith.constant 48 : index
    %swap3A_68 = tpu.vector_load %arg15[%swap3A_67] {strides = array<i32>} : memref<64xf32, #tpu.memory_space<vmem>>, vector<16xf32>,
    %swap3A_69 = vector.shape_cast %swap3A_68 : vector<16xf32> to vector<16xf32>
    %swap3A_70 = vector.shape_cast %scan3A_54#3 : vector<16xf32> to vector<16xf32>
    tpu.vector_store %arg15[%swap3A_67], %swap3A_70 {strides = array<i32>} : memref<64xf32, #tpu.memory_space<vmem>>, vector<16xf32>,
    %mul3A_71 = arith.constant 4096 : i32
    %mul3A_72 = arith.muli %mul3A_2, %mul3A_71 : i32
    "tpu.region"() ({
      %run_scoped3A = tpu.sem_alloc : memref<!tpu.dma_semaphore, #tpu.memory_space<semaphore_mem>>
      %dma_start3A = tpu.memref_slice %arg6[%mul3A_72] : memref<524288xf32, #tpu.memory_space<hbm>> -> memref<16384xf32, #tpu.memory_space<hbm>>
      %dma_start3A_75 = tpu.memref_slice %arg6[%mul3A_72] : memref<524288xf32, #tpu.memory_space<hbm>> -> memref<16384xf32, #tpu.memory_space<hbm>>
      tpu.enqueue_dma source(%arg14 : memref<16384xf32, #tpu.memory_space<vmem>>) target(%dma_start3A_75 : memref<16384xf32, #tpu.memory_space<hbm>>) target_semaphore(%run_scoped3A : memref<!tpu.dma_semaphore, #tpu.memory_space<semaphore_mem>>)
      %dma_wait3A = tpu.memref_slice %arg6[%mul3A_72] : memref<524288xf32, #tpu.memory_space<hbm>> -> memref<16384xf32, #tpu.memory_space<hbm>>
      %dma_wait3A_76 = tpu.memref_slice %arg6[%mul3A_72] : memref<524288xf32, #tpu.memory_space<hbm>> -> memref<16384xf32, #tpu.memory_space<hbm>>
      tpu.wait_dma2 semaphore(%run_scoped3A : memref<!tpu.dma_semaphore, #tpu.memory_space<semaphore_mem>>) src(%arg14 : memref<16384xf32, #tpu.memory_space<vmem>>) dst(%dma_wait3A_76 : memref<16384xf32, #tpu.memory_space<hbm>>)
      tpu.yield
    }) : () -> ()
    %mul3A_73 = arith.constant 16 : i32
    %mul3A_74 = arith.muli %mul3A_2, %mul3A_73 : i32
    "tpu.region"() ({
      %run_scoped3A = tpu.sem_alloc : memref<!tpu.dma_semaphore, #tpu.memory_space<semaphore_mem>>
      %dma_start3A = tpu.memref_slice %arg7[%mul3A_74] : memref<2048xf32, #tpu.memory_space<hbm>> -> memref<64xf32, #tpu.memory_space<hbm>>
      %dma_start3A_75 = tpu.memref_slice %arg7[%mul3A_74] : memref<2048xf32, #tpu.memory_space<hbm>> -> memref<64xf32, #tpu.memory_space<hbm>>
      tpu.enqueue_dma source(%arg15 : memref<64xf32, #tpu.memory_space<vmem>>) target(%dma_start3A_75 : memref<64xf32, #tpu.memory_space<hbm>>) target_semaphore(%run_scoped3A : memref<!tpu.dma_semaphore, #tpu.memory_space<semaphore_mem>>)
      %dma_wait3A = tpu.memref_slice %arg7[%mul3A_74] : memref<2048xf32, #tpu.memory_space<hbm>> -> memref<64xf32, #tpu.memory_space<hbm>>
      %dma_wait3A_76 = tpu.memref_slice %arg7[%mul3A_74] : memref<2048xf32, #tpu.memory_space<hbm>> -> memref<64xf32, #tpu.memory_space<hbm>>
      tpu.wait_dma2 semaphore(%run_scoped3A : memref<!tpu.dma_semaphore, #tpu.memory_space<semaphore_mem>>) src(%arg15 : memref<64xf32, #tpu.memory_space<vmem>>) dst(%dma_wait3A_76 : memref<64xf32, #tpu.memory_space<hbm>>)
      tpu.yield
    }) : () -> ()
    return
  }
}

module attributes {stable_mosaic.version = 14 : i64} {
  func.func @_b1_body(%arg0: memref<128x4096xf32, #tpu.memory_space<vmem>>, %arg1: memref<128x4096xf32, #tpu.memory_space<vmem>>, %arg2: memref<128x4096xf32, #tpu.memory_space<vmem>>, %arg3: memref<128x2xf32, #tpu.memory_space<vmem>>, %arg4: memref<1x1xf32, #tpu.memory_space<smem>>, %arg5: memref<128x4096xf32, #tpu.memory_space<vmem>>) attributes {dimension_semantics = [], scalar_prefetch = 0 : i64, scratch_operands = 0 : i64, tpu.core_type = #tpu.core_type<tc>} {
    %get3A = arith.constant 0 : index
    %get3A_0 = arith.constant 0 : index
    %get3A_1 = vector.load %arg0[%get3A, %get3A_0] : memref<128x4096xf32, #tpu.memory_space<vmem>>, vector<128x4096xf32>
    %get3A_2 = arith.constant 0 : index
    %get3A_3 = arith.constant 0 : index
    %get3A_4 = vector.load %arg1[%get3A_2, %get3A_3] : memref<128x4096xf32, #tpu.memory_space<vmem>>, vector<128x4096xf32>
    %get3A_5 = arith.constant 0 : index
    %get3A_6 = arith.constant 0 : index
    %get3A_7 = vector.load %arg3[%get3A_5, %get3A_6] : memref<128x2xf32, #tpu.memory_space<vmem>>, vector<128x1xf32>
    %get3A_8 = arith.constant 0 : index
    %get3A_9 = arith.constant 1 : index
    %get3A_10 = vector.load %arg3[%get3A_8, %get3A_9] : memref<128x2xf32, #tpu.memory_space<vmem>>, vector<128x1xf32>
    %min3A = vector.broadcast %get3A_10 : vector<128x1xf32> to vector<128x4096xf32>
    %min3A_11 = arith.minimumf %get3A_4, %min3A : vector<128x4096xf32>
    %max3A = vector.broadcast %get3A_7 : vector<128x1xf32> to vector<128x4096xf32>
    %max3A_12 = arith.maximumf %get3A_1, %max3A : vector<128x4096xf32>
    %sub3A = arith.subf %min3A_11, %max3A_12 : vector<128x4096xf32>
    %jit3A = arith.constant 0.000000e+00 : f32
    %max3A_13 = vector.broadcast %jit3A : f32 to vector<128x4096xf32>
    %max3A_14 = arith.maximumf %max3A_13, %sub3A : vector<128x4096xf32>
    %sub3A_15 = arith.subf %get3A_4, %get3A_1 : vector<128x4096xf32>
    %sub3A_16 = arith.subf %get3A_10, %get3A_7 : vector<128x1xf32>
    %add3A = vector.broadcast %sub3A_16 : vector<128x1xf32> to vector<128x4096xf32>
    %add3A_17 = arith.addf %sub3A_15, %add3A : vector<128x4096xf32>
    %sub3A_18 = arith.subf %add3A_17, %max3A_14 : vector<128x4096xf32>
    %max3A_19 = vector.broadcast %get3A_10 : vector<128x1xf32> to vector<128x4096xf32>
    %max3A_20 = arith.maximumf %get3A_4, %max3A_19 : vector<128x4096xf32>
    %min3A_21 = vector.broadcast %get3A_7 : vector<128x1xf32> to vector<128x4096xf32>
    %min3A_22 = arith.minimumf %get3A_1, %min3A_21 : vector<128x4096xf32>
    %sub3A_23 = arith.subf %max3A_20, %min3A_22 : vector<128x4096xf32>
    %add3A_24 = arith.constant 9.99999997E-7 : f32
    %add3A_25 = vector.broadcast %add3A_24 : f32 to vector<128x4096xf32>
    %add3A_26 = arith.addf %sub3A_18, %add3A_25 : vector<128x4096xf32>
    %div3A = arith.divf %max3A_14, %add3A_26 : vector<128x4096xf32>
    %sub3A_27 = arith.subf %sub3A_23, %sub3A_18 : vector<128x4096xf32>
    %add3A_28 = arith.constant 9.99999997E-7 : f32
    %add3A_29 = vector.broadcast %add3A_28 : f32 to vector<128x4096xf32>
    %add3A_30 = arith.addf %sub3A_23, %add3A_29 : vector<128x4096xf32>
    %div3A_31 = arith.divf %sub3A_27, %add3A_30 : vector<128x4096xf32>
    %sub3A_32 = arith.subf %div3A, %div3A_31 : vector<128x4096xf32>
    %lt3A = arith.constant 5.000000e-01 : f32
    %lt3A_33 = vector.broadcast %lt3A : f32 to vector<128x4096xf32>
    %lt3A_34 = arith.cmpf olt, %sub3A_32, %lt3A_33 : vector<128x4096xf32>
    %jit3A_35 = arith.constant 0.000000e+00 : f32
    %broadcast_in_dim3A = vector.broadcast %jit3A_35 : f32 to vector<128x4096xf32>
    %select_n3A = arith.select %lt3A_34, %broadcast_in_dim3A, %sub3A_32 : vector<128x4096xi1>, vector<128x4096xf32>
    %get3A_36 = arith.constant 0 : index
    %get3A_37 = arith.constant 0 : index
    %get3A_38 = vector.load %arg2[%get3A_36, %get3A_37] : memref<128x4096xf32, #tpu.memory_space<vmem>>, vector<128x4096xf32>
    %abs3A = math.absf %get3A_38 : vector<128x4096xf32>
    %neg3A = arith.constant 0.000000e+00 : f32
    %neg3A_39 = vector.broadcast %neg3A : f32 to vector<128x4096xf32>
    %neg3A_40 = arith.subf %neg3A_39, %abs3A : vector<128x4096xf32>
    %exp3A = math.exp %neg3A_40 : vector<128x4096xf32>
    %max3A_41 = arith.constant 0.000000e+00 : f32
    %max3A_42 = vector.broadcast %max3A_41 : f32 to vector<128x4096xf32>
    %max3A_43 = arith.maximumf %get3A_38, %max3A_42 : vector<128x4096xf32>
    %mul3A = arith.mulf %get3A_38, %select_n3A : vector<128x4096xf32>
    %sub3A_44 = arith.subf %max3A_43, %mul3A : vector<128x4096xf32>
    %log1p3A = math.log1p %exp3A : vector<128x4096xf32>
    %add3A_45 = arith.addf %sub3A_44, %log1p3A : vector<128x4096xf32>
    %add3A_46 = arith.constant 1.000000e+00 : f32
    %add3A_47 = vector.broadcast %add3A_46 : f32 to vector<128x4096xf32>
    %add3A_48 = arith.addf %add3A_47, %exp3A : vector<128x4096xf32>
    %div3A_49 = arith.constant 1.000000e+00 : f32
    %div3A_50 = vector.broadcast %div3A_49 : f32 to vector<128x4096xf32>
    %div3A_51 = arith.divf %div3A_50, %add3A_48 : vector<128x4096xf32>
    %ge3A = arith.constant 0.000000e+00 : f32
    %ge3A_52 = vector.broadcast %ge3A : f32 to vector<128x4096xf32>
    %ge3A_53 = arith.cmpf oge, %get3A_38, %ge3A_52 : vector<128x4096xf32>
    %mul3A_54 = arith.mulf %exp3A, %div3A_51 : vector<128x4096xf32>
    %select_n3A_55 = arith.select %ge3A_53, %div3A_51, %mul3A_54 : vector<128x4096xi1>, vector<128x4096xf32>
    %mul3A_56 = arith.mulf %select_n3A_55, %select_n3A : vector<128x4096xf32>
    %sub3A_57 = arith.constant 1.000000e+00 : f32
    %sub3A_58 = vector.broadcast %sub3A_57 : f32 to vector<128x4096xf32>
    %sub3A_59 = arith.subf %sub3A_58, %select_n3A_55 : vector<128x4096xf32>
    %sub3A_60 = arith.constant 1.000000e+00 : f32
    %sub3A_61 = vector.broadcast %sub3A_60 : f32 to vector<128x4096xf32>
    %sub3A_62 = arith.subf %sub3A_61, %select_n3A : vector<128x4096xf32>
    %mul3A_63 = arith.mulf %sub3A_59, %sub3A_62 : vector<128x4096xf32>
    %add3A_64 = arith.addf %mul3A_56, %mul3A_63 : vector<128x4096xf32>
    %mul3A_65 = arith.constant 2.500000e-01 : f32
    %mul3A_66 = vector.broadcast %mul3A_65 : f32 to vector<128x4096xf32>
    %mul3A_67 = arith.mulf %mul3A_66, %select_n3A : vector<128x4096xf32>
    %sub3A_68 = arith.constant 1.000000e+00 : f32
    %sub3A_69 = vector.broadcast %sub3A_68 : f32 to vector<128x4096xf32>
    %sub3A_70 = arith.subf %sub3A_69, %select_n3A : vector<128x4096xf32>
    %mul3A_71 = arith.constant 7.500000e-01 : f32
    %mul3A_72 = vector.broadcast %mul3A_71 : f32 to vector<128x4096xf32>
    %mul3A_73 = arith.mulf %mul3A_72, %sub3A_70 : vector<128x4096xf32>
    %add3A_74 = arith.addf %mul3A_67, %mul3A_73 : vector<128x4096xf32>
    %mul3A_75 = arith.mulf %add3A_74, %add3A_45 : vector<128x4096xf32>
    %sub3A_76 = arith.constant 1.000000e+00 : f32
    %sub3A_77 = vector.broadcast %sub3A_76 : f32 to vector<128x4096xf32>
    %sub3A_78 = arith.subf %sub3A_77, %add3A_64 : vector<128x4096xf32>
    %integer_pow3A = arith.mulf %sub3A_78, %sub3A_78 : vector<128x4096xf32>
    %mul3A_79 = arith.mulf %mul3A_75, %integer_pow3A : vector<128x4096xf32>
    %reduce_sum3A = vector.shape_cast %mul3A_79 : vector<128x4096xf32> to vector<1x128x4096xf32>
    %reduce_sum3A_80 = arith.constant dense<0.000000e+00> : vector<1xf32>
    %reduce_sum3A_81 = vector.multi_reduction <add>, %reduce_sum3A, %reduce_sum3A_80 [1, 2] : vector<1x128x4096xf32> to vector<1xf32>
    %reduce_sum3A_82 = vector.shape_cast %reduce_sum3A_81 : vector<1xf32> to vector<1x1x1xf32>
    %reduce_sum3A_83 = vector.extract %reduce_sum3A_82[0, 0, 0] : f32 from vector<1x1x1xf32>
    %swap3A = arith.constant 0 : index
    %swap3A_84 = arith.constant 0 : index
    %swap3A_85 = memref.load %arg4[%swap3A, %swap3A_84] : memref<1x1xf32, #tpu.memory_space<smem>>
    memref.store %reduce_sum3A_83, %arg4[%swap3A, %swap3A_84] : memref<1x1xf32, #tpu.memory_space<smem>>
    %abs3A_86 = math.absf %get3A_38 : vector<128x4096xf32>
    %neg3A_87 = arith.constant 0.000000e+00 : f32
    %neg3A_88 = vector.broadcast %neg3A_87 : f32 to vector<128x4096xf32>
    %neg3A_89 = arith.subf %neg3A_88, %abs3A_86 : vector<128x4096xf32>
    %exp3A_90 = math.exp %neg3A_89 : vector<128x4096xf32>
    %max3A_91 = arith.constant 0.000000e+00 : f32
    %max3A_92 = vector.broadcast %max3A_91 : f32 to vector<128x4096xf32>
    %max3A_93 = arith.maximumf %get3A_38, %max3A_92 : vector<128x4096xf32>
    %mul3A_94 = arith.constant 1.000000e+00 : f32
    %mul3A_95 = vector.broadcast %mul3A_94 : f32 to vector<128x4096xf32>
    %mul3A_96 = arith.mulf %get3A_38, %mul3A_95 : vector<128x4096xf32>
    %sub3A_97 = arith.subf %max3A_93, %mul3A_96 : vector<128x4096xf32>
    %log1p3A_98 = math.log1p %exp3A_90 : vector<128x4096xf32>
    %add3A_99 = arith.addf %sub3A_97, %log1p3A_98 : vector<128x4096xf32>
    %add3A_100 = arith.constant 1.000000e+00 : f32
    %add3A_101 = vector.broadcast %add3A_100 : f32 to vector<128x4096xf32>
    %add3A_102 = arith.addf %add3A_101, %exp3A_90 : vector<128x4096xf32>
    %div3A_103 = arith.constant 1.000000e+00 : f32
    %div3A_104 = vector.broadcast %div3A_103 : f32 to vector<128x4096xf32>
    %div3A_105 = arith.divf %div3A_104, %add3A_102 : vector<128x4096xf32>
    %ge3A_106 = arith.constant 0.000000e+00 : f32
    %ge3A_107 = vector.broadcast %ge3A_106 : f32 to vector<128x4096xf32>
    %ge3A_108 = arith.cmpf oge, %get3A_38, %ge3A_107 : vector<128x4096xf32>
    %mul3A_109 = arith.mulf %exp3A_90, %div3A_105 : vector<128x4096xf32>
    %select_n3A_110 = arith.select %ge3A_108, %div3A_105, %mul3A_109 : vector<128x4096xi1>, vector<128x4096xf32>
    %mul3A_111 = arith.constant 1.000000e+00 : f32
    %mul3A_112 = vector.broadcast %mul3A_111 : f32 to vector<128x4096xf32>
    %mul3A_113 = arith.mulf %select_n3A_110, %mul3A_112 : vector<128x4096xf32>
    %sub3A_114 = arith.constant 1.000000e+00 : f32
    %sub3A_115 = vector.broadcast %sub3A_114 : f32 to vector<128x4096xf32>
    %sub3A_116 = arith.subf %sub3A_115, %select_n3A_110 : vector<128x4096xf32>
    %mul3A_117 = arith.constant 0.000000e+00 : f32
    %mul3A_118 = vector.broadcast %mul3A_117 : f32 to vector<128x4096xf32>
    %mul3A_119 = arith.mulf %sub3A_116, %mul3A_118 : vector<128x4096xf32>
    %add3A_120 = arith.addf %mul3A_113, %mul3A_119 : vector<128x4096xf32>
    %mul3A_121 = arith.constant 2.500000e-01 : f32
    %mul3A_122 = vector.broadcast %mul3A_121 : f32 to vector<128x4096xf32>
    %mul3A_123 = arith.mulf %mul3A_122, %add3A_99 : vector<128x4096xf32>
    %sub3A_124 = arith.constant 1.000000e+00 : f32
    %sub3A_125 = vector.broadcast %sub3A_124 : f32 to vector<128x4096xf32>
    %sub3A_126 = arith.subf %sub3A_125, %add3A_120 : vector<128x4096xf32>
    %integer_pow3A_127 = arith.mulf %sub3A_126, %sub3A_126 : vector<128x4096xf32>
    %mul3A_128 = arith.mulf %mul3A_123, %integer_pow3A_127 : vector<128x4096xf32>
    %sub3A_129 = arith.subf %mul3A_128, %mul3A_79 : vector<128x4096xf32>
    %swap3A_130 = arith.constant 0 : index
    %swap3A_131 = arith.constant 0 : index
    %swap3A_132 = vector.load %arg5[%swap3A_130, %swap3A_131] : memref<128x4096xf32, #tpu.memory_space<vmem>>, vector<128x4096xf32>
    tpu.vector_store %arg5[%swap3A_130, %swap3A_131], %sub3A_129 {strides = array<i32>} : memref<128x4096xf32, #tpu.memory_space<vmem>>, vector<128x4096xf32>,
    return
  }
}

module attributes {stable_mosaic.version = 14 : i64} {
  func.func @_b2_body(%arg0: memref<128x4096xf32, #tpu.memory_space<vmem>>, %arg1: memref<128x4096xf32, #tpu.memory_space<vmem>>, %arg2: memref<128x16xf32, #tpu.memory_space<vmem>>, %arg3: memref<1x1xf32, #tpu.memory_space<vmem>>, %arg4: memref<1x1xf32, #tpu.memory_space<smem>>) attributes {dimension_semantics = [], scalar_prefetch = 0 : i64, scratch_operands = 0 : i64, tpu.core_type = #tpu.core_type<tc>} {
    %get3A = arith.constant 0 : index
    %get3A_0 = arith.constant 0 : index
    %get3A_1 = vector.load %arg0[%get3A, %get3A_0] : memref<128x4096xf32, #tpu.memory_space<vmem>>, vector<128x4096xf32>
    %get3A_2 = arith.constant 0 : index
    %get3A_3 = arith.constant 0 : index
    %get3A_4 = vector.load %arg1[%get3A_2, %get3A_3] : memref<128x4096xf32, #tpu.memory_space<vmem>>, vector<128x4096xf32>
    %mul3A = arith.mulf %get3A_1, %get3A_4 : vector<128x4096xf32>
    %reduce_sum3A = vector.shape_cast %mul3A : vector<128x4096xf32> to vector<1x128x4096xf32>
    %reduce_sum3A_5 = arith.constant dense<0.000000e+00> : vector<1xf32>
    %reduce_sum3A_6 = vector.multi_reduction <add>, %reduce_sum3A, %reduce_sum3A_5 [1, 2] : vector<1x128x4096xf32> to vector<1xf32>
    %reduce_sum3A_7 = vector.shape_cast %reduce_sum3A_6 : vector<1xf32> to vector<1x1x1xf32>
    %reduce_sum3A_8 = vector.extract %reduce_sum3A_7[0, 0, 0] : f32 from vector<1x1x1xf32>
    %get3A_9 = arith.constant 0 : index
    %get3A_10 = arith.constant 0 : index
    %get3A_11 = vector.load %arg2[%get3A_9, %get3A_10] : memref<128x16xf32, #tpu.memory_space<vmem>>, vector<128x16xf32>
    %reduce_sum3A_12 = vector.shape_cast %get3A_11 : vector<128x16xf32> to vector<1x128x16xf32>
    %reduce_sum3A_13 = arith.constant dense<0.000000e+00> : vector<1xf32>
    %reduce_sum3A_14 = vector.multi_reduction <add>, %reduce_sum3A_12, %reduce_sum3A_13 [1, 2] : vector<1x128x16xf32> to vector<1xf32>
    %reduce_sum3A_15 = vector.shape_cast %reduce_sum3A_14 : vector<1xf32> to vector<1x1x1xf32>
    %reduce_sum3A_16 = vector.extract %reduce_sum3A_15[0, 0, 0] : f32 from vector<1x1x1xf32>
    %get3A_17 = arith.constant 0 : index
    %get3A_18 = arith.constant 0 : index
    %get3A_19 = vector.load %arg3[%get3A_17, %get3A_18] : memref<1x1xf32, #tpu.memory_space<vmem>>, vector<1x1xf32>
    %get3A_20 = vector.extract %get3A_19[0, 0] : f32 from vector<1x1xf32>
    %add3A = arith.addf %get3A_20, %reduce_sum3A_8 : f32
    %div3A = arith.constant 5.242880e+05 : f32
    %div3A_21 = arith.divf %add3A, %div3A : f32
    %div3A_22 = arith.constant 8.192000e+03 : f32
    %div3A_23 = arith.divf %reduce_sum3A_16, %div3A_22 : f32
    %add3A_24 = arith.addf %div3A_21, %div3A_23 : f32
    %swap3A = arith.constant 0 : index
    %swap3A_25 = arith.constant 0 : index
    %swap3A_26 = memref.load %arg4[%swap3A, %swap3A_25] : memref<1x1xf32, #tpu.memory_space<smem>>
    memref.store %add3A_24, %arg4[%swap3A, %swap3A_25] : memref<1x1xf32, #tpu.memory_space<smem>>
    return
  }
}

</mosaic_0001>

<sc_bundles>
// kernel: kernel.5.cloned.1.call-start
scs
__scs_entry_jumppad:
0x0: {  	(pc) =	sbr.rel $0x88, $3  }
0x1: {  	(tag) =	ssettag $0x0;
	lr =	simm.s32 $0x1  }
0x2: {  	[smem:$0x3F9E] =	sst lr;
	_ =	strace $0xD0000000  }
0x3: {  	_ = 	snop  }
0x4: {  	_ = 	snop  }
0x5: {  	_ = 	snop  }
0x6: {  	_ = 	snop  }
0x7: {  	_ = 	snop  }
__scs_overlays_trampoline_lowered:
0x8: {  	[smem:$0x3FAD] =	sst s0  }
0x9: {  	[smem:$0x3FAE] =	sst s1  }
0xa: {  	[smem:$0x3FAF] =	sst s2  }
0xb: {  	[smem:$0x3FB0] =	sst s3  }
0xc: {  	[smem:$0x3FB1] =	sst s4  }
0xd: {  	[smem:$0x3FB2] =	sst s5  }
0xe: {  	[smem:$0x3FB3] =	sst s6  }
0xf: {  	[smem:$0x3FB4] =	sst s7  }
0x10: {  	[smem:$0x3FB5] =	sst s8  }
0x11: {  	[smem:$0x3FB6] =	sst s9;
	s0 =	simm.s32 @!p0 $0x0  }
0x12: {  	s1 =	sld [smem:$0x3F9C];
	s0 =	simm.s32 @p0 $0x1  }
0x13: {  	[smem:$0x3FB7] =	sst s0;
	s0 =	simm.s32 @!p1 $0x0  }
0x14: {  	s2 =	sld [smem:$0x3F9B];
	s0 =	simm.s32 @p1 $0x1  }
0x15: {  	[smem:$0x3FB8] =	sst s0;
	s0 =	simm.s32 @!p2 $0x0  }
0x16: {  	s3 =	sld [smem:$0x3FDB];
	s0 =	simm.s32 @p2 $0x1  }
0x17: {  	s4 =	simm.s32 $0x1BF5;
	[smem:$0x3FBA] =	sst s0  }
0x18: {  	s0 =	sld [smem:$0x3F9D];
	_ =	swait.ge [sflag:s4], $0x0  }
0x19: {  	s7 =	sld [smem:$0x3F9E]  }
0x1a: {  	s8 =	sadd.s32 $0xFFFFE003, lr  }
0x1b: {  	s9 =	sadd.s32 $0xFFFFFEF7, lr;
	s5 =	simm.s32 $0xFFFFFFFF;
	p2 =	slt.u32 s8, $0xFFFFF086  }
0x1c: {  	p1 =	slt.u32 s9, $0xF7A;
	s5 =	simm.s32 @!p2 $0x0  }
0x1d: {  	s5 =	simm.s32 @p1 $0x1;
	p0 =	seq.s32 s7, s2  }
0x1e: {  	s7 =	smul.u32 @!p0 $0xF7A, s2;
	p2 =	seq.s32 @!p0 s5, $0x0  }
0x1f: {  	s9 =	smul.u32 $0xF7A, s1;
	s8 =	simm.s32 @!p0 $0x1BF5;
	p2 =	por !p2, p0  }
0x20: {  	[sflag:s8] =	ssyncset.s32 @!p0 $0xFFFFF086;
	s6 =	sadd.s32 @!p0 s3, s7;
	s7 =	simm.s32 @!p0 $0x108  }
0x21: {  	s3 =	sadd.s32 s3, s9;
	s6 =	sadd.s32 @!p0 $0x88, s6;
	s7 =	simm.s32 @p2 $0x1082  }
0x22: {  	[simem:s7], [sflag:s8] =	dma.local @!p0 [hbm:s6], $0xF7A  }
0x23: {  	s9 =	sor.u32 $0xD0000000, s2;
	s6 =	simm.s32 $0x108;
	_ =	swait.ge @!p0 [sflag:s8], $0x0  }
0x24: {  	s3 =	sadd.s32 $0x88, s3;
	s6 =	simm.s32 @!p1 $0x1082;
	[sflag:s4] =	ssyncset.s32 $0xFFFFF086  }
0x25: {  	[simem:s6], [sflag:s4] =	dma.local [hbm:s3], $0xF7A  }
0x26: {  	[smem:$0x3F9E] =	sst s1;
	(tag) =	ssettag s2;
	_ =	strace s9  }
0x27: {  	s1 =	sld [smem:$0x3FAE]  }
0x28: {  	s2 =	sld [smem:$0x3FAF]  }
0x29: {  	s4 =	sld [smem:$0x3FB1]  }
0x2a: {  	p0 =	seq.s32 s5, $0x0;
	s5 =	sld [smem:$0x3FB2]  }
0x2b: {  	s6 =	sld [smem:$0x3FB3]  }
0x2c: {  	s7 =	sld [smem:$0x3FB4]  }
0x2d: {  	s3 =	simm.s32 $0x108;
	s8 =	sld [smem:$0x3FB5]  }
0x2e: {  	s3 =	simm.s32 @!p0 $0x1082;
	s9 =	sld [smem:$0x3FB6]  }
0x2f: {  	lr =	sadd.s32 s0, s3;
	s0 =	sld [smem:$0x3FAD]  }
0x30: {  	s3 =	sld [smem:$0x3FB0]  }
0x31: {  	[smem:$0x3FB9] =	sst s10  }
0x32: {  	s10 =	sld [smem:$0x3FB7];
	_ =	sdelay $0x3  }
0x33: {  	p0 =	seq.s32 s10, $0x1;
	s10 =	sld [smem:$0x3FB9];
	_ =	sdelay $0x3  }
0x34: {  	[smem:$0x3FB9] =	sst s10  }
0x35: {  	s10 =	sld [smem:$0x3FB8];
	_ =	sdelay $0x3  }
0x36: {  	p1 =	seq.s32 s10, $0x1;
	s10 =	sld [smem:$0x3FB9];
	_ =	sdelay $0x3  }
0x37: {  	[smem:$0x3FB9] =	sst s10  }
0x38: {  	s10 =	sld [smem:$0x3FBA]  }
0x39: {  	_ = 	snop;
	(pc) =	sbr.ind lr, $3  }
0x3a: {  	_ = 	snop  }
0x3b: {  	_ = 	snop  }
0x3c: {  	p2 =	seq.s32 s10, $0x1;
	s10 =	sld [smem:$0x3FB9]  }
0x3d: {  	_ =	shalt  }
0x3e: {  	_ =	shalt  }
0x3f: {  	_ =	shalt  }
0x40: {  	_ =	shalt  }
0x41: {  	_ =	shalt  }
0x42: {  	_ =	shalt  }
0x43: {  	_ =	shalt  }
0x44: {  	_ =	shalt  }
0x45: {  	_ =	shalt  }
0x46: {  	_ =	shalt  }
0x47: {  	_ =	shalt  }
0x48: {  	_ =	shalt  }
0x49: {  	_ =	shalt  }
0x4a: {  	_ =	shalt  }
0x4b: {  	_ =	shalt  }
0x4c: {  	_ =	shalt  }
0x4d: {  	_ =	shalt  }
0x4e: {  	_ =	shalt  }
0x4f: {  	_ =	shalt  }
0x50: {  	_ =	shalt  }
0x51: {  	_ =	shalt  }
0x52: {  	_ =	shalt  }
0x53: {  	_ =	shalt  }
0x54: {  	_ =	shalt  }
0x55: {  	_ =	shalt  }
0x56: {  	_ =	shalt  }
0x57: {  	_ =	shalt  }
0x58: {  	_ =	shalt  }
0x59: {  	_ =	shalt  }
0x5a: {  	_ =	shalt  }
0x5b: {  	_ =	shalt  }
0x5c: {  	_ =	shalt  }
0x5d: {  	_ =	shalt  }
0x5e: {  	_ =	shalt  }
0x5f: {  	_ =	shalt  }
0x60: {  	_ =	shalt  }
0x61: {  	_ =	shalt  }
0x62: {  	_ =	shalt  }
0x63: {  	_ =	shalt  }
0x64: {  	_ =	shalt  }
0x65: {  	_ =	shalt  }
0x66: {  	_ =	shalt  }
0x67: {  	_ =	shalt  }
0x68: {  	_ =	shalt  }
0x69: {  	_ =	shalt  }
0x6a: {  	_ =	shalt  }
0x6b: {  	_ =	shalt  }
0x6c: {  	_ =	shalt  }
0x6d: {  	_ =	shalt  }
0x6e: {  	_ =	shalt  }
0x6f: {  	_ =	shalt  }
0x70: {  	_ =	shalt  }
0x71: {  	_ =	shalt  }
0x72: {  	_ =	shalt  }
0x73: {  	_ =	shalt  }
0x74: {  	_ =	shalt  }
0x75: {  	_ =	shalt  }
0x76: {  	_ =	shalt  }
0x77: {  	_ =	shalt  }
0x78: {  	_ =	shalt  }
0x79: {  	_ =	shalt  }
0x7a: {  	_ =	shalt  }
0x7b: {  	_ =	shalt  }
0x7c: {  	_ =	shalt  }
0x7d: {  	_ =	shalt  }
0x7e: {  	_ =	shalt  }
0x7f: {  	_ =	shalt  }
0x80: {  	_ =	shalt  }
0x81: {  	_ =	shalt  }
0x82: {  	_ =	shalt  }
0x83: {  	_ =	shalt  }
0x84: {  	_ =	shalt  }
0x85: {  	_ =	shalt  }
0x86: {  	_ =	shalt  }
0x87: {  	_ =	shalt  }
.Lfunc_end0:
.L_simem_size_0:
called_computation_lowered:
.L_overlay_start_0:
0x88: {  	s2 =	sld [smem:$0x3FD9]  }
0x89: {  	s3 =	sld [smem:$0x3FFE];
	_ =	sdelay $0x1  }
0x8a: {  	s1 =	srdreg.scid  }
0x8b: {  	s0 =	sand.u32 $0x1, s1  }
0x8c: {  	s16 =	sshll.u32 s0, $0xA;
	s2 =	sadd.s32 s3, s2  }
0x8d: {  	s2 =	sadd.s32 s2, s16  }
0x8e: {  	[smem:$0x3FC5] =	sst s2  }
0x8f: {  	_ = 	snop  }
0x90: {  	(tm) =	ssettm $0x1  }
0x91: {  	s17 =	sld [smem:$0x3FFB];
	_ =	sdelay $0x3  }
0x92: {  	_ =	strace s17  }
0x93: {  	s2 =	sld [smem:$0x3FFC];
	_ =	sdelay $0x3  }
0x94: {  	_ =	strace s2  }
0x95: {  	s2 =	sld [smem:$0x3FFD];
	_ =	sdelay $0x3  }
0x96: {  	_ =	strace s2  }
0x97: {  	_ =	strace $0x8FFFFFFF  }
0x98: {  	s18 =	sld [smem:$0x3FDB];
	_ =	sdelay $0x1  }
0x99: {  	s19 =	simm.s32 $_scs_section_size  }
0x9a: {  	s4 =	simm.s32 $_size__tile_overlayer_lowered;
	s5 =	simm.s32 $_tile_overlayer_lowered  }
0x9b: {  	s22 =	simm.s32 $0x1BFF;
	s21 =	sshll.u32 s5, $0x1;
	s2 =	sadd.s32 s19, s18  }
0x9c: {  	s6 =	simm.s32 $0x0;
	s20 =	sshll.u32 s4, $0x1;
	s4 =	sadd.s32 s21, s2  }
0x9d: {  	[timem:s6], [sflag:s22] =	dma.local [hbm:s4], s20  }
0x9e: {  	_ =	swait.ge [sflag:s22], s20  }
0x9f: {  	s3 =	ssub.s32 $0x0, s20;
	[sflag:s22] =	ssyncset.done $0x0  }
0xa0: {  	[sflag:s22] =	ssyncadd.s32 s3;
	_ =	sdelay $0x1  }
0xa1: {  	s23 =	simm.s32 $0x1B8B  }
0xa2: {  	_ =	swait.ge [sflag:s23], $0x1  }
0xa3: {  	[sflag:s23] =	ssyncset.done $0x0  }
0xa4: {  	s25 =	simm.s32 $0x1B8E;
	s24 =	sld [smem:$0x3FFE];
	[sflag:s23] =	ssyncadd.s32 $0xFFFFFFFF  }
0xa5: {  	s26 =	simm.s32 $execute0_lowered;
	[smem:$0x3FD2] =	sst s25  }
0xa6: {  	s4 =	sshll.u32 s26, $0x1;
	_ =	strace $0x80000046;
	[dreg:$0x1] =	wrdreg $0xFFFFFFFF  }
0xa7: {  	s28 =	simm.s32 $_size_execute0_lowered;
	s2 =	sadd.s32 s2, s4;
	[dreg:$0x0] =	wrdreg $0x0  }
0xa8: {  	s4 =	sshll.u32 s28, $0x1;
	[dreg:$0x2] =	wrdreg s2  }
0xa9: {  	[dreg:$0x3] =	wrdreg s4  }
0xaa: {  	[dreg:$0x4] =	wrdreg $0xC0  }
0xab: {  	_ =	task [dreg:s6], $0x5FFFF  }
0xac: {  	[dreg:$0x1] =	wrdreg $0xFFFFFFFF  }
0xad: {  	[dreg:$0x0] =	wrdreg $0x60  }
0xae: {  	[dreg:$0x2] =	wrdreg s24  }
0xaf: {  	[dreg:$0x3] =	wrdreg $0x9  }
0xb0: {  	_ =	task.clear_ibuf [dreg:s6], $0x4FFFF;
	_ =	strace $0x90000046  }
0xb1: {  	s29 =	simm.s32 $0x9;
	_ =	strace $0x80000048  }
0xb2: {  	_ =	swait.ge [sflag:s29], $0x1  }
0xb3: {  	[sflag:s29] =	ssyncadd.s32 $0xFFFFFFFF  }
0xb4: {  	_ =	strace $0x90000048  }
0xb5: {  	_ =	sfence  }
0xb6: {  	s30 =	sld [smem:$0x0];
	_ =	sdelay $0x2  }
0xb7: {  	s31 =	sshll.u32 s1, $0xD;
	s1 =	sshrl.u32 s1, $0x2  }
0xb8: {  	s3 =	sand.u32 $0x4000, s31;
	s1 =	sadd.s32 s1, s30  }
0xb9: {  	s0 =	sor.u32 s3, s0;
	s1 =	sshll.u32 s1, $0x11  }
0xba: {  	s0 =	sor.u32 s1, s0  }
0xbb: {  	s0 =	sadd.s32 $0x8F2B, s0  }
0xbc: {  	[sflag:s0] =	ssyncadd.remote.s32 $0x1  }
0xbd: {  	_ =	sfence.sel $0xFFFF  }
0xbe: {  	[dreg:$0x0] =	wrdreg $0xFFFFFFFF;
	(pc) =	sbr.abs _section_cstart, $3  }
0xbf: {  	[dreg:$0x1] =	wrdreg $0xFFFFFFFF  }
0xc0: {  	_ =	task.clear_ibuf [dreg:s6], $0x2FFFF;
	_ =	strace $0x9FFFFFFF  }
0xc1: {  	(tm) =	ssettm $0x7FFFFFFF  }
tec
execute0_lowered:
.L_overlay_start_1:
0x0: {  	(tag) =	ssettag $0x1  }
0x1: {  	v0 =	vimm.s32 $0xEFCDAB89;
	v1 =	vimm.s32 $0x67452301;
	v2 =	vimm.s32 $0xDCFE98BA  }
0x2: {  	s3 =	rddreg [dreg:$0x0];
	v3 =	vimm.s32 $0x54761032;
	v4 =	vimm.s32 $0xBA98FEDC;
	v5 =	vimm.s32 $0x32107654  }
0x3: {  	s0 =	rddreg [dreg:$0x1];
	s4 =	srdreg.scid;
	v6 =	vimm.s32 $0xFEDCBA98;
	v7 =	vimm.s32 $0x76543210;
	v0 =	vunpack.c.l.s4.s8 v0  }
0x4: {  	s1 =	stileid.u32;
	s2 =	simm.s32 $0x0;
	s10 =	simm.s32 $0x1;
	v1 =	vunpack.c.l.s4.s8 v1;
	v2 =	vunpack.c.l.s4.s8 v2;
	v3 =	vunpack.c.l.s4.s8 v3  }
0x5: {  	s11 =	simm.s32 $0x8000;
	s12 =	simm.s32 $0x8080;
	s13 =	simm.s32 $0xC500;
	v4 =	vunpack.c.l.s4.s8 v4;
	v5 =	vunpack.c.l.s4.s8 v5;
	v6 =	vunpack.c.l.s4.s8 v6  }
0x6: {  	s14 =	simm.s32 $0x10500;
	s4 =	sand.u32 $0x1, s4;
	s5 =	sshll.u32 s1, $0x1;
	v0 =	vunpack.c.0.s8.s32 v0;
	v1 =	vunpack.c.0.s8.s32 v1;
	v2 =	vunpack.c.0.s8.s32 v2  }
0x7: {  	s15 =	simm.s32 $0x0;
	[smem:$0x7FF] =	sst s2;
	s5 =	sor.u32 s4, s5;
	v3 =	vunpack.c.0.s8.s32 v3;
	v4 =	vunpack.c.0.s8.s32 v4;
	v5 =	vunpack.c.0.s8.s32 v5  }
0x8: {  	v7 =	vunpack.c.l.s4.s8 v7;
	_ =	strace $0x80000047;
	s4 =	ssub.s32 $0x2, s4;
	s6 =	sshll.u32 s5, $0xB;
	v1 =	vcombine.low v1, v0  }
0x9: {  	s5 =	sshll.u32 s5, $0x3;
	s31 =	sshrl.u32 s4, $0x1;
	s7 =	sadd.s32 s6, s3;
	v2 =	vcombine.low v3, v2;
	v3 =	vcombine.low v5, v4;
	v4 =	vunpack.c.0.s8.s32 v6  }
0xa: {  	s8 =	sadd.s32 s5, s3;
	s9 =	ssub.s32 s4, s31;
	s3 =	sadd.s32 $0x11A00, s7;
	v0 =	vlaneseq.u32;
	v5 =	vunpack.c.0.s8.s32 v7;
	v6 =	vimm.f32 $0.0e+00  }
0xb: {  	s4 =	sadd.s32 $0x1A00, s7;
	s5 =	sadd.s32 $0x21A00, s8;
	s6 =	sadd.s32 $0x21C00, s8;
	v1 =	vand.u32 $0xF, v1;
	v2 =	vand.u32 $0xF, v2;
	v4 =	vand.u32 $0xF, v4  }
0xc: {  	s7 =	sadd.s32 $0x21E00, s7;
	s8 =	sadd.s32 $0x31E00, s8;
	s9 =	smax.u32 s9, $0x1;
	v3 =	vand.u32 $0xF, v3;
	v4 =	vcombine.low v4, v5;
	v5 =	vimm.f32 $-1.000000000e+00  }
.LBB2_1:
0xd: {  	[tilespmem:s2], [sflag:$0x1] =	stream.linear.gather [hbm4b:s3+s2], $0x4000, $0x38;
	[tilespmem:$0x10580] =	vst v63  }
0xe: {  	_ =	swait.ge [sflag:s10], $0x4000  }
0xf: {  	[sflag:s10] =	ssyncset.done $0x0  }
0x10: {  	s16 =	simm.s32 $0x4000;
	[sflag:s10] =	ssyncadd.s32 $0xFFFFC000  }
0x11: {  	[tilespmem:s16], [sflag:$0x1] =	stream.linear.gather [hbm4b:s4+s2], $0x4000, $0x38;
	[tilespmem:$0x10580] =	vst v63  }
0x12: {  	_ =	swait.ge [sflag:s10], $0x4000  }
0x13: {  	[sflag:s10] =	ssyncset.done $0x0  }
0x14: {  	[sflag:s10] =	ssyncadd.s32 $0xFFFFC000  }
0x15: {  	[tilespmem:s11], [sflag:$0x1] =	stream.linear.gather [hbm4b:s5+s2], $0x40, $0x38;
	[tilespmem:$0x10580] =	vst v63  }
0x16: {  	_ =	swait.ge [sflag:s10], $0x40  }
0x17: {  	[sflag:s10] =	ssyncset.done $0x0  }
0x18: {  	[sflag:s10] =	ssyncadd.s32 $0xFFFFFFC0  }
0x19: {  	[tilespmem:s12], [sflag:$0x1] =	stream.linear.gather [hbm4b:s6+s2], $0x40, $0x38;
	[tilespmem:$0x10580] =	vst v63  }
0x1a: {  	_ =	swait.ge [sflag:s10], $0x40  }
0x1b: {  	[sflag:s10] =	ssyncset.done $0x0  }
0x1c: {  	[sflag:s10] =	ssyncadd.s32 $0xFFFFFFC0  }
0x1d: {  	v10 =	vld [tilespmem:$0x8000]  }
0x1e: {  	v11 =	vld [tilespmem:$0x8010]  }
0x1f: {  	v12 =	vld [tilespmem:$0x8020]  }
0x20: {  	v7 =	vld [tilespmem:$0x8030]  }
0x21: {  	v8 =	vld [tilespmem:$0x8080]  }
0x22: {  	v13 =	vld [tilespmem:$0x8090]  }
0x23: {  	v14 =	vld [tilespmem:$0x80A0]  }
0x24: {  	v9 =	vld [tilespmem:$0x80B0];
	_ =	sdelay $0x3  }
0x25: {  	s17 =	simm.s32 $0xA100;
	v15 =	vsub.f32 v8, v10;
	v16 =	vsub.f32 v13, v11  }
0x26: {  	s18 =	simm.s32 $0x0;
	s19 =	simm.s32 $0x0;
	s20 =	simm.s32 $0x0;
	v17 =	vsub.f32 v14, v12;
	v18 =	vsub.f32 v9, v7  }
.LBB2_2:
0x27: {  	v19 =	vmov s18  }
0x28: {  	v20 =	vmov s16;
	_ =	sdelay $0x2  }
0x29: {  	s21 =	simm.s32 $0x0  }
0x2a: {  	v21 =	vld.idx.msk [tilespmem:v19+s21+$0x0 ss:$0x1], $0xffff  }
0x2b: {  	v22 =	vld.idx.msk [tilespmem:v20+s21+$0x0 ss:$0x1], $0xffff;
	_ =	sdelay $0x4  }
0x2c: {  	v23 =	vmax.f32 v21, v10;
	v24 =	vmin.f32 v22, v8;
	v25 =	vsub.f32 v22, v21  }
0x2d: {  	v23 =	vsub.f32 v24, v23  }
0x2e: {  	v21 =	vmin.f32 v21, v10;
	v22 =	vmax.f32 v22, v8;
	v24 =	vadd.f32 v25, v15  }
0x2f: {  	v21 =	vsub.f32 v22, v21;
	v22 =	vmax.f32 v23, $0.0e+00  }
0x30: {  	v23 =	vsub.f32 v24, v22  }
0x31: {  	v24 =	vadd.f32 $9.999999970e-07, v21  }
0x32: {  	v25 =	vadd.f32 $9.999999970e-07, v23  }
0x33: {  	(erf) = vrcp.f32 v24  }
0x34: {  	(erf) = vrcp.f32 v25;
	_ =	sdelay $0x7  }
0x35: {  	v21 =	vsub.f32 v21, v23;
	v24 =	vor.u32 s19, v0;
	v23 =	vpop (erf)  }
0x36: {  	v24 =	vcvt.s32.f32 v24;
	v25 =	vpop (erf)  }
0x37: {  	v23 =	vmul.f32 v21, v23;
	v25 =	vmul.f32 v25, v22  }
0x38: {  	v21 =	vmov s17  }
0x39: {  	v22 =	vmul.f32 $3.725290300e-09, v24;
	v23 =	vsub.f32 v25, v23;
	_ =	sdelay $0x1  }
0x3a: {  	v24 =	vsub.f32 v23, v22;
	_ =	sdelay $0x1  }
0x3b: {  	[tilespmem:v21+s21+$0xFFFFE000 ss:$0x1] =	vst.idx.msk $0xffff, v24  }
0x3c: {  	v23 =	vld.idx.msk [tilespmem:v19+s21+$0x1000 ss:$0x1], $0xffff  }
0x3d: {  	v25 =	vld.idx.msk [tilespmem:v20+s21+$0x1000 ss:$0x1], $0xffff;
	_ =	sdelay $0x4  }
0x3e: {  	v26 =	vmax.f32 v23, v11;
	v27 =	vmin.f32 v25, v13;
	v28 =	vsub.f32 v25, v23  }
0x3f: {  	v26 =	vsub.f32 v27, v26  }
0x40: {  	v23 =	vmin.f32 v23, v11;
	v25 =	vmax.f32 v25, v13;
	v27 =	vadd.f32 v28, v16  }
0x41: {  	v23 =	vsub.f32 v25, v23;
	v25 =	vmax.f32 v26, $0.0e+00  }
0x42: {  	v26 =	vsub.f32 v27, v25  }
0x43: {  	v27 =	vadd.f32 $9.999999970e-07, v23  }
0x44: {  	v28 =	vadd.f32 $9.999999970e-07, v26  }
0x45: {  	(erf) = vrcp.f32 v27  }
0x46: {  	(erf) = vrcp.f32 v28;
	_ =	sdelay $0x7  }
0x47: {  	v23 =	vsub.f32 v23, v26;
	v26 =	vpop (erf)  }
0x48: {  	v27 =	vpop (erf)  }
0x49: {  	v23 =	vmul.f32 v23, v26;
	v25 =	vmul.f32 v27, v25;
	_ =	sdelay $0x1  }
0x4a: {  	v23 =	vsub.f32 v25, v23;
	_ =	sdelay $0x1  }
0x4b: {  	v25 =	vsub.f32 v23, v22;
	_ =	sdelay $0x1  }
0x4c: {  	[tilespmem:v21+s21+$0xFFFFF000 ss:$0x1] =	vst.idx.msk $0xffff, v25  }
0x4d: {  	v23 =	vld.idx.msk [tilespmem:v19+s21+$0x2000 ss:$0x1], $0xffff  }
0x4e: {  	v26 =	vld.idx.msk [tilespmem:v20+s21+$0x2000 ss:$0x1], $0xffff;
	_ =	sdelay $0x4  }
0x4f: {  	v27 =	vmax.f32 v23, v12;
	v28 =	vmin.f32 v26, v14;
	v29 =	vsub.f32 v26, v23  }
0x50: {  	v27 =	vsub.f32 v28, v27  }
0x51: {  	v23 =	vmin.f32 v23, v12;
	v26 =	vmax.f32 v26, v14;
	v28 =	vadd.f32 v29, v17  }
0x52: {  	v23 =	vsub.f32 v26, v23;
	v26 =	vmax.f32 v27, $0.0e+00  }
0x53: {  	v27 =	vsub.f32 v28, v26  }
0x54: {  	v28 =	vadd.f32 $9.999999970e-07, v23  }
0x55: {  	v29 =	vadd.f32 $9.999999970e-07, v27  }
0x56: {  	(erf) = vrcp.f32 v28  }
0x57: {  	(erf) = vrcp.f32 v29;
	_ =	sdelay $0x7  }
0x58: {  	v23 =	vsub.f32 v23, v27;
	v27 =	vpop (erf)  }
0x59: {  	v28 =	vpop (erf)  }
0x5a: {  	v23 =	vmul.f32 v23, v27;
	v26 =	vmul.f32 v28, v26;
	_ =	sdelay $0x1  }
0x5b: {  	v23 =	vsub.f32 v26, v23;
	_ =	sdelay $0x1  }
0x5c: {  	v27 =	vsub.f32 v23, v22;
	_ =	sdelay $0x1  }
0x5d: {  	[tilespmem:v21+s21+$0x0 ss:$0x1] =	vst.idx.msk $0xffff, v27  }
0x5e: {  	v23 =	vld.idx.msk [tilespmem:v19+s21+$0x3000 ss:$0x1], $0xffff  }
0x5f: {  	v26 =	vld.idx.msk [tilespmem:v20+s21+$0x3000 ss:$0x1], $0xffff;
	_ =	sdelay $0x4  }
0x60: {  	v28 =	vmax.f32 v23, v7;
	v29 =	vmin.f32 v26, v9;
	v30 =	vsub.f32 v26, v23  }
0x61: {  	v28 =	vsub.f32 v29, v28  }
0x62: {  	v23 =	vmin.f32 v23, v7;
	v26 =	vmax.f32 v26, v9;
	v29 =	vadd.f32 v30, v18  }
0x63: {  	v26 =	vsub.f32 v26, v23;
	v28 =	vmax.f32 v28, $0.0e+00  }
0x64: {  	v29 =	vsub.f32 v29, v28  }
0x65: {  	v23 =	vadd.f32 $9.999999970e-07, v26  }
0x66: {  	v30 =	vadd.f32 $9.999999970e-07, v29  }
0x67: {  	(erf) = vrcp.f32 v23  }
0x68: {  	(erf) = vrcp.f32 v30;
	_ =	sdelay $0x7  }
0x69: {  	v23 =	vimm.f32 $-3.000000000e+00;
	v29 =	vsub.f32 v26, v29;
	v30 =	vpop (erf)  }
0x6a: {  	v26 =	vmax.f32 v23, v24;
	v24 =	vmax.f32 v23, v25;
	v31 =	vpop (erf)  }
0x6b: {  	s22 =	simm.s32 $0x40;
	s23 =	smov.u32 s19;
	v25 =	vmax.f32 v23, v27;
	v27 =	vmul.f32 v29, v30;
	v28 =	vmul.f32 v31, v28  }
.LBB2_3:
0x6c: {  	p0 =	sne.s32 s22, $0x3C0  }
0x6d: {  	s23 =	sadd.s32 $0x10, s23;
	s24 =	smov.u32 s22;
	s22 =	sadd.s32 $0x40, s22;
	v27 =	vsub.f32 v28, v27  }
0x6e: {  	_ = 	snop  }
0x6f: {  	v22 =	vsub.f32 v27, v22;
	_ =	sdelay $0x1  }
0x70: {  	[tilespmem:v21+s21+$0x1000 ss:$0x1] =	vst.idx.msk $0xffff, v22;
	s21 =	sshra.s32 s24, $0x2;
	v23 =	vmax.f32 v23, v22  }
0x71: {  	v22 =	vld.idx.msk [tilespmem:v19+s21+$0x0 ss:$0x1], $0xffff  }
0x72: {  	v27 =	vld.idx.msk [tilespmem:v20+s21+$0x0 ss:$0x1], $0xffff;
	_ =	sdelay $0x4  }
0x73: {  	v28 =	vmax.f32 v22, v10;
	v29 =	vmin.f32 v22, v10  }
0x74: {  	v30 =	vmin.f32 v27, v8;
	v22 =	vsub.f32 v27, v22;
	v27 =	vmax.f32 v27, v8  }
0x75: {  	v28 =	vsub.f32 v30, v28;
	v27 =	vsub.f32 v27, v29  }
0x76: {  	v22 =	vadd.f32 v22, v15  }
0x77: {  	v28 =	vmax.f32 v28, $0.0e+00;
	v29 =	vadd.f32 $9.999999970e-07, v27  }
0x78: {  	v22 =	vsub.f32 v22, v28  }
0x79: {  	(erf) = vrcp.f32 v29  }
0x7a: {  	v29 =	vadd.f32 $9.999999970e-07, v22;
	v22 =	vsub.f32 v27, v22;
	_ =	sdelay $0x1  }
0x7b: {  	(erf) = vrcp.f32 v29;
	_ =	sdelay $0x5  }
0x7c: {  	v27 =	vpop (erf);
	_ =	sdelay $0x1  }
0x7d: {  	v29 =	vor.u32 s23, v0  }
0x7e: {  	v29 =	vcvt.s32.f32 v29;
	v27 =	vmul.f32 v22, v27;
	v22 =	vpop (erf)  }
0x7f: {  	v28 =	vmul.f32 v22, v28  }
0x80: {  	v22 =	vmul.f32 $3.725290300e-09, v29  }
0x81: {  	v27 =	vsub.f32 v28, v27;
	_ =	sdelay $0x1  }
0x82: {  	v27 =	vsub.f32 v27, v22;
	_ =	sdelay $0x1  }
0x83: {  	[tilespmem:v21+s21+$0xFFFFE000 ss:$0x1] =	vst.idx.msk $0xffff, v27;
	v26 =	vmax.f32 v26, v27  }
0x84: {  	v27 =	vld.idx.msk [tilespmem:v19+s21+$0x1000 ss:$0x1], $0xffff  }
0x85: {  	v28 =	vld.idx.msk [tilespmem:v20+s21+$0x1000 ss:$0x1], $0xffff;
	_ =	sdelay $0x4  }
0x86: {  	v29 =	vmax.f32 v27, v11;
	v30 =	vmin.f32 v27, v11  }
0x87: {  	v31 =	vmin.f32 v28, v13;
	v27 =	vsub.f32 v28, v27;
	v28 =	vmax.f32 v28, v13  }
0x88: {  	v29 =	vsub.f32 v31, v29;
	v28 =	vsub.f32 v28, v30  }
0x89: {  	v27 =	vadd.f32 v27, v16  }
0x8a: {  	v29 =	vmax.f32 v29, $0.0e+00;
	v30 =	vadd.f32 $9.999999970e-07, v28  }
0x8b: {  	v27 =	vsub.f32 v27, v29  }
0x8c: {  	(erf) = vrcp.f32 v30  }
0x8d: {  	v30 =	vadd.f32 $9.999999970e-07, v27;
	v27 =	vsub.f32 v28, v27;
	_ =	sdelay $0x1  }
0x8e: {  	(erf) = vrcp.f32 v30;
	_ =	sdelay $0x5  }
0x8f: {  	v28 =	vpop (erf);
	_ =	sdelay $0x1  }
0x90: {  	v27 =	vmul.f32 v27, v28  }
0x91: {  	v28 =	vpop (erf)  }
0x92: {  	v28 =	vmul.f32 v28, v29;
	_ =	sdelay $0x1  }
0x93: {  	v27 =	vsub.f32 v28, v27;
	_ =	sdelay $0x1  }
0x94: {  	v27 =	vsub.f32 v27, v22;
	_ =	sdelay $0x1  }
0x95: {  	[tilespmem:v21+s21+$0xFFFFF000 ss:$0x1] =	vst.idx.msk $0xffff, v27;
	v24 =	vmax.f32 v24, v27  }
0x96: {  	v27 =	vld.idx.msk [tilespmem:v19+s21+$0x2000 ss:$0x1], $0xffff  }
0x97: {  	v28 =	vld.idx.msk [tilespmem:v20+s21+$0x2000 ss:$0x1], $0xffff;
	_ =	sdelay $0x4  }
0x98: {  	v29 =	vmax.f32 v27, v12;
	v30 =	vmin.f32 v27, v12  }
0x99: {  	v31 =	vmin.f32 v28, v14;
	v27 =	vsub.f32 v28, v27;
	v28 =	vmax.f32 v28, v14  }
0x9a: {  	v29 =	vsub.f32 v31, v29;
	v28 =	vsub.f32 v28, v30  }
0x9b: {  	v27 =	vadd.f32 v27, v17  }
0x9c: {  	v29 =	vmax.f32 v29, $0.0e+00;
	v30 =	vadd.f32 $9.999999970e-07, v28  }
0x9d: {  	v27 =	vsub.f32 v27, v29  }
0x9e: {  	(erf) = vrcp.f32 v30  }
0x9f: {  	v30 =	vadd.f32 $9.999999970e-07, v27;
	v27 =	vsub.f32 v28, v27;
	_ =	sdelay $0x1  }
0xa0: {  	(erf) = vrcp.f32 v30;
	_ =	sdelay $0x5  }
0xa1: {  	v28 =	vpop (erf)  }
0xa2: {  	v27 =	vmul.f32 v27, v28;
	_ =	sdelay $0x1  }
0xa3: {  	v28 =	vpop (erf)  }
0xa4: {  	v28 =	vmul.f32 v28, v29;
	_ =	sdelay $0x1  }
0xa5: {  	v27 =	vsub.f32 v28, v27;
	_ =	sdelay $0x1  }
0xa6: {  	v27 =	vsub.f32 v27, v22;
	_ =	sdelay $0x1  }
0xa7: {  	[tilespmem:v21+s21+$0x0 ss:$0x1] =	vst.idx.msk $0xffff, v27;
	v25 =	vmax.f32 v25, v27  }
0xa8: {  	v27 =	vld.idx.msk [tilespmem:v19+s21+$0x3000 ss:$0x1], $0xffff  }
0xa9: {  	v28 =	vld.idx.msk [tilespmem:v20+s21+$0x3000 ss:$0x1], $0xffff;
	_ =	sdelay $0x4  }
0xaa: {  	v29 =	vmax.f32 v27, v7;
	v30 =	vmin.f32 v27, v7  }
0xab: {  	v31 =	vmin.f32 v28, v9;
	v27 =	vsub.f32 v28, v27;
	v28 =	vmax.f32 v28, v9  }
0xac: {  	v29 =	vsub.f32 v31, v29;
	v28 =	vsub.f32 v28, v30  }
0xad: {  	v27 =	vadd.f32 v27, v18  }
0xae: {  	v29 =	vmax.f32 v29, $0.0e+00;
	v30 =	vadd.f32 $9.999999970e-07, v28  }
0xaf: {  	v27 =	vsub.f32 v27, v29  }
0xb0: {  	(erf) = vrcp.f32 v30  }
0xb1: {  	v30 =	vadd.f32 $9.999999970e-07, v27;
	v27 =	vsub.f32 v28, v27;
	_ =	sdelay $0x1  }
0xb2: {  	(erf) = vrcp.f32 v30;
	_ =	sdelay $0x5  }
.Ltmp0:
0xb3: {  	v28 =	vpop (erf);
	(pc) =	sbr.rel @p0 .LBB2_3-.Ltmp0, $3  }
0xb4: {  	v27 =	vmul.f32 v27, v28;
	_ =	sdelay $0x1  }
0xb5: {  	v28 =	vpop (erf)  }
0xb6: {  	v28 =	vmul.f32 v28, v29  }
0xb7: {  	_ = 	snop  }
0xb8: {  	v19 =	vsub.f32 v28, v27;
	_ =	sdelay $0x1  }
0xb9: {  	s22 =	sshll.u32 s20, $0x4;
	s20 =	sadd.s32 $0x1, s20;
	v19 =	vsub.f32 v19, v22  }
0xba: {  	p0 =	sne.s32 s20, $0x10  }
.Ltmp1:
0xbb: {  	s30 =	sand.u32 $0x3FFFFFF0, s22;
	[tilespmem:v21+s21+$0x1000 ss:$0x1] =	vst.idx.msk $0xffff, v19;
	(pc) =	sbr.rel @p0 .LBB2_2-.Ltmp1, $4  }
0xbc: {  	s31 =	sand.u32 $0xF0, s22;
	[tilespmem:s30+$0xC100] =	vst v26  }
0xbd: {  	[tilespmem:s31+$0xC200] =	vst v24  }
0xbe: {  	s19 =	sadd.s32 $0x100, s19;
	v19 =	vmax.f32 v23, v19;
	[tilespmem:s31+$0xC300] =	vst v25  }
0xbf: {  	s17 =	sadd.s32 $0x100, s17;
	s16 =	sadd.s32 $0x100, s16;
	s18 =	sadd.s32 $0x100, s18;
	[tilespmem:s31+$0xC400] =	vst v19  }
0xc0: {  	s16 =	simm.s32 $0x20  }
.LBB2_6:
0xc1: {  	v16 =	vld [tilespmem:$0xC100]  }
0xc2: {  	v17 =	vld [tilespmem:$0xC110]  }
0xc3: {  	v18 =	vld [tilespmem:$0xC120]  }
0xc4: {  	v19 =	vld [tilespmem:$0xC130]  }
0xc5: {  	v20 =	vld [tilespmem:$0xC140]  }
0xc6: {  	v21 =	vld [tilespmem:$0xC150]  }
0xc7: {  	v22 =	vld [tilespmem:$0xC160];
	v15 =	vmax.f32 v16, v17  }
0xc8: {  	v23 =	vld [tilespmem:$0xC170];
	v15 =	vmax.f32 v15, v18  }
0xc9: {  	v24 =	vld [tilespmem:$0xC180];
	v15 =	vmax.f32 v15, v19  }
0xca: {  	v25 =	vld [tilespmem:$0xC190];
	v15 =	vmax.f32 v15, v20  }
0xcb: {  	v26 =	vld [tilespmem:$0xC1A0];
	v15 =	vmax.f32 v15, v21  }
0xcc: {  	v27 =	vld [tilespmem:$0xC1B0];
	v15 =	vmax.f32 v15, v22  }
0xcd: {  	v28 =	vld [tilespmem:$0xC1C0];
	v15 =	vmax.f32 v15, v23  }
0xce: {  	v29 =	vld [tilespmem:$0xC1D0];
	v15 =	vmax.f32 v15, v24  }
0xcf: {  	v30 =	vld [tilespmem:$0xC1E0];
	v15 =	vmax.f32 v15, v25  }
0xd0: {  	v31 =	vld [tilespmem:$0xC1F0];
	v15 =	vmax.f32 v15, v26  }
0xd1: {  	v15 =	vmax.f32 v15, v27  }
0xd2: {  	v15 =	vmax.f32 v15, v28  }
0xd3: {  	v15 =	vmax.f32 v15, v29  }
0xd4: {  	v15 =	vmax.f32 v15, v30  }
0xd5: {  	v15 =	vmax.f32 v15, v31  }
0xd6: {  	v32 =	vperm.xlane v15, v1;
	_ =	sdelay $0x1  }
0xd7: {  	v15 =	vmax.f32 v15, v32  }
0xd8: {  	v32 =	vperm.xlane v15, v2;
	_ =	sdelay $0x1  }
0xd9: {  	v15 =	vmax.f32 v15, v32  }
0xda: {  	v32 =	vperm.xlane v15, v3;
	_ =	sdelay $0x1  }
0xdb: {  	v15 =	vmax.f32 v15, v32  }
0xdc: {  	v32 =	vperm.xlane v15, v4;
	_ =	sdelay $0x1  }
0xdd: {  	v15 =	vmax.f32 v15, v32  }
0xde: {  	vm0 =	veq.f32 v16, v15  }
0xdf: {  	vm10 =	veq.f32 v17, v15;
	v16 =	vsel vm0, $0x0, v5  }
0xe0: {  	vm11 =	veq.f32 v18, v15;
	v16 =	vsel vm10, $0x3F800000, v16  }
0xe1: {  	vm12 =	veq.f32 v19, v15;
	v16 =	vsel vm11, $0x40000000, v16  }
0xe2: {  	vm13 =	veq.f32 v20, v15;
	v16 =	vsel vm12, $0x40400000, v16  }
0xe3: {  	vm14 =	veq.f32 v21, v15;
	v16 =	vsel vm13, $0x40800000, v16  }
0xe4: {  	vm15 =	veq.f32 v22, v15;
	v16 =	vsel vm14, $0x40A00000, v16  }
0xe5: {  	vm4 =	veq.f32 v23, v15;
	v16 =	vsel vm15, $0x40C00000, v16  }
0xe6: {  	vm5 =	veq.f32 v24, v15;
	v16 =	vsel vm4, $0x40E00000, v16  }
0xe7: {  	vm6 =	veq.f32 v25, v15;
	v16 =	vsel vm5, $0x41000000, v16  }
0xe8: {  	vm7 =	veq.f32 v26, v15;
	v16 =	vsel vm6, $0x41100000, v16  }
0xe9: {  	vm8 =	veq.f32 v27, v15;
	v16 =	vsel vm7, $0x41200000, v16  }
0xea: {  	vm9 =	veq.f32 v28, v15;
	v16 =	vsel vm8, $0x41300000, v16  }
0xeb: {  	vm10 =	veq.f32 v29, v15;
	v16 =	vsel vm9, $0x41400000, v16  }
0xec: {  	vm11 =	veq.f32 v30, v15;
	v16 =	vsel vm10, $0x41500000, v16  }
0xed: {  	vm12 =	veq.f32 v31, v15;
	v16 =	vsel vm11, $0x41600000, v16  }
0xee: {  	v16 =	vsel vm12, $0x41700000, v16  }
0xef: {  	v17 =	vperm.xlane v16, v1;
	_ =	sdelay $0x1  }
0xf0: {  	v16 =	vmax.f32 v16, v17  }
0xf1: {  	v17 =	vperm.xlane v16, v2;
	_ =	sdelay $0x1  }
0xf2: {  	v16 =	vmax.f32 v16, v17  }
0xf3: {  	v17 =	vperm.xlane v16, v3;
	_ =	sdelay $0x1  }
0xf4: {  	v16 =	vmax.f32 v16, v17  }
0xf5: {  	v17 =	vperm.xlane v16, v4;
	_ =	sdelay $0x1  }
0xf6: {  	v16 =	vmax.f32 v16, v17  }
0xf7: {  	(v2sf) =	vpush v16, $0x0;
	_ =	sdelay $0xe  }
0xf8: {  	s17 =	spop (v2sf)  }
0xf9: {  	s17 =	scvt.f32.s32 s17;
	_ =	sdelay $0x1  }
0xfa: {  	s18 =	sshll.u32 s17, $0xA  }
0xfb: {  	s18 =	sshra.s32 s18, $0x2  }
0xfc: {  	v16 =	vld [tilespmem:s18+$0x8100]  }
0xfd: {  	v17 =	vld [tilespmem:s18+$0x8110]  }
0xfe: {  	v18 =	vld [tilespmem:s18+$0x8120]  }
0xff: {  	v19 =	vld [tilespmem:s18+$0x8130]  }
0x100: {  	v20 =	vld [tilespmem:s18+$0x8140]  }
0x101: {  	v50 =	vld [tilespmem:s18+$0x8150]  }
0x102: {  	v51 =	vld [tilespmem:s18+$0x8160];
	vm13 =	vge.f32 v16, v15;
	v16 =	vmax.f32 v16, $-3.000000000e+00;
	vm1 =	vge.f32 v17, v15  }
0x103: {  	v52 =	vld [tilespmem:s18+$0x8170];
	vm14 =	vge.f32 v18, v15;
	v16 =	vsel vm13, $0xC0400000, v16;
	v17 =	vsel vm1, $0xC0400000, v17  }
0x104: {  	vm15 =	vge.f32 v19, v15;
	v16 =	vmax.f32 v16, v17;
	v17 =	vsel vm14, $0xC0400000, v18;
	v18 =	vld [tilespmem:s18+$0x8180]  }
0x105: {  	vm4 =	vge.f32 v20, v15;
	v16 =	vmax.f32 v16, v17;
	v17 =	vsel vm15, $0xC0400000, v19;
	v19 =	vld [tilespmem:s18+$0x8190]  }
0x106: {  	vm5 =	vge.f32 v50, v15;
	v16 =	vmax.f32 v16, v17;
	v17 =	vsel vm4, $0xC0400000, v20;
	v20 =	vld [tilespmem:s18+$0x81A0]  }
0x107: {  	v53 =	vld [tilespmem:s18+$0x81B0];
	vm6 =	vge.f32 v51, v15;
	v16 =	vmax.f32 v16, v17;
	v17 =	vsel vm5, $0xC0400000, v50  }
0x108: {  	v54 =	vld [tilespmem:s18+$0x81C0];
	vm7 =	vge.f32 v52, v15;
	v16 =	vmax.f32 v16, v17;
	v17 =	vsel vm6, $0xC0400000, v51  }
0x109: {  	v55 =	vld [tilespmem:s18+$0x81D0];
	v16 =	vmax.f32 v16, v17;
	v17 =	vsel vm7, $0xC0400000, v52;
	vm8 =	vge.f32 v18, v15  }
0x10a: {  	v16 =	vmax.f32 v16, v17;
	v17 =	vsel vm8, $0xC0400000, v18;
	vm9 =	vge.f32 v19, v15;
	v18 =	vld [tilespmem:s18+$0x81E0]  }
0x10b: {  	v16 =	vmax.f32 v16, v17;
	v17 =	vsel vm9, $0xC0400000, v19;
	vm10 =	vge.f32 v20, v15;
	v19 =	vld [tilespmem:s18+$0x81F0]  }
0x10c: {  	vm11 =	vge.f32 v53, v15;
	v16 =	vmax.f32 v16, v17;
	v17 =	vsel vm10, $0xC0400000, v20  }
0x10d: {  	vm12 =	vge.f32 v54, v15;
	v16 =	vmax.f32 v16, v17;
	v17 =	vsel vm11, $0xC0400000, v53  }
0x10e: {  	vm13 =	vge.f32 v55, v15;
	v16 =	vmax.f32 v16, v17;
	v17 =	vsel vm12, $0xC0400000, v54  }
0x10f: {  	v16 =	vmax.f32 v16, v17;
	v17 =	vsel vm13, $0xC0400000, v55;
	vm14 =	vge.f32 v18, v15  }
0x110: {  	v16 =	vmax.f32 v16, v17;
	v17 =	vsel vm14, $0xC0400000, v18;
	vm15 =	vge.f32 v19, v15  }
0x111: {  	s17 =	sshll.u32 s17, $0x6;
	v16 =	vmax.f32 v16, v17;
	v17 =	vsel vm15, $0xC0400000, v19  }
0x112: {  	s17 =	sshra.s32 s17, $0x2;
	v16 =	vmax.f32 v16, v17  }
0x113: {  	[tilespmem:s17+$0xC100] =	vst v16  }
0x114: {  	v17 =	vld [tilespmem:$0xC200]  }
0x115: {  	v18 =	vld [tilespmem:$0xC210]  }
0x116: {  	v19 =	vld [tilespmem:$0xC220]  }
0x117: {  	v20 =	vld [tilespmem:$0xC230]  }
0x118: {  	v56 =	vld [tilespmem:$0xC240]  }
0x119: {  	v57 =	vld [tilespmem:$0xC250]  }
0x11a: {  	v58 =	vld [tilespmem:$0xC260];
	v16 =	vmax.f32 v17, v18  }
0x11b: {  	v59 =	vld [tilespmem:$0xC270];
	v16 =	vmax.f32 v16, v19  }
0x11c: {  	v60 =	vld [tilespmem:$0xC280];
	v16 =	vmax.f32 v16, v20  }
0x11d: {  	v61 =	vld [tilespmem:$0xC290];
	v16 =	vmax.f32 v16, v56  }
0x11e: {  	v62 =	vld [tilespmem:$0xC2A0];
	v16 =	vmax.f32 v16, v57  }
0x11f: {  	v63 =	vld [tilespmem:$0xC2B0];
	v16 =	vmax.f32 v16, v58  }
0x120: {  	v36 =	vld [tilespmem:$0xC2C0];
	v16 =	vmax.f32 v16, v59  }
0x121: {  	v37 =	vld [tilespmem:$0xC2D0];
	v16 =	vmax.f32 v16, v60  }
0x122: {  	v38 =	vld [tilespmem:$0xC2E0];
	v16 =	vmax.f32 v16, v61  }
0x123: {  	v39 =	vld [tilespmem:$0xC2F0];
	v16 =	vmax.f32 v16, v62  }
0x124: {  	v16 =	vmax.f32 v16, v63  }
0x125: {  	v16 =	vmax.f32 v16, v36  }
0x126: {  	v16 =	vmax.f32 v16, v37  }
0x127: {  	v16 =	vmax.f32 v16, v38  }
0x128: {  	v16 =	vmax.f32 v16, v39  }
0x129: {  	v33 =	vperm.xlane v16, v1;
	_ =	sdelay $0x1  }
0x12a: {  	v16 =	vmax.f32 v16, v33  }
0x12b: {  	v33 =	vperm.xlane v16, v2;
	_ =	sdelay $0x1  }
0x12c: {  	v16 =	vmax.f32 v16, v33  }
0x12d: {  	v33 =	vperm.xlane v16, v3;
	_ =	sdelay $0x1  }
0x12e: {  	v16 =	vmax.f32 v16, v33  }
0x12f: {  	v33 =	vperm.xlane v16, v4;
	_ =	sdelay $0x1  }
0x130: {  	v16 =	vmax.f32 v16, v33  }
0x131: {  	vm4 =	veq.f32 v17, v16  }
0x132: {  	vm5 =	veq.f32 v18, v16;
	v17 =	vsel vm4, $0x0, v5  }
0x133: {  	vm6 =	veq.f32 v19, v16;
	v17 =	vsel vm5, $0x3F800000, v17  }
0x134: {  	vm7 =	veq.f32 v20, v16;
	v17 =	vsel vm6, $0x40000000, v17  }
0x135: {  	vm8 =	veq.f32 v56, v16;
	v17 =	vsel vm7, $0x40400000, v17  }
0x136: {  	vm9 =	veq.f32 v57, v16;
	v17 =	vsel vm8, $0x40800000, v17  }
0x137: {  	vm10 =	veq.f32 v58, v16;
	v17 =	vsel vm9, $0x40A00000, v17  }
0x138: {  	vm11 =	veq.f32 v59, v16;
	v17 =	vsel vm10, $0x40C00000, v17  }
0x139: {  	vm12 =	veq.f32 v60, v16;
	v17 =	vsel vm11, $0x40E00000, v17  }
0x13a: {  	vm13 =	veq.f32 v61, v16;
	v17 =	vsel vm12, $0x41000000, v17  }
0x13b: {  	vm14 =	veq.f32 v62, v16;
	v17 =	vsel vm13, $0x41100000, v17  }
0x13c: {  	vm15 =	veq.f32 v63, v16;
	v17 =	vsel vm14, $0x41200000, v17  }
0x13d: {  	vm4 =	veq.f32 v36, v16;
	v17 =	vsel vm15, $0x41300000, v17  }
0x13e: {  	vm5 =	veq.f32 v37, v16;
	v17 =	vsel vm4, $0x41400000, v17  }
0x13f: {  	vm6 =	veq.f32 v38, v16;
	v17 =	vsel vm5, $0x41500000, v17  }
0x140: {  	vm7 =	veq.f32 v39, v16;
	v17 =	vsel vm6, $0x41600000, v17  }
0x141: {  	v17 =	vsel vm7, $0x41700000, v17  }
0x142: {  	v18 =	vperm.xlane v17, v1;
	_ =	sdelay $0x1  }
0x143: {  	v17 =	vmax.f32 v17, v18  }
0x144: {  	v18 =	vperm.xlane v17, v2;
	_ =	sdelay $0x1  }
0x145: {  	v17 =	vmax.f32 v17, v18  }
0x146: {  	v18 =	vperm.xlane v17, v3;
	_ =	sdelay $0x1  }
0x147: {  	v17 =	vmax.f32 v17, v18  }
0x148: {  	v18 =	vperm.xlane v17, v4;
	_ =	sdelay $0x1  }
0x149: {  	v17 =	vmax.f32 v17, v18  }
0x14a: {  	(v2sf) =	vpush v17, $0x0;
	_ =	sdelay $0xe  }
0x14b: {  	s25 =	spop (v2sf)  }
0x14c: {  	s17 =	scvt.f32.s32 s25;
	_ =	sdelay $0x1  }
0x14d: {  	s26 =	sshll.u32 s17, $0xA  }
0x14e: {  	s18 =	sshra.s32 s26, $0x2  }
0x14f: {  	v17 =	vld [tilespmem:s18+$0x9100]  }
0x150: {  	v18 =	vld [tilespmem:s18+$0x9110]  }
0x151: {  	v19 =	vld [tilespmem:s18+$0x9120]  }
0x152: {  	v20 =	vld [tilespmem:s18+$0x9130]  }
0x153: {  	v40 =	vld [tilespmem:s18+$0x9140]  }
0x154: {  	v41 =	vld [tilespmem:s18+$0x9150]  }
0x155: {  	v42 =	vld [tilespmem:s18+$0x9160];
	vm8 =	vge.f32 v17, v16;
	v17 =	vmax.f32 v17, $-3.000000000e+00;
	vm9 =	vge.f32 v18, v16  }
0x156: {  	v43 =	vld [tilespmem:s18+$0x9170];
	vm10 =	vge.f32 v19, v16;
	v17 =	vsel vm8, $0xC0400000, v17;
	v18 =	vsel vm9, $0xC0400000, v18  }
0x157: {  	vm11 =	vge.f32 v20, v16;
	v17 =	vmax.f32 v17, v18;
	v18 =	vsel vm10, $0xC0400000, v19;
	v19 =	vld [tilespmem:s18+$0x9180]  }
0x158: {  	vm12 =	vge.f32 v40, v16;
	v17 =	vmax.f32 v17, v18;
	v18 =	vsel vm11, $0xC0400000, v20;
	v20 =	vld [tilespmem:s18+$0x9190]  }
0x159: {  	v44 =	vld [tilespmem:s18+$0x91A0];
	vm13 =	vge.f32 v41, v16;
	v17 =	vmax.f32 v17, v18;
	v18 =	vsel vm12, $0xC0400000, v40  }
0x15a: {  	v45 =	vld [tilespmem:s18+$0x91B0];
	vm14 =	vge.f32 v42, v16;
	v17 =	vmax.f32 v17, v18;
	v18 =	vsel vm13, $0xC0400000, v41  }
0x15b: {  	v46 =	vld [tilespmem:s18+$0x91C0];
	vm15 =	vge.f32 v43, v16;
	v17 =	vmax.f32 v17, v18;
	v18 =	vsel vm14, $0xC0400000, v42  }
0x15c: {  	v47 =	vld [tilespmem:s18+$0x91D0];
	v17 =	vmax.f32 v17, v18;
	v18 =	vsel vm15, $0xC0400000, v43;
	vm4 =	vge.f32 v19, v16  }
0x15d: {  	v17 =	vmax.f32 v17, v18;
	v18 =	vsel vm4, $0xC0400000, v19;
	vm5 =	vge.f32 v20, v16;
	v19 =	vld [tilespmem:s18+$0x91E0]  }
0x15e: {  	vm6 =	vge.f32 v44, v16;
	v17 =	vmax.f32 v17, v18;
	v18 =	vsel vm5, $0xC0400000, v20;
	v20 =	vld [tilespmem:s18+$0x91F0]  }
0x15f: {  	vm7 =	vge.f32 v45, v16;
	v17 =	vmax.f32 v17, v18;
	v18 =	vsel vm6, $0xC0400000, v44  }
0x160: {  	vm8 =	vge.f32 v46, v16;
	v17 =	vmax.f32 v17, v18;
	v18 =	vsel vm7, $0xC0400000, v45  }
0x161: {  	vm9 =	vge.f32 v47, v16;
	v17 =	vmax.f32 v17, v18;
	v18 =	vsel vm8, $0xC0400000, v46  }
0x162: {  	v17 =	vmax.f32 v17, v18;
	v18 =	vsel vm9, $0xC0400000, v47;
	vm10 =	vge.f32 v19, v16  }
0x163: {  	v17 =	vmax.f32 v17, v18;
	v18 =	vsel vm10, $0xC0400000, v19;
	vm11 =	vge.f32 v20, v16  }
0x164: {  	v17 =	vmax.f32 v17, v18;
	v18 =	vsel vm11, $0xC0400000, v20  }
0x165: {  	s17 =	sshll.u32 s17, $0x4;
	v17 =	vmax.f32 v17, v18  }
0x166: {  	[tilespmem:s17+$0xC200] =	vst v17  }
0x167: {  	v18 =	vld [tilespmem:$0xC300]  }
0x168: {  	v19 =	vld [tilespmem:$0xC310]  }
0x169: {  	v20 =	vld [tilespmem:$0xC320]  }
0x16a: {  	v48 =	vld [tilespmem:$0xC330]  }
0x16b: {  	v49 =	vld [tilespmem:$0xC340]  }
0x16c: {  	v50 =	vld [tilespmem:$0xC350]  }
0x16d: {  	v51 =	vld [tilespmem:$0xC360];
	v17 =	vmax.f32 v18, v19  }
0x16e: {  	v52 =	vld [tilespmem:$0xC370];
	v17 =	vmax.f32 v17, v20  }
0x16f: {  	v53 =	vld [tilespmem:$0xC380];
	v17 =	vmax.f32 v17, v48  }
0x170: {  	v54 =	vld [tilespmem:$0xC390];
	v17 =	vmax.f32 v17, v49  }
0x171: {  	v55 =	vld [tilespmem:$0xC3A0];
	v17 =	vmax.f32 v17, v50  }
0x172: {  	v56 =	vld [tilespmem:$0xC3B0];
	v17 =	vmax.f32 v17, v51  }
0x173: {  	v57 =	vld [tilespmem:$0xC3C0];
	v17 =	vmax.f32 v17, v52  }
0x174: {  	v58 =	vld [tilespmem:$0xC3D0];
	v17 =	vmax.f32 v17, v53  }
0x175: {  	v59 =	vld [tilespmem:$0xC3E0];
	v17 =	vmax.f32 v17, v54  }
0x176: {  	v60 =	vld [tilespmem:$0xC3F0];
	v17 =	vmax.f32 v17, v55  }
0x177: {  	v17 =	vmax.f32 v17, v56  }
0x178: {  	v17 =	vmax.f32 v17, v57  }
0x179: {  	v17 =	vmax.f32 v17, v58  }
0x17a: {  	v17 =	vmax.f32 v17, v59  }
0x17b: {  	v17 =	vmax.f32 v17, v60  }
0x17c: {  	v34 =	vperm.xlane v17, v1;
	_ =	sdelay $0x1  }
0x17d: {  	v17 =	vmax.f32 v17, v34  }
0x17e: {  	v34 =	vperm.xlane v17, v2;
	_ =	sdelay $0x1  }
0x17f: {  	v17 =	vmax.f32 v17, v34  }
0x180: {  	v34 =	vperm.xlane v17, v3;
	_ =	sdelay $0x1  }
0x181: {  	v17 =	vmax.f32 v17, v34  }
0x182: {  	v34 =	vperm.xlane v17, v4;
	_ =	sdelay $0x1  }
0x183: {  	v17 =	vmax.f32 v17, v34  }
0x184: {  	vm12 =	veq.f32 v18, v17  }
0x185: {  	vm13 =	veq.f32 v19, v17;
	v18 =	vsel vm12, $0x0, v5  }
0x186: {  	vm14 =	veq.f32 v20, v17;
	v18 =	vsel vm13, $0x3F800000, v18  }
0x187: {  	vm15 =	veq.f32 v48, v17;
	v18 =	vsel vm14, $0x40000000, v18  }
0x188: {  	vm4 =	veq.f32 v49, v17;
	v18 =	vsel vm15, $0x40400000, v18  }
0x189: {  	vm5 =	veq.f32 v50, v17;
	v18 =	vsel vm4, $0x40800000, v18  }
0x18a: {  	vm6 =	veq.f32 v51, v17;
	v18 =	vsel vm5, $0x40A00000, v18  }
0x18b: {  	vm7 =	veq.f32 v52, v17;
	v18 =	vsel vm6, $0x40C00000, v18  }
0x18c: {  	vm8 =	veq.f32 v53, v17;
	v18 =	vsel vm7, $0x40E00000, v18  }
0x18d: {  	vm9 =	veq.f32 v54, v17;
	v18 =	vsel vm8, $0x41000000, v18  }
0x18e: {  	vm10 =	veq.f32 v55, v17;
	v18 =	vsel vm9, $0x41100000, v18  }
0x18f: {  	vm11 =	veq.f32 v56, v17;
	v18 =	vsel vm10, $0x41200000, v18  }
0x190: {  	vm12 =	veq.f32 v57, v17;
	v18 =	vsel vm11, $0x41300000, v18  }
0x191: {  	vm13 =	veq.f32 v58, v17;
	v18 =	vsel vm12, $0x41400000, v18  }
0x192: {  	vm14 =	veq.f32 v59, v17;
	v18 =	vsel vm13, $0x41500000, v18  }
0x193: {  	vm15 =	veq.f32 v60, v17;
	v18 =	vsel vm14, $0x41600000, v18  }
0x194: {  	v18 =	vsel vm15, $0x41700000, v18  }
0x195: {  	v19 =	vperm.xlane v18, v1;
	_ =	sdelay $0x1  }
0x196: {  	v18 =	vmax.f32 v18, v19  }
0x197: {  	v19 =	vperm.xlane v18, v2;
	_ =	sdelay $0x1  }
0x198: {  	v18 =	vmax.f32 v18, v19  }
0x199: {  	v19 =	vperm.xlane v18, v3;
	_ =	sdelay $0x1  }
0x19a: {  	v18 =	vmax.f32 v18, v19  }
0x19b: {  	v19 =	vperm.xlane v18, v4;
	_ =	sdelay $0x1  }
0x19c: {  	v18 =	vmax.f32 v18, v19  }
0x19d: {  	(v2sf) =	vpush v18, $0x0;
	_ =	sdelay $0xe  }
0x19e: {  	s28 =	spop (v2sf)  }
0x19f: {  	s17 =	scvt.f32.s32 s28;
	_ =	sdelay $0x1  }
0x1a0: {  	s29 =	sshll.u32 s17, $0xA  }
0x1a1: {  	s18 =	sshra.s32 s29, $0x2  }
0x1a2: {  	v18 =	vld [tilespmem:s18+$0xA100]  }
0x1a3: {  	v19 =	vld [tilespmem:s18+$0xA110]  }
0x1a4: {  	v20 =	vld [tilespmem:s18+$0xA120]  }
0x1a5: {  	v61 =	vld [tilespmem:s18+$0xA130]  }
0x1a6: {  	v62 =	vld [tilespmem:s18+$0xA140]  }
0x1a7: {  	v63 =	vld [tilespmem:s18+$0xA150]  }
0x1a8: {  	v28 =	vld [tilespmem:s18+$0xA160];
	vm4 =	vge.f32 v18, v17;
	v18 =	vmax.f32 v18, $-3.000000000e+00;
	vm5 =	vge.f32 v19, v17  }
0x1a9: {  	v29 =	vld [tilespmem:s18+$0xA170];
	vm6 =	vge.f32 v20, v17;
	v18 =	vsel vm4, $0xC0400000, v18;
	v19 =	vsel vm5, $0xC0400000, v19  }
0x1aa: {  	vm7 =	vge.f32 v61, v17;
	v18 =	vmax.f32 v18, v19;
	v19 =	vsel vm6, $0xC0400000, v20;
	v20 =	vld [tilespmem:s18+$0xA180]  }
0x1ab: {  	v30 =	vld [tilespmem:s18+$0xA190];
	vm8 =	vge.f32 v62, v17;
	v18 =	vmax.f32 v18, v19;
	v19 =	vsel vm7, $0xC0400000, v61  }
0x1ac: {  	v31 =	vld [tilespmem:s18+$0xA1A0];
	vm9 =	vge.f32 v63, v17;
	v18 =	vmax.f32 v18, v19;
	v19 =	vsel vm8, $0xC0400000, v62  }
0x1ad: {  	v32 =	vld [tilespmem:s18+$0xA1B0];
	vm10 =	vge.f32 v28, v17;
	v18 =	vmax.f32 v18, v19;
	v19 =	vsel vm9, $0xC0400000, v63  }
0x1ae: {  	v33 =	vld [tilespmem:s18+$0xA1C0];
	vm11 =	vge.f32 v29, v17;
	v18 =	vmax.f32 v18, v19;
	v19 =	vsel vm10, $0xC0400000, v28  }
0x1af: {  	v34 =	vld [tilespmem:s18+$0xA1D0];
	v18 =	vmax.f32 v18, v19;
	v19 =	vsel vm11, $0xC0400000, v29;
	vm12 =	vge.f32 v20, v17  }
0x1b0: {  	vm13 =	vge.f32 v30, v17;
	v18 =	vmax.f32 v18, v19;
	v19 =	vsel vm12, $0xC0400000, v20;
	v20 =	vld [tilespmem:s18+$0xA1E0]  }
0x1b1: {  	v35 =	vld [tilespmem:s18+$0xA1F0];
	vm14 =	vge.f32 v31, v17;
	v18 =	vmax.f32 v18, v19;
	v19 =	vsel vm13, $0xC0400000, v30  }
0x1b2: {  	vm15 =	vge.f32 v32, v17;
	v18 =	vmax.f32 v18, v19;
	v19 =	vsel vm14, $0xC0400000, v31  }
0x1b3: {  	vm4 =	vge.f32 v33, v17;
	v18 =	vmax.f32 v18, v19;
	v19 =	vsel vm15, $0xC0400000, v32  }
0x1b4: {  	vm5 =	vge.f32 v34, v17;
	v18 =	vmax.f32 v18, v19;
	v19 =	vsel vm4, $0xC0400000, v33  }
0x1b5: {  	v18 =	vmax.f32 v18, v19;
	v19 =	vsel vm5, $0xC0400000, v34;
	vm6 =	vge.f32 v20, v17  }
0x1b6: {  	vm7 =	vge.f32 v35, v17;
	v18 =	vmax.f32 v18, v19;
	v19 =	vsel vm6, $0xC0400000, v20  }
0x1b7: {  	v18 =	vmax.f32 v18, v19;
	v19 =	vsel vm7, $0xC0400000, v35  }
0x1b8: {  	s17 =	sshll.u32 s17, $0x4;
	v18 =	vmax.f32 v18, v19  }
0x1b9: {  	[tilespmem:s17+$0xC300] =	vst v18  }
0x1ba: {  	v19 =	vld [tilespmem:$0xC400]  }
0x1bb: {  	v20 =	vld [tilespmem:$0xC410]  }
0x1bc: {  	v36 =	vld [tilespmem:$0xC420]  }
0x1bd: {  	v37 =	vld [tilespmem:$0xC430]  }
0x1be: {  	v38 =	vld [tilespmem:$0xC440]  }
0x1bf: {  	v39 =	vld [tilespmem:$0xC450]  }
0x1c0: {  	v40 =	vld [tilespmem:$0xC460];
	v18 =	vmax.f32 v19, v20  }
0x1c1: {  	v41 =	vld [tilespmem:$0xC470];
	v18 =	vmax.f32 v18, v36  }
0x1c2: {  	v42 =	vld [tilespmem:$0xC480];
	v18 =	vmax.f32 v18, v37  }
0x1c3: {  	v43 =	vld [tilespmem:$0xC490];
	v18 =	vmax.f32 v18, v38  }
0x1c4: {  	v44 =	vld [tilespmem:$0xC4A0];
	v18 =	vmax.f32 v18, v39  }
0x1c5: {  	v45 =	vld [tilespmem:$0xC4B0];
	v18 =	vmax.f32 v18, v40  }
0x1c6: {  	v46 =	vld [tilespmem:$0xC4C0];
	v18 =	vmax.f32 v18, v41  }
0x1c7: {  	v47 =	vld [tilespmem:$0xC4D0];
	v18 =	vmax.f32 v18, v42  }
0x1c8: {  	v48 =	vld [tilespmem:$0xC4E0];
	v18 =	vmax.f32 v18, v43  }
0x1c9: {  	v49 =	vld [tilespmem:$0xC4F0];
	v18 =	vmax.f32 v18, v44  }
0x1ca: {  	v18 =	vmax.f32 v18, v45  }
0x1cb: {  	v18 =	vmax.f32 v18, v46  }
0x1cc: {  	v18 =	vmax.f32 v18, v47  }
0x1cd: {  	v18 =	vmax.f32 v18, v48  }
0x1ce: {  	v18 =	vmax.f32 v18, v49  }
0x1cf: {  	v35 =	vperm.xlane v18, v1;
	_ =	sdelay $0x1  }
0x1d0: {  	v18 =	vmax.f32 v18, v35  }
0x1d1: {  	v35 =	vperm.xlane v18, v2;
	_ =	sdelay $0x1  }
0x1d2: {  	v18 =	vmax.f32 v18, v35  }
0x1d3: {  	v35 =	vperm.xlane v18, v3;
	_ =	sdelay $0x1  }
0x1d4: {  	v18 =	vmax.f32 v18, v35  }
0x1d5: {  	v35 =	vperm.xlane v18, v4;
	_ =	sdelay $0x1  }
0x1d6: {  	v18 =	vmax.f32 v18, v35  }
0x1d7: {  	vm8 =	veq.f32 v19, v18  }
0x1d8: {  	vm9 =	veq.f32 v20, v18;
	v19 =	vsel vm8, $0x0, v5  }
0x1d9: {  	vm10 =	veq.f32 v36, v18;
	v19 =	vsel vm9, $0x3F800000, v19  }
0x1da: {  	vm11 =	veq.f32 v37, v18;
	v19 =	vsel vm10, $0x40000000, v19  }
0x1db: {  	vm12 =	veq.f32 v38, v18;
	v19 =	vsel vm11, $0x40400000, v19  }
0x1dc: {  	vm13 =	veq.f32 v39, v18;
	v19 =	vsel vm12, $0x40800000, v19  }
0x1dd: {  	vm14 =	veq.f32 v40, v18;
	v19 =	vsel vm13, $0x40A00000, v19  }
0x1de: {  	vm15 =	veq.f32 v41, v18;
	v19 =	vsel vm14, $0x40C00000, v19  }
0x1df: {  	vm4 =	veq.f32 v42, v18;
	v19 =	vsel vm15, $0x40E00000, v19  }
0x1e0: {  	vm5 =	veq.f32 v43, v18;
	v19 =	vsel vm4, $0x41000000, v19  }
0x1e1: {  	vm6 =	veq.f32 v44, v18;
	v19 =	vsel vm5, $0x41100000, v19  }
0x1e2: {  	vm7 =	veq.f32 v45, v18;
	v19 =	vsel vm6, $0x41200000, v19  }
0x1e3: {  	vm8 =	veq.f32 v46, v18;
	v19 =	vsel vm7, $0x41300000, v19  }
0x1e4: {  	vm9 =	veq.f32 v47, v18;
	v19 =	vsel vm8, $0x41400000, v19  }
0x1e5: {  	vm10 =	veq.f32 v48, v18;
	v19 =	vsel vm9, $0x41500000, v19  }
0x1e6: {  	vm11 =	veq.f32 v49, v18;
	v19 =	vsel vm10, $0x41600000, v19  }
0x1e7: {  	v19 =	vsel vm11, $0x41700000, v19  }
0x1e8: {  	v20 =	vperm.xlane v19, v1;
	_ =	sdelay $0x1  }
0x1e9: {  	v19 =	vmax.f32 v19, v20  }
0x1ea: {  	v20 =	vperm.xlane v19, v2;
	_ =	sdelay $0x1  }
0x1eb: {  	v19 =	vmax.f32 v19, v20  }
0x1ec: {  	v20 =	vperm.xlane v19, v3;
	_ =	sdelay $0x1  }
0x1ed: {  	v19 =	vmax.f32 v19, v20  }
0x1ee: {  	v20 =	vperm.xlane v19, v4;
	_ =	sdelay $0x1  }
0x1ef: {  	v19 =	vmax.f32 v19, v20  }
0x1f0: {  	(v2sf) =	vpush v19, $0x0;
	_ =	sdelay $0xe  }
0x1f1: {  	s30 =	spop (v2sf)  }
0x1f2: {  	s17 =	scvt.f32.s32 s30;
	_ =	sdelay $0x1  }
0x1f3: {  	s31 =	sshll.u32 s17, $0xA  }
0x1f4: {  	s18 =	sshra.s32 s31, $0x2  }
0x1f5: {  	v19 =	vld [tilespmem:s18+$0xB100]  }
0x1f6: {  	v20 =	vld [tilespmem:s18+$0xB110]  }
0x1f7: {  	v50 =	vld [tilespmem:s18+$0xB120]  }
0x1f8: {  	v51 =	vld [tilespmem:s18+$0xB130]  }
0x1f9: {  	v52 =	vld [tilespmem:s18+$0xB140]  }
0x1fa: {  	v53 =	vld [tilespmem:s18+$0xB150]  }
0x1fb: {  	v54 =	vld [tilespmem:s18+$0xB160];
	vm12 =	vge.f32 v19, v18;
	v19 =	vmax.f32 v19, $-3.000000000e+00;
	vm13 =	vge.f32 v20, v18  }
0x1fc: {  	v55 =	vld [tilespmem:s18+$0xB170];
	vm14 =	vge.f32 v50, v18;
	v19 =	vsel vm12, $0xC0400000, v19;
	v20 =	vsel vm13, $0xC0400000, v20  }
0x1fd: {  	v56 =	vld [tilespmem:s18+$0xB180];
	vm15 =	vge.f32 v51, v18;
	v19 =	vmax.f32 v19, v20;
	v20 =	vsel vm14, $0xC0400000, v50  }
0x1fe: {  	v57 =	vld [tilespmem:s18+$0xB190];
	vm4 =	vge.f32 v52, v18;
	v19 =	vmax.f32 v19, v20;
	v20 =	vsel vm15, $0xC0400000, v51  }
0x1ff: {  	v58 =	vld [tilespmem:s18+$0xB1A0];
	vm5 =	vge.f32 v53, v18;
	v19 =	vmax.f32 v19, v20;
	v20 =	vsel vm4, $0xC0400000, v52  }
0x200: {  	v59 =	vld [tilespmem:s18+$0xB1B0];
	vm6 =	vge.f32 v54, v18;
	v19 =	vmax.f32 v19, v20;
	v20 =	vsel vm5, $0xC0400000, v53  }
0x201: {  	v60 =	vld [tilespmem:s18+$0xB1C0];
	vm7 =	vge.f32 v55, v18;
	v19 =	vmax.f32 v19, v20;
	v20 =	vsel vm6, $0xC0400000, v54  }
0x202: {  	v61 =	vld [tilespmem:s18+$0xB1D0];
	vm8 =	vge.f32 v56, v18;
	v19 =	vmax.f32 v19, v20;
	v20 =	vsel vm7, $0xC0400000, v55  }
0x203: {  	v62 =	vld [tilespmem:s18+$0xB1E0];
	vm9 =	vge.f32 v57, v18;
	v19 =	vmax.f32 v19, v20;
	v20 =	vsel vm8, $0xC0400000, v56  }
0x204: {  	v63 =	vld [tilespmem:s18+$0xB1F0];
	vm10 =	vge.f32 v58, v18;
	v19 =	vmax.f32 v19, v20;
	v20 =	vsel vm9, $0xC0400000, v57  }
0x205: {  	vm11 =	vge.f32 v59, v18;
	v19 =	vmax.f32 v19, v20;
	v20 =	vsel vm10, $0xC0400000, v58  }
0x206: {  	vm12 =	vge.f32 v60, v18;
	v19 =	vmax.f32 v19, v20;
	v20 =	vsel vm11, $0xC0400000, v59  }
0x207: {  	p0 =	sne.s32 s16, $0x1;
	vm13 =	vge.f32 v61, v18;
	v19 =	vmax.f32 v19, v20;
	v20 =	vsel vm12, $0xC0400000, v60  }
.Ltmp2:
0x208: {  	vm14 =	vge.f32 v62, v18;
	v19 =	vmax.f32 v19, v20;
	v20 =	vsel vm13, $0xC0400000, v61;
	(pc) =	sbr.rel @p0 .LBB2_6-.Ltmp2, $4  }
0x209: {  	vm15 =	vge.f32 v63, v18;
	v19 =	vmax.f32 v19, v20;
	v20 =	vsel vm14, $0xC0400000, v62  }
0x20a: {  	v19 =	vmax.f32 v19, v20;
	v20 =	vsel vm15, $0xC0400000, v63  }
0x20b: {  	s17 =	sshll.u32 s17, $0x4;
	v19 =	vmax.f32 v19, v20  }
0x20c: {  	s16 =	sadd.s32 $0xFFFFFFFF, s16;
	[tilespmem:s17+$0xC400] =	vst v19  }
0x20d: {  	s18 =	simm.s32 $0x0  }
0x20e: {  	v21 =	vld [tilespmem:s18+$0x0]  }
0x20f: {  	v22 =	vld [tilespmem:s18+$0x4000]  }
0x210: {  	v19 =	vld [tilespmem:s18+$0x1000]  }
0x211: {  	v20 =	vld [tilespmem:s18+$0x5000]  }
0x212: {  	v23 =	vld [tilespmem:s18+$0x2000]  }
0x213: {  	v24 =	vld [tilespmem:s18+$0x6000]  }
0x214: {  	v25 =	vld [tilespmem:s18+$0x3000]  }
0x215: {  	v27 =	vld [tilespmem:s18+$0x8100]  }
0x216: {  	v28 =	vld [tilespmem:s18+$0x9100]  }
0x217: {  	v29 =	vld [tilespmem:s18+$0xB100]  }
0x218: {  	s16 =	simm.s32 $0x10;
	v30 =	vld [tilespmem:s18+$0xA100]  }
0x219: {  	v34 =	vld [tilespmem:s16+$0x1000]  }
0x21a: {  	v36 =	vld [tilespmem:s16+$0x5000];
	v31 =	vsub.f32 v19, v11  }
0x21b: {  	v33 =	vsub.f32 v20, v13;
	v24 =	vsub.f32 v24, v14  }
0x21c: {  	v26 =	vld [tilespmem:s18+$0x7000];
	v20 =	vimm.f32 $0.0e+00;
	v21 =	vsub.f32 v21, v10;
	v23 =	vsub.f32 v23, v12  }
0x21d: {  	v22 =	vsub.f32 v22, v8;
	vm0 =	vge.f32 v28, v16;
	vm1 =	vge.f32 v27, v15  }
0x21e: {  	vm14 =	vge.f32 v29, v18;
	v25 =	vsub.f32 v25, v7;
	vm15 =	vge.f32 v30, v17  }
0x21f: {  	v63 =	vsub.f32 v34, v11;
	v38 =	vsub.f32 v36, v13;
	v28 =	vsel vm0, $0x3F800000, v6  }
0x220: {  	v62 =	vld [tilespmem:s16+$0x6000];
	v29 =	vsel vm1, $0x3F800000, v6;
	v37 =	vsel vm15, $0x3F800000, v6;
	v31 =	vand.u32 $0x7FFFFFFF, v31  }
0x221: {  	v32 =	vld [tilespmem:s16+$0x0];
	v33 =	vand.u32 $0x7FFFFFFF, v33;
	v35 =	vand.u32 $0x7FFFFFFF, v24;
	v24 =	vsub.f32 v26, v9  }
0x222: {  	v26 =	vld [tilespmem:s16+$0x2000];
	v22 =	vand.u32 $0x7FFFFFFF, v22;
	v23 =	vand.u32 $0x7FFFFFFF, v23;
	v25 =	vand.u32 $0x7FFFFFFF, v25  }
0x223: {  	v19 =	vld [tilespmem:s16+$0x4000];
	[tilespmem:s18+$0xD500] =	vst v28;
	v27 =	vadd.f32 v33, v31;
	v31 =	vand.u32 $0x7FFFFFFF, v24;
	v24 =	vand.u32 $0x7FFFFFFF, v21  }
0x224: {  	v36 =	vadd.f32 v35, v23;
	v23 =	vsel vm14, $0x3F800000, v6;
	v21 =	vld [tilespmem:s16+$0x3000];
	[tilespmem:s18+$0xC500] =	vst v29;
	v22 =	vadd.f32 v22, v24  }
0x225: {  	v35 =	vand.u32 $0x7FFFFFFF, v38;
	v38 =	vsub.f32 v62, v14;
	v27 =	vmul.f32 v27, v28;
	v28 =	vld [tilespmem:s16+$0x7000]  }
0x226: {  	v24 =	vsub.f32 v32, v10;
	v34 =	vmul.f32 v22, v29;
	v22 =	vadd.f32 v31, v25;
	v29 =	vld [tilespmem:s16+$0x8100]  }
0x227: {  	v30 =	vld [tilespmem:s16+$0x9100];
	v31 =	vand.u32 $0x7FFFFFFF, v63;
	v25 =	vsub.f32 v26, v12;
	[tilespmem:s18+$0xF500] =	vst v23;
	v26 =	vimm.f32 $0.0e+00  }
0x228: {  	s17 =	simm.s32 $0x80;
	v33 =	vld [tilespmem:s16+$0xB100];
	[tilespmem:s18+$0xE500] =	vst v37;
	v32 =	vmul.f32 v22, v23;
	v22 =	vimm.f32 $0.0e+00;
	v23 =	vimm.f32 $0.0e+00  }
.LBB2_8:
0x229: {  	s18 =	sshra.s32 s17, $0x2;
	p0 =	sne.s32 s17, $0x3FC0;
	s17 =	sadd.s32 $0x40, s17;
	v39 =	vld [tilespmem:s16+$0xA100];
	v20 =	vadd.f32 v34, v20;
	v26 =	vadd.f32 v27, v26;
	v27 =	vmul.f32 v36, v37  }
0x22a: {  	v34 =	vld [tilespmem:s18+$0x0];
	v36 =	vand.u32 $0x7FFFFFFF, v38;
	v28 =	vsub.f32 v28, v9;
	v22 =	vadd.f32 v32, v22  }
0x22b: {  	vm0 =	vge.f32 v29, v15;
	v29 =	vsub.f32 v19, v8;
	v19 =	vld [tilespmem:s18+$0x4000];
	v23 =	vadd.f32 v27, v23  }
0x22c: {  	v27 =	vadd.f32 v35, v31;
	v32 =	vld [tilespmem:s18+$0x1000];
	vm1 =	vge.f32 v30, v16;
	v30 =	vand.u32 $0x7FFFFFFF, v28  }
0x22d: {  	v24 =	vand.u32 $0x7FFFFFFF, v24;
	v31 =	vld [tilespmem:s18+$0x5000];
	v28 =	vand.u32 $0x7FFFFFFF, v29;
	vm2 =	vge.f32 v33, v18  }
0x22e: {  	v35 =	vsub.f32 v21, v7;
	v33 =	vld [tilespmem:s18+$0x2000];
	v29 =	vadd.f32 v28, v24;
	v28 =	vsel vm1, $0x3F800000, v6  }
0x22f: {  	v24 =	vsub.f32 v34, v10;
	v38 =	vld [tilespmem:s18+$0x6000];
	v34 =	vsel vm0, $0x3F800000, v6;
	[tilespmem:s16+$0xD500] =	vst v28;
	v27 =	vmul.f32 v27, v28  }
.Ltmp3:
0x230: {  	v25 =	vand.u32 $0x7FFFFFFF, v25;
	v35 =	vand.u32 $0x7FFFFFFF, v35;
	vm0 =	vge.f32 v39, v17;
	v21 =	vld [tilespmem:s18+$0x3000];
	[tilespmem:s16+$0xC500] =	vst v34;
	(pc) =	sbr.rel @p0 .LBB2_8-.Ltmp3, $4  }
0x231: {  	v39 =	vadd.f32 v30, v35;
	v34 =	vmul.f32 v29, v34;
	v32 =	vsub.f32 v32, v11;
	v28 =	vld [tilespmem:s18+$0x7000]  }
0x232: {  	v36 =	vadd.f32 v36, v25;
	v40 =	vsel vm2, $0x3F800000, v6;
	v29 =	vld [tilespmem:s18+$0x8100];
	v35 =	vsub.f32 v31, v13  }
0x233: {  	v37 =	vsel vm0, $0x3F800000, v6;
	v30 =	vld [tilespmem:s18+$0x9100];
	v31 =	vand.u32 $0x7FFFFFFF, v32;
	v25 =	vsub.f32 v33, v12;
	[tilespmem:s16+$0xF500] =	vst v40  }
0x234: {  	v32 =	vmul.f32 v39, v40;
	v35 =	vand.u32 $0x7FFFFFFF, v35;
	v38 =	vsub.f32 v38, v14;
	v33 =	vld [tilespmem:s18+$0xB100];
	[tilespmem:s16+$0xE500] =	vst v37;
	s16 =	smov.u32 s18  }
0x235: {  	v10 =	vadd.f32 v34, v20;
	v11 =	vadd.f32 v27, v26  }
0x236: {  	v13 =	vmul.f32 v36, v37;
	v8 =	vsub.f32 v19, v8;
	v54 =	vadd.f32 v35, v31  }
0x237: {  	v55 =	vand.u32 $0x7FFFFFFF, v24;
	v7 =	vsub.f32 v21, v7;
	v58 =	vand.u32 $0x7FFFFFFF, v25  }
0x238: {  	v12 =	vld [tilespmem:s16+$0xA100];
	v14 =	vand.u32 $0x7FFFFFFF, v38;
	v9 =	vsub.f32 v28, v9;
	v62 =	vadd.f32 v32, v22  }
0x239: {  	vm0 =	vge.f32 v29, v15;
	v8 =	vand.u32 $0x7FFFFFFF, v8;
	v7 =	vand.u32 $0x7FFFFFFF, v7  }
0x23a: {  	vm1 =	vge.f32 v30, v16;
	v9 =	vand.u32 $0x7FFFFFFF, v9;
	v8 =	vadd.f32 v8, v55  }
0x23b: {  	v57 =	vsel vm0, $0x3F800000, v6;
	vm2 =	vge.f32 v33, v18;
	v56 =	vsel vm1, $0x3F800000, v6  }
0x23c: {  	[tilespmem:s16+$0xC500] =	vst v57;
	v7 =	vadd.f32 v9, v7;
	v15 =	vmul.f32 v54, v56;
	v8 =	vmul.f32 v8, v57  }
0x23d: {  	vm15 =	vge.f32 v12, v17;
	[tilespmem:s16+$0xD500] =	vst v56;
	v12 =	vadd.f32 v14, v58;
	v59 =	vsel vm2, $0x3F800000, v6  }
0x23e: {  	v60 =	vsel vm15, $0x3F800000, v6;
	[tilespmem:s16+$0xF500] =	vst v59;
	v7 =	vmul.f32 v7, v59;
	v8 =	vadd.f32 v8, v10  }
0x23f: {  	v13 =	vadd.f32 v13, v23;
	v61 =	vmul.f32 v12, v60;
	[tilespmem:s16+$0xE500] =	vst v60;
	v63 =	vadd.f32 v15, v11  }
0x240: {  	v7 =	vadd.f32 v7, v62;
	[tilespmem:$0x10500] =	vst v8  }
0x241: {  	v10 =	vadd.f32 v61, v13;
	[tilespmem:$0x10510] =	vst v63  }
0x242: {  	[tilespmem:$0x10530] =	vst v7  }
0x243: {  	[tilespmem:$0x10520] =	vst v10  }
0x244: {  	[hbm4b:s7+s2] =	stream.linear.scatter [tilespmem:s13], [sflag:$0x1], $0x4000, $0x38;
	[tilespmem:$0x10580] =	vst v63  }
0x245: {  	s15 =	sadd.s32 $0x1, s15;
	_ =	swait.ge [sflag:s10], $0x4000  }
0x246: {  	p0 =	sne.s32 s15, s9;
	[sflag:s10] =	ssyncset.done $0x0  }
.Ltmp4:
0x247: {  	[sflag:s10] =	ssyncadd.s32 $0xFFFFC000;
	(pc) =	sbr.rel @p0 .LBB2_1-.Ltmp4, $4  }
0x248: {  	[hbm4b:s8+s2] =	stream.linear.scatter [tilespmem:s14], [sflag:$0x1], $0x40, $0x38;
	[tilespmem:$0x10580] =	vst v63  }
0x249: {  	_ =	swait.ge [sflag:s10], $0x40  }
0x24a: {  	[sflag:s10] =	ssyncset.done $0x0  }
0x24b: {  	[sflag:s10] =	ssyncadd.s32 $0xFFFFFFC0  }
0x24c: {  	_ =	sfence.sel $0x180000  }
0x24d: {  	[bflag:$0x0] =	sbarrier.arrive $0xFFFF  }
0x24e: {  	p0 =	sne.s32 s1, $0x0;
	_ =	strace $0x90000047  }
0x24f: {  	s0 =	sadd.s32 @!p0 $0x100000, s0;
	[bflag:$0x2] =	sbarrier.arrive $0xFFFF  }
0x250: {  	[sflag:s0] =	ssyncadd.tile.s32 @!p0 $0x1;
	_ =	shalt  }
.Lfunc_end2:
_tile_overlayer_lowered:
.L_overlay_start_2:
0x251: {  	(tag) =	ssettag $0x2  }
0x252: {  	s0 =	rddreg [dreg:$0x0];
	s2 =	stileid.u32  }
0x253: {  	s1 =	rddreg [dreg:$0x1];
	p0 =	sne.s32 s2, $0x0  }
0x254: {  	s3 =	rddreg [dreg:$0x2];
	[bflag:$0x3] =	sbarrier.arrive $0xFFFF;
	s2 =	simm.s32 @!p0 $0x1C01  }
0x255: {  	[timem:s3], [sflag:s2] =	dma.local @!p0 [hbm:s0], s1  }
0x256: {  	s0 =	simm.s32 @!p0 $0x1  }
0x257: {  	_ =	swait.ge @!p0 [sflag:s0], s1  }
0x258: {  	s1 =	ssub.s32 @!p0 $0x0, s1;
	[sflag:s0] =	ssyncset.done @!p0 $0x0  }
0x259: {  	[sflag:s0] =	ssyncadd.s32 @!p0 s1  }
0x25a: {  	[bflag:$0x3] =	sbarrier.arrive $0xFFFF  }
0x25b: {  	_ =	shalt  }

</sc_bundles>
